<compile_context>
chip_gen: v7x
topology: tpu7x:2x2x1
jax: 0.10.2.dev20260603
libtpu: 0.0.44.dev20260713+nightly
codegen_flags: <defaults>
</compile_context>

<pallas_src>
import dataclasses
import functools

import jax
import jax.numpy as jnp
from jax import lax
from jax.experimental import pallas as pl
from jax.experimental.pallas import tpu as pltpu
from jax.experimental.pallas import tpu_sc as plsc

N_NODES = 10000
N_EDGES = 160000
D = 256
DH = D // 2

NC = 2
NS = 16
LANES = 16
E_PER_SUB = N_EDGES // NS
CHUNK = 80
NCHUNK = E_PER_SUB // CHUNK
SUPER = 25
NSUPER = NCHUNK // SUPER
NPAIR = (NCHUNK - 1) // 2
ROWS_PER_SUB = N_NODES // NS
WB_ROWS = 624
HROWS = 80


def _sc_aggregate(h_stack, srcs, dsts):
    mesh = plsc.VectorSubcoreMesh(core_axis_name="c", subcore_axis_name="s")

    cp = pltpu.CompilerParams()
    if "needs_layout_passes" in pltpu.CompilerParams.__dataclass_fields__:
        cp = dataclasses.replace(cp, needs_layout_passes=False)

    @functools.partial(
        pl.kernel,
        compiler_params=cp,
        out_type=(
            jax.ShapeDtypeStruct((NC, N_NODES, DH), jnp.float32),
            jax.ShapeDtypeStruct((NC, HROWS, 128), jnp.float32),
        ),
        mesh=mesh,
        scratch_types=[
            pltpu.VMEM((SUPER, CHUNK), jnp.int32),
            pltpu.VMEM((SUPER, CHUNK), jnp.int32),
            pltpu.VMEM((SUPER, CHUNK), jnp.int32),
            pltpu.VMEM((SUPER, CHUNK), jnp.int32),
            pltpu.VMEM((CHUNK, DH), jnp.float32),
            pltpu.VMEM((CHUNK, DH), jnp.float32),
            pltpu.VMEM((HROWS, 128), jnp.float32),
            pltpu.VMEM((HROWS,), jnp.int32),
            pltpu.VMEM_SHARED((N_NODES, DH), jnp.float32),
            pltpu.VMEM_SHARED((HROWS, 128), jnp.float32),
            pltpu.SemaphoreType.DMA,
            pltpu.SemaphoreType.DMA,
            pltpu.SemaphoreType.DMA,
            pltpu.SemaphoreType.DMA,
            pltpu.SemaphoreType.DMA,
        ],
    )
    def agg(hs_hbm, srcs_hbm, dsts_hbm, sums_hbm, cnts_hbm,
            src0_v, src1_v, dst0_v, dst1_v, rows_a, rows_b, hist_v, lin_v,
            acc_s, deg_s, sem_ga, sem_gb, sem_sa, sem_sb, sem_idx):
        src_slots = (src0_v, src1_v)
        dst_slots = (dst0_v, dst1_v)
        c = lax.axis_index("c")
        s = lax.axis_index("s")

        zvec = jnp.zeros((LANES,), jnp.float32)
        hvec = jnp.full((LANES,), 0.5, jnp.float32)

        @pl.loop(0, CHUNK)
        def _(r):
            for cc in range(DH // LANES):
                rows_a[r, pl.ds(cc * LANES, LANES)] = zvec
            for cc in range(128 // LANES):
                hist_v[r, pl.ds(cc * LANES, LANES)] = zvec
        for k in range(HROWS // LANES):
            lin_v[pl.ds(k * LANES, LANES)] = lax.iota(jnp.int32, 16) + k * LANES

        @pl.loop(0, 7)
        def _(k):
            pltpu.sync_copy(rows_a,
                            acc_s.at[pl.ds(s * ROWS_PER_SUB + k * CHUNK, CHUNK)])
        pltpu.sync_copy(rows_a.at[pl.ds(0, ROWS_PER_SUB - 7 * CHUNK)],
                        acc_s.at[pl.ds(s * ROWS_PER_SUB + 7 * CHUNK,
                                       ROWS_PER_SUB - 7 * CHUNK)])
        pltpu.sync_copy(rows_a.at[pl.ds(0, HROWS // NS)],
                        deg_s.at[pl.ds(s * (HROWS // NS), HROWS // NS)])

        pltpu.sync_copy(srcs_hbm.at[c, s, 0], src0_v)
        pltpu.sync_copy(dsts_hbm.at[s, 0], dst0_v)
        pltpu.async_copy(hs_hbm.at[src0_v.at[0]], rows_a, sem_ga)
        pltpu.async_copy(hs_hbm.at[src0_v.at[1]], rows_b, sem_gb)

        plsc.subcore_barrier()

        def hist_update(slot, i):
            for k in range(CHUNK // LANES):
                d16 = dst_slots[slot][i, pl.ds(k * LANES, LANES)]
                plsc.addupdate_scatter(
                    hist_v,
                    [lax.shift_right_logical(d16, 7),
                     lax.bitwise_and(d16, 127)],
                    hvec)

        BUFS = ((rows_a, sem_ga, sem_sa), (rows_b, sem_gb, sem_sb))

        def drain_scatter(buf_ix):
            rbuf, _, ssem = BUFS[buf_ix]
            pltpu.make_async_copy(rbuf, acc_s.at[dst_slots[0].at[0]],
                                  ssem).wait()

        def step(sw, jl, buf_ix, issue_ahead):
            rbuf, gsem, ssem = BUFS[buf_ix]
            pltpu.make_async_copy(
                hs_hbm.at[src_slots[sw].at[jl]], rbuf, gsem).wait()
            pltpu.async_copy(rbuf, acc_s.at[dst_slots[sw].at[jl]], ssem,
                             add=True)
            hist_update(sw, jl)
            if issue_ahead:
                @pl.when(jl + 2 <= SUPER - 1)
                def _():
                    drain_scatter(buf_ix)
                    pltpu.async_copy(hs_hbm.at[src_slots[sw].at[jl + 2]],
                                     rbuf, gsem)

        for w in range(NSUPER):
            sw = w % 2
            b0 = w % 2
            if w + 1 < NSUPER:
                pltpu.async_copy(srcs_hbm.at[c, s, w + 1], src_slots[1 - sw],
                                 sem_idx)
                pltpu.async_copy(dsts_hbm.at[s, w + 1], dst_slots[1 - sw],
                                 sem_idx)

            @pl.loop(0, (SUPER - 1) // 2)
            def _(p, sw=sw, b0=b0):
                step(sw, 2 * p, b0, True)
                step(sw, 2 * p + 1, 1 - b0, True)

            step(sw, SUPER - 1, b0, False)

            if w + 1 < NSUPER:
                pltpu.make_async_copy(srcs_hbm.at[c, s, w + 1],
                                      src_slots[1 - sw], sem_idx).wait()
                pltpu.make_async_copy(dsts_hbm.at[s, w + 1],
                                      dst_slots[1 - sw], sem_idx).wait()
                drain_scatter(1 - b0)
                pltpu.async_copy(hs_hbm.at[src_slots[1 - sw].at[0]],
                                 BUFS[1 - b0][0], BUFS[1 - b0][1])
                drain_scatter(b0)
                pltpu.async_copy(hs_hbm.at[src_slots[1 - sw].at[1]],
                                 BUFS[b0][0], BUFS[b0][1])

        drain_scatter(0)
        drain_scatter(1)
        pltpu.sync_copy(hist_v, deg_s.at[lin_v], add=True)

        plsc.subcore_barrier()

        off = s * WB_ROWS
        pltpu.sync_copy(acc_s.at[pl.ds(off, WB_ROWS)],
                        sums_hbm.at[c, pl.ds(off, WB_ROWS)])

        @pl.when(s == NS - 1)
        def _():
            tail = NS * WB_ROWS
            pltpu.sync_copy(acc_s.at[pl.ds(tail, N_NODES - tail)],
                            sums_hbm.at[c, pl.ds(tail, N_NODES - tail)])

        @pl.when(s < HROWS // 8)
        def _():
            pltpu.sync_copy(deg_s.at[pl.ds(s * 8, 8)],
                            cnts_hbm.at[c, pl.ds(s * 8, 8)])

    return agg(h_stack, srcs, dsts)


BLK = 1000


def _finish(sums, cnts):
    deg_halves = jnp.reshape(cnts, (NC, HROWS * 128))[:, :N_NODES, None]

    def body(s_ref, c_ref, o_ref):
        deg = c_ref[0] + c_ref[1]
        norm = 1.0 / jnp.maximum(deg, 1.0)
        o_ref[:, :DH] = jnp.maximum(s_ref[0] * norm, 0.0)
        o_ref[:, DH:] = jnp.maximum(s_ref[1] * norm, 0.0)

    return pl.pallas_call(
        body,
        grid=(N_NODES // BLK,),
        in_specs=[
            pl.BlockSpec((NC, BLK, DH), lambda i: (0, i, 0)),
            pl.BlockSpec((NC, BLK, 1), lambda i: (0, i, 0)),
        ],
        out_specs=pl.BlockSpec((BLK, D), lambda i: (i, 0)),
        out_shape=jax.ShapeDtypeStruct((N_NODES, D), jnp.float32),
    )(sums, deg_halves)


def kernel(h, edge_index):
    src = edge_index[0]
    dst = edge_index[1]
    h_stack = jnp.reshape(h, (2 * N_NODES, DH))
    src2 = src * 2
    srcs = jnp.stack([src2, src2 + 1]).reshape(NC, NS, NSUPER, SUPER, CHUNK)
    dsts = dst.reshape(NS, NSUPER, SUPER, CHUNK)
    sums, cnts = _sc_aggregate(h_stack, srcs, dsts)
    return _finish(sums, cnts)

# --- scband reference (transcript-rebuilt; emitter-appended) ---
"""Pipeline reference for scband-sep-4252017623764 (READ-ONLY COPY).

The authoritative reference and input builder live on the scoring server;
editing this copy changes nothing except your own understanding.
"""

import jax, jax.numpy as jnp
import numpy as np

N_NODES = 10000
N_EDGES = 160000
D = 256


def setup_inputs(seed: int = 0) -> dict:
    key = jax.random.key(seed)
    k1, k2 = jax.random.split(key)
    h = jax.random.normal(k1, (N_NODES, D), dtype=jnp.float32)
    edge_index = jax.random.randint(k2, (2, N_EDGES), 0, N_NODES, dtype=jnp.int32)
    return {"h": h, "edge_index": edge_index}


def reference(h, edge_index):
    # DGL update_all(copy_u('h','m'), sum('m','h')) along etype (src -> dst):
    # gather source features per edge, scatter-add into destination nodes.
    src = edge_index[0]
    dst = edge_index[1]
    msg = jnp.take(h, src, axis=0)                      # copy_u: gather src features
    rst = jax.ops.segment_sum(msg, dst, num_segments=N_NODES)  # sum reduce at dst
    # in_degrees(etype).clamp(min=1) ** norm_2  (norm_2 = -1 default -> mean)
    ones = jnp.ones((N_EDGES,), dtype=jnp.float32)
    in_deg = jax.ops.segment_sum(ones, dst, num_segments=N_NODES)
    in_deg = jnp.maximum(in_deg, 1.0)
    norm = jnp.power(in_deg, -1.0)
    rst = rst * norm[:, None]
    # self.nn = Sequential(ReLU())
    return jax.nn.relu(rst)

if __name__ == "__main__":
    import jax
    _d = setup_inputs()
    print(jax.jit(kernel)(*tuple(_d.values())))

</pallas_src>

<mosaic_0001>
#map = affine_map<(d0, d1) -> (0, 0)>
#map1 = affine_map<(d0, d1) -> (0, 0, 0, 0, 0)>
#map2 = affine_map<(d0, d1) -> (0, 0, 0, 0)>
#map3 = affine_map<(d0, d1) -> (0, 0, 0)>
module attributes {stable_mosaic.version = 14 : i64} {
  func.func @agg(%arg0: i32, %arg1: i32, %arg2: memref<20000x128xf32, #tpu.memory_space<hbm>>, %arg3: memref<2x16x5x25x80xi32, #tpu.memory_space<hbm>>, %arg4: memref<16x5x25x80xi32, #tpu.memory_space<hbm>>, %arg5: memref<2x10000x128xf32, #tpu.memory_space<hbm>>, %arg6: memref<2x80x128xf32, #tpu.memory_space<hbm>>, %arg7: memref<25x80xi32, #tpu.memory_space<vmem>>, %arg8: memref<25x80xi32, #tpu.memory_space<vmem>>, %arg9: memref<25x80xi32, #tpu.memory_space<vmem>>, %arg10: memref<25x80xi32, #tpu.memory_space<vmem>>, %arg11: memref<80x128xf32, #tpu.memory_space<vmem>>, %arg12: memref<80x128xf32, #tpu.memory_space<vmem>>, %arg13: memref<80x128xf32, #tpu.memory_space<vmem>>, %arg14: memref<80xi32, #tpu.memory_space<vmem>>, %arg15: memref<10000x128xf32, #tpu.memory_space<vmem_shared>>, %arg16: memref<80x128xf32, #tpu.memory_space<vmem_shared>>, %arg17: memref<!tpu.dma_semaphore, #tpu.memory_space<semaphore_mem>>, %arg18: memref<!tpu.dma_semaphore, #tpu.memory_space<semaphore_mem>>, %arg19: memref<!tpu.dma_semaphore, #tpu.memory_space<semaphore_mem>>, %arg20: memref<!tpu.dma_semaphore, #tpu.memory_space<semaphore_mem>>, %arg21: memref<!tpu.dma_semaphore, #tpu.memory_space<semaphore_mem>>) attributes {dimension_semantics = [#tpu.dimension_semantics<core_parallel>, #tpu.dimension_semantics<subcore_parallel>], iteration_bounds = array<i64: 2, 16>, scalar_prefetch = 0 : i64, scratch_operands = 15 : i64, tpu.core_type = #tpu.core_type<sc_vector_subcore>, window_params = [{transform_indices = #map}, {transform_indices = #map1}, {transform_indices = #map2}, {transform_indices = #map3}, {transform_indices = #map3}]} {
    %broadcast_in_dim3A = arith.constant 0.000000e+00 : f32
    %broadcast_in_dim3A_0 = vector.broadcast %broadcast_in_dim3A : f32 to vector<16xf32>
    %broadcast_in_dim3A_1 = arith.constant 5.000000e-01 : f32
    %broadcast_in_dim3A_2 = vector.broadcast %broadcast_in_dim3A_1 : f32 to vector<16xf32>
    %scan3A = arith.constant 0 : i32
    %scan3A_3 = arith.constant 80 : i32
    %scan3A_4 = arith.addi %scan3A, %scan3A_3 : i32
    %scan3A_5 = arith.constant 1 : i32
    scf.for %scan3A_678 = %scan3A to %scan3A_4 step %scan3A_5  : i32 {
      %mul3A_679 = arith.constant 1 : i32
      %mul3A_680 = arith.muli %scan3A_678, %mul3A_679 : i32
      %add3A_681 = arith.constant 0 : i32
      %add3A_682 = arith.addi %add3A_681, %mul3A_680 : i32
      %swap3A_683 = arith.index_cast %add3A_682 : i32 to index
      %swap3A_684 = arith.constant 0 : index
      %swap3A_685 = tpu.vector_load %arg11[%swap3A_683, %swap3A_684] {strides = array<i32>} : memref<80x128xf32, #tpu.memory_space<vmem>>, vector<16xf32>,
      tpu.vector_store %arg11[%swap3A_683, %swap3A_684], %broadcast_in_dim3A_0 {strides = array<i32>} : memref<80x128xf32, #tpu.memory_space<vmem>>, vector<16xf32>,
      %swap3A_686 = arith.index_cast %add3A_682 : i32 to index
      %swap3A_687 = arith.constant 16 : index
      %swap3A_688 = tpu.vector_load %arg11[%swap3A_686, %swap3A_687] {strides = array<i32>} : memref<80x128xf32, #tpu.memory_space<vmem>>, vector<16xf32>,
      tpu.vector_store %arg11[%swap3A_686, %swap3A_687], %broadcast_in_dim3A_0 {strides = array<i32>} : memref<80x128xf32, #tpu.memory_space<vmem>>, vector<16xf32>,
      %swap3A_689 = arith.index_cast %add3A_682 : i32 to index
      %swap3A_690 = arith.constant 32 : index
      %swap3A_691 = tpu.vector_load %arg11[%swap3A_689, %swap3A_690] {strides = array<i32>} : memref<80x128xf32, #tpu.memory_space<vmem>>, vector<16xf32>,
      tpu.vector_store %arg11[%swap3A_689, %swap3A_690], %broadcast_in_dim3A_0 {strides = array<i32>} : memref<80x128xf32, #tpu.memory_space<vmem>>, vector<16xf32>,
      %swap3A_692 = arith.index_cast %add3A_682 : i32 to index
      %swap3A_693 = arith.constant 48 : index
      %swap3A_694 = tpu.vector_load %arg11[%swap3A_692, %swap3A_693] {strides = array<i32>} : memref<80x128xf32, #tpu.memory_space<vmem>>, vector<16xf32>,
      tpu.vector_store %arg11[%swap3A_692, %swap3A_693], %broadcast_in_dim3A_0 {strides = array<i32>} : memref<80x128xf32, #tpu.memory_space<vmem>>, vector<16xf32>,
      %swap3A_695 = arith.index_cast %add3A_682 : i32 to index
      %swap3A_696 = arith.constant 64 : index
      %swap3A_697 = tpu.vector_load %arg11[%swap3A_695, %swap3A_696] {strides = array<i32>} : memref<80x128xf32, #tpu.memory_space<vmem>>, vector<16xf32>,
      tpu.vector_store %arg11[%swap3A_695, %swap3A_696], %broadcast_in_dim3A_0 {strides = array<i32>} : memref<80x128xf32, #tpu.memory_space<vmem>>, vector<16xf32>,
      %swap3A_698 = arith.index_cast %add3A_682 : i32 to index
      %swap3A_699 = arith.constant 80 : index
      %swap3A_700 = tpu.vector_load %arg11[%swap3A_698, %swap3A_699] {strides = array<i32>} : memref<80x128xf32, #tpu.memory_space<vmem>>, vector<16xf32>,
      tpu.vector_store %arg11[%swap3A_698, %swap3A_699], %broadcast_in_dim3A_0 {strides = array<i32>} : memref<80x128xf32, #tpu.memory_space<vmem>>, vector<16xf32>,
      %swap3A_701 = arith.index_cast %add3A_682 : i32 to index
      %swap3A_702 = arith.constant 96 : index
      %swap3A_703 = tpu.vector_load %arg11[%swap3A_701, %swap3A_702] {strides = array<i32>} : memref<80x128xf32, #tpu.memory_space<vmem>>, vector<16xf32>,
      tpu.vector_store %arg11[%swap3A_701, %swap3A_702], %broadcast_in_dim3A_0 {strides = array<i32>} : memref<80x128xf32, #tpu.memory_space<vmem>>, vector<16xf32>,
      %swap3A_704 = arith.index_cast %add3A_682 : i32 to index
      %swap3A_705 = arith.constant 112 : index
      %swap3A_706 = tpu.vector_load %arg11[%swap3A_704, %swap3A_705] {strides = array<i32>} : memref<80x128xf32, #tpu.memory_space<vmem>>, vector<16xf32>,
      tpu.vector_store %arg11[%swap3A_704, %swap3A_705], %broadcast_in_dim3A_0 {strides = array<i32>} : memref<80x128xf32, #tpu.memory_space<vmem>>, vector<16xf32>,
      %swap3A_707 = arith.index_cast %add3A_682 : i32 to index
      %swap3A_708 = arith.constant 0 : index
      %swap3A_709 = tpu.vector_load %arg13[%swap3A_707, %swap3A_708] {strides = array<i32>} : memref<80x128xf32, #tpu.memory_space<vmem>>, vector<16xf32>,
      tpu.vector_store %arg13[%swap3A_707, %swap3A_708], %broadcast_in_dim3A_0 {strides = array<i32>} : memref<80x128xf32, #tpu.memory_space<vmem>>, vector<16xf32>,
      %swap3A_710 = arith.index_cast %add3A_682 : i32 to index
      %swap3A_711 = arith.constant 16 : index
      %swap3A_712 = tpu.vector_load %arg13[%swap3A_710, %swap3A_711] {strides = array<i32>} : memref<80x128xf32, #tpu.memory_space<vmem>>, vector<16xf32>,
      tpu.vector_store %arg13[%swap3A_710, %swap3A_711], %broadcast_in_dim3A_0 {strides = array<i32>} : memref<80x128xf32, #tpu.memory_space<vmem>>, vector<16xf32>,
      %swap3A_713 = arith.index_cast %add3A_682 : i32 to index
      %swap3A_714 = arith.constant 32 : index
      %swap3A_715 = tpu.vector_load %arg13[%swap3A_713, %swap3A_714] {strides = array<i32>} : memref<80x128xf32, #tpu.memory_space<vmem>>, vector<16xf32>,
      tpu.vector_store %arg13[%swap3A_713, %swap3A_714], %broadcast_in_dim3A_0 {strides = array<i32>} : memref<80x128xf32, #tpu.memory_space<vmem>>, vector<16xf32>,
      %swap3A_716 = arith.index_cast %add3A_682 : i32 to index
      %swap3A_717 = arith.constant 48 : index
      %swap3A_718 = tpu.vector_load %arg13[%swap3A_716, %swap3A_717] {strides = array<i32>} : memref<80x128xf32, #tpu.memory_space<vmem>>, vector<16xf32>,
      tpu.vector_store %arg13[%swap3A_716, %swap3A_717], %broadcast_in_dim3A_0 {strides = array<i32>} : memref<80x128xf32, #tpu.memory_space<vmem>>, vector<16xf32>,
      %swap3A_719 = arith.index_cast %add3A_682 : i32 to index
      %swap3A_720 = arith.constant 64 : index
      %swap3A_721 = tpu.vector_load %arg13[%swap3A_719, %swap3A_720] {strides = array<i32>} : memref<80x128xf32, #tpu.memory_space<vmem>>, vector<16xf32>,
      tpu.vector_store %arg13[%swap3A_719, %swap3A_720], %broadcast_in_dim3A_0 {strides = array<i32>} : memref<80x128xf32, #tpu.memory_space<vmem>>, vector<16xf32>,
      %swap3A_722 = arith.index_cast %add3A_682 : i32 to index
      %swap3A_723 = arith.constant 80 : index
      %swap3A_724 = tpu.vector_load %arg13[%swap3A_722, %swap3A_723] {strides = array<i32>} : memref<80x128xf32, #tpu.memory_space<vmem>>, vector<16xf32>,
      tpu.vector_store %arg13[%swap3A_722, %swap3A_723], %broadcast_in_dim3A_0 {strides = array<i32>} : memref<80x128xf32, #tpu.memory_space<vmem>>, vector<16xf32>,
      %swap3A_725 = arith.index_cast %add3A_682 : i32 to index
      %swap3A_726 = arith.constant 96 : index
      %swap3A_727 = tpu.vector_load %arg13[%swap3A_725, %swap3A_726] {strides = array<i32>} : memref<80x128xf32, #tpu.memory_space<vmem>>, vector<16xf32>,
      tpu.vector_store %arg13[%swap3A_725, %swap3A_726], %broadcast_in_dim3A_0 {strides = array<i32>} : memref<80x128xf32, #tpu.memory_space<vmem>>, vector<16xf32>,
      %swap3A_728 = arith.index_cast %add3A_682 : i32 to index
      %swap3A_729 = arith.constant 112 : index
      %swap3A_730 = tpu.vector_load %arg13[%swap3A_728, %swap3A_729] {strides = array<i32>} : memref<80x128xf32, #tpu.memory_space<vmem>>, vector<16xf32>,
      tpu.vector_store %arg13[%swap3A_728, %swap3A_729], %broadcast_in_dim3A_0 {strides = array<i32>} : memref<80x128xf32, #tpu.memory_space<vmem>>, vector<16xf32>,
    }
    %scan3A_6 = arith.constant 80 : i32
    %iota3A = tpu.iota {dimensions = array<i32: 0>} : vector<16xi32>
    %add3A = arith.constant 0 : i32
    %add3A_7 = vector.broadcast %add3A : i32 to vector<16xi32>
    %add3A_8 = arith.addi %iota3A, %add3A_7 : vector<16xi32>
    %swap3A = arith.constant 0 : index
    %swap3A_9 = tpu.vector_load %arg14[%swap3A] {strides = array<i32>} : memref<80xi32, #tpu.memory_space<vmem>>, vector<16xi32>,
    tpu.vector_store %arg14[%swap3A], %add3A_8 {strides = array<i32>} : memref<80xi32, #tpu.memory_space<vmem>>, vector<16xi32>,
    %iota3A_10 = tpu.iota {dimensions = array<i32: 0>} : vector<16xi32>
    %add3A_11 = arith.constant 16 : i32
    %add3A_12 = vector.broadcast %add3A_11 : i32 to vector<16xi32>
    %add3A_13 = arith.addi %iota3A_10, %add3A_12 : vector<16xi32>
    %swap3A_14 = arith.constant 16 : index
    %swap3A_15 = tpu.vector_load %arg14[%swap3A_14] {strides = array<i32>} : memref<80xi32, #tpu.memory_space<vmem>>, vector<16xi32>,
    tpu.vector_store %arg14[%swap3A_14], %add3A_13 {strides = array<i32>} : memref<80xi32, #tpu.memory_space<vmem>>, vector<16xi32>,
    %iota3A_16 = tpu.iota {dimensions = array<i32: 0>} : vector<16xi32>
    %add3A_17 = arith.constant 32 : i32
    %add3A_18 = vector.broadcast %add3A_17 : i32 to vector<16xi32>
    %add3A_19 = arith.addi %iota3A_16, %add3A_18 : vector<16xi32>
    %swap3A_20 = arith.constant 32 : index
    %swap3A_21 = tpu.vector_load %arg14[%swap3A_20] {strides = array<i32>} : memref<80xi32, #tpu.memory_space<vmem>>, vector<16xi32>,
    tpu.vector_store %arg14[%swap3A_20], %add3A_19 {strides = array<i32>} : memref<80xi32, #tpu.memory_space<vmem>>, vector<16xi32>,
    %iota3A_22 = tpu.iota {dimensions = array<i32: 0>} : vector<16xi32>
    %add3A_23 = arith.constant 48 : i32
    %add3A_24 = vector.broadcast %add3A_23 : i32 to vector<16xi32>
    %add3A_25 = arith.addi %iota3A_22, %add3A_24 : vector<16xi32>
    %swap3A_26 = arith.constant 48 : index
    %swap3A_27 = tpu.vector_load %arg14[%swap3A_26] {strides = array<i32>} : memref<80xi32, #tpu.memory_space<vmem>>, vector<16xi32>,
    tpu.vector_store %arg14[%swap3A_26], %add3A_25 {strides = array<i32>} : memref<80xi32, #tpu.memory_space<vmem>>, vector<16xi32>,
    %iota3A_28 = tpu.iota {dimensions = array<i32: 0>} : vector<16xi32>
    %add3A_29 = arith.constant 64 : i32
    %add3A_30 = vector.broadcast %add3A_29 : i32 to vector<16xi32>
    %add3A_31 = arith.addi %iota3A_28, %add3A_30 : vector<16xi32>
    %swap3A_32 = arith.constant 64 : index
    %swap3A_33 = tpu.vector_load %arg14[%swap3A_32] {strides = array<i32>} : memref<80xi32, #tpu.memory_space<vmem>>, vector<16xi32>,
    tpu.vector_store %arg14[%swap3A_32], %add3A_31 {strides = array<i32>} : memref<80xi32, #tpu.memory_space<vmem>>, vector<16xi32>,
    %scan3A_34 = arith.constant 0 : i32
    %scan3A_35 = arith.constant 7 : i32
    %scan3A_36 = arith.addi %scan3A_34, %scan3A_35 : i32
    %scan3A_37 = arith.constant 1 : i32
    scf.for %scan3A_678 = %scan3A_34 to %scan3A_36 step %scan3A_37  : i32 {
      %mul3A_679 = arith.constant 1 : i32
      %mul3A_680 = arith.muli %scan3A_678, %mul3A_679 : i32
      %add3A_681 = arith.constant 0 : i32
      %add3A_682 = arith.addi %add3A_681, %mul3A_680 : i32
      %mul3A_683 = arith.constant 625 : i32
      %mul3A_684 = arith.muli %arg1, %mul3A_683 : i32
      %mul3A_685 = arith.constant 80 : i32
      %mul3A_686 = arith.muli %add3A_682, %mul3A_685 : i32
      %add3A_687 = arith.addi %mul3A_684, %mul3A_686 : i32
      "tpu.region"() ({
        %run_scoped3A_688 = tpu.sem_alloc : memref<!tpu.dma_semaphore, #tpu.memory_space<semaphore_mem>>
        %dma_start3A_689 = arith.constant 0 : i32
        %dma_start3A_690 = tpu.memref_slice %arg15[%add3A_687, %dma_start3A_689] : memref<10000x128xf32, #tpu.memory_space<vmem_shared>> -> memref<80x128xf32, #tpu.memory_space<vmem_shared>>
        %dma_start3A_691 = arith.constant 0 : i32
        %dma_start3A_692 = tpu.memref_slice %arg15[%add3A_687, %dma_start3A_691] : memref<10000x128xf32, #tpu.memory_space<vmem_shared>> -> memref<80x128xf32, #tpu.memory_space<vmem_shared>>
        tpu.enqueue_dma source(%arg11 : memref<80x128xf32, #tpu.memory_space<vmem>>) target(%dma_start3A_692 : memref<80x128xf32, #tpu.memory_space<vmem_shared>>) target_semaphore(%run_scoped3A_688 : memref<!tpu.dma_semaphore, #tpu.memory_space<semaphore_mem>>)
        %dma_wait3A_693 = arith.constant 0 : i32
        %dma_wait3A_694 = tpu.memref_slice %arg15[%add3A_687, %dma_wait3A_693] : memref<10000x128xf32, #tpu.memory_space<vmem_shared>> -> memref<80x128xf32, #tpu.memory_space<vmem_shared>>
        %dma_wait3A_695 = arith.constant 0 : i32
        %dma_wait3A_696 = tpu.memref_slice %arg15[%add3A_687, %dma_wait3A_695] : memref<10000x128xf32, #tpu.memory_space<vmem_shared>> -> memref<80x128xf32, #tpu.memory_space<vmem_shared>>
        tpu.wait_dma2 semaphore(%run_scoped3A_688 : memref<!tpu.dma_semaphore, #tpu.memory_space<semaphore_mem>>) src(%arg11 : memref<80x128xf32, #tpu.memory_space<vmem>>) dst(%dma_wait3A_696 : memref<80x128xf32, #tpu.memory_space<vmem_shared>>)
        tpu.yield
      }) : () -> ()
    }
    %scan3A_38 = arith.constant 7 : i32
    %mul3A = arith.constant 625 : i32
    %mul3A_39 = arith.muli %arg1, %mul3A : i32
    %add3A_40 = arith.constant 560 : i32
    %add3A_41 = arith.addi %mul3A_39, %add3A_40 : i32
    "tpu.region"() ({
      %run_scoped3A_678 = tpu.sem_alloc : memref<!tpu.dma_semaphore, #tpu.memory_space<semaphore_mem>>
      %dma_start3A_679 = arith.constant 0 : i32
      %dma_start3A_680 = arith.constant 0 : i32
      %dma_start3A_681 = tpu.memref_slice %arg11[%dma_start3A_679, %dma_start3A_680] : memref<80x128xf32, #tpu.memory_space<vmem>> -> memref<65x128xf32, #tpu.memory_space<vmem>>
      %dma_start3A_682 = arith.constant 0 : i32
      %dma_start3A_683 = tpu.memref_slice %arg15[%add3A_41, %dma_start3A_682] : memref<10000x128xf32, #tpu.memory_space<vmem_shared>> -> memref<65x128xf32, #tpu.memory_space<vmem_shared>>
      %dma_start3A_684 = arith.constant 0 : i32
      %dma_start3A_685 = tpu.memref_slice %arg15[%add3A_41, %dma_start3A_684] : memref<10000x128xf32, #tpu.memory_space<vmem_shared>> -> memref<65x128xf32, #tpu.memory_space<vmem_shared>>
      %dma_start3A_686 = arith.constant 0 : i32
      %dma_start3A_687 = arith.constant 0 : i32
      %dma_start3A_688 = tpu.memref_slice %arg11[%dma_start3A_686, %dma_start3A_687] : memref<80x128xf32, #tpu.memory_space<vmem>> -> memref<65x128xf32, #tpu.memory_space<vmem>>
      tpu.enqueue_dma source(%dma_start3A_688 : memref<65x128xf32, #tpu.memory_space<vmem>>) target(%dma_start3A_685 : memref<65x128xf32, #tpu.memory_space<vmem_shared>>) target_semaphore(%run_scoped3A_678 : memref<!tpu.dma_semaphore, #tpu.memory_space<semaphore_mem>>)
      %dma_wait3A_689 = arith.constant 0 : i32
      %dma_wait3A_690 = arith.constant 0 : i32
      %dma_wait3A_691 = tpu.memref_slice %arg11[%dma_wait3A_689, %dma_wait3A_690] : memref<80x128xf32, #tpu.memory_space<vmem>> -> memref<65x128xf32, #tpu.memory_space<vmem>>
      %dma_wait3A_692 = arith.constant 0 : i32
      %dma_wait3A_693 = tpu.memref_slice %arg15[%add3A_41, %dma_wait3A_692] : memref<10000x128xf32, #tpu.memory_space<vmem_shared>> -> memref<65x128xf32, #tpu.memory_space<vmem_shared>>
      %dma_wait3A_694 = arith.constant 0 : i32
      %dma_wait3A_695 = tpu.memref_slice %arg15[%add3A_41, %dma_wait3A_694] : memref<10000x128xf32, #tpu.memory_space<vmem_shared>> -> memref<65x128xf32, #tpu.memory_space<vmem_shared>>
      %dma_wait3A_696 = arith.constant 0 : i32
      %dma_wait3A_697 = arith.constant 0 : i32
      %dma_wait3A_698 = tpu.memref_slice %arg11[%dma_wait3A_696, %dma_wait3A_697] : memref<80x128xf32, #tpu.memory_space<vmem>> -> memref<65x128xf32, #tpu.memory_space<vmem>>
      tpu.wait_dma2 semaphore(%run_scoped3A_678 : memref<!tpu.dma_semaphore, #tpu.memory_space<semaphore_mem>>) src(%dma_wait3A_698 : memref<65x128xf32, #tpu.memory_space<vmem>>) dst(%dma_wait3A_695 : memref<65x128xf32, #tpu.memory_space<vmem_shared>>)
      tpu.yield
    }) : () -> ()
    %mul3A_42 = arith.constant 5 : i32
    %mul3A_43 = arith.muli %arg1, %mul3A_42 : i32
    "tpu.region"() ({
      %run_scoped3A_678 = tpu.sem_alloc : memref<!tpu.dma_semaphore, #tpu.memory_space<semaphore_mem>>
      %dma_start3A_679 = arith.constant 0 : i32
      %dma_start3A_680 = arith.constant 0 : i32
      %dma_start3A_681 = tpu.memref_slice %arg11[%dma_start3A_679, %dma_start3A_680] : memref<80x128xf32, #tpu.memory_space<vmem>> -> memref<5x128xf32, #tpu.memory_space<vmem>>
      %dma_start3A_682 = arith.constant 0 : i32
      %dma_start3A_683 = tpu.memref_slice %arg16[%mul3A_43, %dma_start3A_682] : memref<80x128xf32, #tpu.memory_space<vmem_shared>> -> memref<5x128xf32, #tpu.memory_space<vmem_shared>>
      %dma_start3A_684 = arith.constant 0 : i32
      %dma_start3A_685 = tpu.memref_slice %arg16[%mul3A_43, %dma_start3A_684] : memref<80x128xf32, #tpu.memory_space<vmem_shared>> -> memref<5x128xf32, #tpu.memory_space<vmem_shared>>
      %dma_start3A_686 = arith.constant 0 : i32
      %dma_start3A_687 = arith.constant 0 : i32
      %dma_start3A_688 = tpu.memref_slice %arg11[%dma_start3A_686, %dma_start3A_687] : memref<80x128xf32, #tpu.memory_space<vmem>> -> memref<5x128xf32, #tpu.memory_space<vmem>>
      tpu.enqueue_dma source(%dma_start3A_688 : memref<5x128xf32, #tpu.memory_space<vmem>>) target(%dma_start3A_685 : memref<5x128xf32, #tpu.memory_space<vmem_shared>>) target_semaphore(%run_scoped3A_678 : memref<!tpu.dma_semaphore, #tpu.memory_space<semaphore_mem>>)
      %dma_wait3A_689 = arith.constant 0 : i32
      %dma_wait3A_690 = arith.constant 0 : i32
      %dma_wait3A_691 = tpu.memref_slice %arg11[%dma_wait3A_689, %dma_wait3A_690] : memref<80x128xf32, #tpu.memory_space<vmem>> -> memref<5x128xf32, #tpu.memory_space<vmem>>
      %dma_wait3A_692 = arith.constant 0 : i32
      %dma_wait3A_693 = tpu.memref_slice %arg16[%mul3A_43, %dma_wait3A_692] : memref<80x128xf32, #tpu.memory_space<vmem_shared>> -> memref<5x128xf32, #tpu.memory_space<vmem_shared>>
      %dma_wait3A_694 = arith.constant 0 : i32
      %dma_wait3A_695 = tpu.memref_slice %arg16[%mul3A_43, %dma_wait3A_694] : memref<80x128xf32, #tpu.memory_space<vmem_shared>> -> memref<5x128xf32, #tpu.memory_space<vmem_shared>>
      %dma_wait3A_696 = arith.constant 0 : i32
      %dma_wait3A_697 = arith.constant 0 : i32
      %dma_wait3A_698 = tpu.memref_slice %arg11[%dma_wait3A_696, %dma_wait3A_697] : memref<80x128xf32, #tpu.memory_space<vmem>> -> memref<5x128xf32, #tpu.memory_space<vmem>>
      tpu.wait_dma2 semaphore(%run_scoped3A_678 : memref<!tpu.dma_semaphore, #tpu.memory_space<semaphore_mem>>) src(%dma_wait3A_698 : memref<5x128xf32, #tpu.memory_space<vmem>>) dst(%dma_wait3A_695 : memref<5x128xf32, #tpu.memory_space<vmem_shared>>)
      tpu.yield
    }) : () -> ()
    %run_scoped3A = arith.constant 0 : i32
    "tpu.region"() ({
      %run_scoped3A_678 = tpu.sem_alloc : memref<!tpu.dma_semaphore, #tpu.memory_space<semaphore_mem>>
      %dma_start3A_679 = arith.constant 0 : i32
      %dma_start3A_680 = arith.constant 0 : i32
      %dma_start3A_681 = tpu.memref_slice %arg3[%arg0, %arg1, %run_scoped3A, %dma_start3A_679, %dma_start3A_680] : memref<2x16x5x25x80xi32, #tpu.memory_space<hbm>> -> memref<1x1x1x25x80xi32, #tpu.memory_space<hbm>>
      %dma_start3A_682 = tpu.memref_squeeze %dma_start3A_681 : memref<1x1x1x25x80xi32, #tpu.memory_space<hbm>> -> memref<25x80xi32, #tpu.memory_space<hbm>>
      %dma_start3A_683 = arith.constant 0 : i32
      %dma_start3A_684 = arith.constant 0 : i32
      %dma_start3A_685 = tpu.memref_slice %arg3[%arg0, %arg1, %run_scoped3A, %dma_start3A_683, %dma_start3A_684] : memref<2x16x5x25x80xi32, #tpu.memory_space<hbm>> -> memref<1x1x1x25x80xi32, #tpu.memory_space<hbm>>
      %dma_start3A_686 = tpu.memref_squeeze %dma_start3A_685 : memref<1x1x1x25x80xi32, #tpu.memory_space<hbm>> -> memref<25x80xi32, #tpu.memory_space<hbm>>
      tpu.enqueue_dma source(%dma_start3A_686 : memref<25x80xi32, #tpu.memory_space<hbm>>) target(%arg7 : memref<25x80xi32, #tpu.memory_space<vmem>>) target_semaphore(%run_scoped3A_678 : memref<!tpu.dma_semaphore, #tpu.memory_space<semaphore_mem>>)
      %dma_wait3A_687 = arith.constant 0 : i32
      %dma_wait3A_688 = arith.constant 0 : i32
      %dma_wait3A_689 = tpu.memref_slice %arg3[%arg0, %arg1, %run_scoped3A, %dma_wait3A_687, %dma_wait3A_688] : memref<2x16x5x25x80xi32, #tpu.memory_space<hbm>> -> memref<1x1x1x25x80xi32, #tpu.memory_space<hbm>>
      %dma_wait3A_690 = tpu.memref_squeeze %dma_wait3A_689 : memref<1x1x1x25x80xi32, #tpu.memory_space<hbm>> -> memref<25x80xi32, #tpu.memory_space<hbm>>
      %dma_wait3A_691 = arith.constant 0 : i32
      %dma_wait3A_692 = arith.constant 0 : i32
      %dma_wait3A_693 = tpu.memref_slice %arg3[%arg0, %arg1, %run_scoped3A, %dma_wait3A_691, %dma_wait3A_692] : memref<2x16x5x25x80xi32, #tpu.memory_space<hbm>> -> memref<1x1x1x25x80xi32, #tpu.memory_space<hbm>>
      %dma_wait3A_694 = tpu.memref_squeeze %dma_wait3A_693 : memref<1x1x1x25x80xi32, #tpu.memory_space<hbm>> -> memref<25x80xi32, #tpu.memory_space<hbm>>
      tpu.wait_dma2 semaphore(%run_scoped3A_678 : memref<!tpu.dma_semaphore, #tpu.memory_space<semaphore_mem>>) src(%dma_wait3A_694 : memref<25x80xi32, #tpu.memory_space<hbm>>) dst(%arg7 : memref<25x80xi32, #tpu.memory_space<vmem>>)
      tpu.yield
    }) : () -> ()
    %run_scoped3A_44 = arith.constant 0 : i32
    "tpu.region"() ({
      %run_scoped3A_678 = tpu.sem_alloc : memref<!tpu.dma_semaphore, #tpu.memory_space<semaphore_mem>>
      %dma_start3A_679 = arith.constant 0 : i32
      %dma_start3A_680 = arith.constant 0 : i32
      %dma_start3A_681 = tpu.memref_slice %arg4[%arg1, %run_scoped3A_44, %dma_start3A_679, %dma_start3A_680] : memref<16x5x25x80xi32, #tpu.memory_space<hbm>> -> memref<1x1x25x80xi32, #tpu.memory_space<hbm>>
      %dma_start3A_682 = tpu.memref_squeeze %dma_start3A_681 : memref<1x1x25x80xi32, #tpu.memory_space<hbm>> -> memref<25x80xi32, #tpu.memory_space<hbm>>
      %dma_start3A_683 = arith.constant 0 : i32
      %dma_start3A_684 = arith.constant 0 : i32
      %dma_start3A_685 = tpu.memref_slice %arg4[%arg1, %run_scoped3A_44, %dma_start3A_683, %dma_start3A_684] : memref<16x5x25x80xi32, #tpu.memory_space<hbm>> -> memref<1x1x25x80xi32, #tpu.memory_space<hbm>>
      %dma_start3A_686 = tpu.memref_squeeze %dma_start3A_685 : memref<1x1x25x80xi32, #tpu.memory_space<hbm>> -> memref<25x80xi32, #tpu.memory_space<hbm>>
      tpu.enqueue_dma source(%dma_start3A_686 : memref<25x80xi32, #tpu.memory_space<hbm>>) target(%arg9 : memref<25x80xi32, #tpu.memory_space<vmem>>) target_semaphore(%run_scoped3A_678 : memref<!tpu.dma_semaphore, #tpu.memory_space<semaphore_mem>>)
      %dma_wait3A_687 = arith.constant 0 : i32
      %dma_wait3A_688 = arith.constant 0 : i32
      %dma_wait3A_689 = tpu.memref_slice %arg4[%arg1, %run_scoped3A_44, %dma_wait3A_687, %dma_wait3A_688] : memref<16x5x25x80xi32, #tpu.memory_space<hbm>> -> memref<1x1x25x80xi32, #tpu.memory_space<hbm>>
      %dma_wait3A_690 = tpu.memref_squeeze %dma_wait3A_689 : memref<1x1x25x80xi32, #tpu.memory_space<hbm>> -> memref<25x80xi32, #tpu.memory_space<hbm>>
      %dma_wait3A_691 = arith.constant 0 : i32
      %dma_wait3A_692 = arith.constant 0 : i32
      %dma_wait3A_693 = tpu.memref_slice %arg4[%arg1, %run_scoped3A_44, %dma_wait3A_691, %dma_wait3A_692] : memref<16x5x25x80xi32, #tpu.memory_space<hbm>> -> memref<1x1x25x80xi32, #tpu.memory_space<hbm>>
      %dma_wait3A_694 = tpu.memref_squeeze %dma_wait3A_693 : memref<1x1x25x80xi32, #tpu.memory_space<hbm>> -> memref<25x80xi32, #tpu.memory_space<hbm>>
      tpu.wait_dma2 semaphore(%run_scoped3A_678 : memref<!tpu.dma_semaphore, #tpu.memory_space<semaphore_mem>>) src(%dma_wait3A_694 : memref<25x80xi32, #tpu.memory_space<hbm>>) dst(%arg9 : memref<25x80xi32, #tpu.memory_space<vmem>>)
      tpu.yield
    }) : () -> ()
    %dma_start3A = arith.constant 0 : i32
    %dma_start3A_45 = arith.constant 0 : i32
    %dma_start3A_46 = tpu.memref_slice %arg7[%dma_start3A, %dma_start3A_45] : memref<25x80xi32, #tpu.memory_space<vmem>> -> memref<1x80xi32, #tpu.memory_space<vmem>>
    %dma_start3A_47 = tpu.memref_squeeze %dma_start3A_46 : memref<1x80xi32, #tpu.memory_space<vmem>> -> memref<80xi32, #tpu.memory_space<vmem>>
    %dma_start3A_48 = arith.constant 0 : i32
    %dma_start3A_49 = arith.constant 0 : i32
    %dma_start3A_50 = tpu.memref_slice %arg2[%dma_start3A_48, %dma_start3A_49] : memref<20000x128xf32, #tpu.memory_space<hbm>> -> memref<20000x128xf32, #tpu.memory_space<hbm>>
    tpu.enqueue_indirect_dma source(%dma_start3A_50 : memref<20000x128xf32, #tpu.memory_space<hbm>>) target(%arg11 : memref<80x128xf32, #tpu.memory_space<vmem>>) offsets(%dma_start3A_47 : memref<80xi32, #tpu.memory_space<vmem>>) semaphore(%arg17 : memref<!tpu.dma_semaphore, #tpu.memory_space<semaphore_mem>>)
    %dma_start3A_51 = arith.constant 1 : i32
    %dma_start3A_52 = arith.constant 0 : i32
    %dma_start3A_53 = tpu.memref_slice %arg7[%dma_start3A_51, %dma_start3A_52] : memref<25x80xi32, #tpu.memory_space<vmem>> -> memref<1x80xi32, #tpu.memory_space<vmem>>
    %dma_start3A_54 = tpu.memref_squeeze %dma_start3A_53 : memref<1x80xi32, #tpu.memory_space<vmem>> -> memref<80xi32, #tpu.memory_space<vmem>>
    %dma_start3A_55 = arith.constant 0 : i32
    %dma_start3A_56 = arith.constant 0 : i32
    %dma_start3A_57 = tpu.memref_slice %arg2[%dma_start3A_55, %dma_start3A_56] : memref<20000x128xf32, #tpu.memory_space<hbm>> -> memref<20000x128xf32, #tpu.memory_space<hbm>>
    tpu.enqueue_indirect_dma source(%dma_start3A_57 : memref<20000x128xf32, #tpu.memory_space<hbm>>) target(%arg12 : memref<80x128xf32, #tpu.memory_space<vmem>>) offsets(%dma_start3A_54 : memref<80xi32, #tpu.memory_space<vmem>>) semaphore(%arg18 : memref<!tpu.dma_semaphore, #tpu.memory_space<semaphore_mem>>)
    %barrier3A = arith.constant 0 : index
    tpu.barrier barrier_id(%barrier3A)
    %dma_start3A_58 = arith.constant 1 : i32
    %dma_start3A_59 = arith.constant 0 : i32
    %dma_start3A_60 = arith.constant 0 : i32
    %dma_start3A_61 = tpu.memref_slice %arg3[%arg0, %arg1, %dma_start3A_58, %dma_start3A_59, %dma_start3A_60] : memref<2x16x5x25x80xi32, #tpu.memory_space<hbm>> -> memref<1x1x1x25x80xi32, #tpu.memory_space<hbm>>
    %dma_start3A_62 = tpu.memref_squeeze %dma_start3A_61 : memref<1x1x1x25x80xi32, #tpu.memory_space<hbm>> -> memref<25x80xi32, #tpu.memory_space<hbm>>
    %dma_start3A_63 = arith.constant 0 : i32
    %dma_start3A_64 = arith.constant 0 : i32
    %dma_start3A_65 = tpu.memref_slice %arg3[%arg0, %arg1, %dma_start3A_58, %dma_start3A_63, %dma_start3A_64] : memref<2x16x5x25x80xi32, #tpu.memory_space<hbm>> -> memref<1x1x1x25x80xi32, #tpu.memory_space<hbm>>
    %dma_start3A_66 = tpu.memref_squeeze %dma_start3A_65 : memref<1x1x1x25x80xi32, #tpu.memory_space<hbm>> -> memref<25x80xi32, #tpu.memory_space<hbm>>
    tpu.enqueue_dma source(%dma_start3A_66 : memref<25x80xi32, #tpu.memory_space<hbm>>) target(%arg8 : memref<25x80xi32, #tpu.memory_space<vmem>>) target_semaphore(%arg21 : memref<!tpu.dma_semaphore, #tpu.memory_space<semaphore_mem>>)
    %dma_start3A_67 = arith.constant 1 : i32
    %dma_start3A_68 = arith.constant 0 : i32
    %dma_start3A_69 = arith.constant 0 : i32
    %dma_start3A_70 = tpu.memref_slice %arg4[%arg1, %dma_start3A_67, %dma_start3A_68, %dma_start3A_69] : memref<16x5x25x80xi32, #tpu.memory_space<hbm>> -> memref<1x1x25x80xi32, #tpu.memory_space<hbm>>
    %dma_start3A_71 = tpu.memref_squeeze %dma_start3A_70 : memref<1x1x25x80xi32, #tpu.memory_space<hbm>> -> memref<25x80xi32, #tpu.memory_space<hbm>>
    %dma_start3A_72 = arith.constant 0 : i32
    %dma_start3A_73 = arith.constant 0 : i32
    %dma_start3A_74 = tpu.memref_slice %arg4[%arg1, %dma_start3A_67, %dma_start3A_72, %dma_start3A_73] : memref<16x5x25x80xi32, #tpu.memory_space<hbm>> -> memref<1x1x25x80xi32, #tpu.memory_space<hbm>>
    %dma_start3A_75 = tpu.memref_squeeze %dma_start3A_74 : memref<1x1x25x80xi32, #tpu.memory_space<hbm>> -> memref<25x80xi32, #tpu.memory_space<hbm>>
    tpu.enqueue_dma source(%dma_start3A_75 : memref<25x80xi32, #tpu.memory_space<hbm>>) target(%arg10 : memref<25x80xi32, #tpu.memory_space<vmem>>) target_semaphore(%arg21 : memref<!tpu.dma_semaphore, #tpu.memory_space<semaphore_mem>>)
    %scan3A_76 = arith.constant 0 : i32
    %scan3A_77 = arith.constant 12 : i32
    %scan3A_78 = arith.addi %scan3A_76, %scan3A_77 : i32
    %scan3A_79 = arith.constant 1 : i32
    scf.for %scan3A_678 = %scan3A_76 to %scan3A_78 step %scan3A_79  : i32 {
      %mul3A_679 = arith.constant 1 : i32
      %mul3A_680 = arith.muli %scan3A_678, %mul3A_679 : i32
      %add3A_681 = arith.constant 0 : i32
      %add3A_682 = arith.addi %add3A_681, %mul3A_680 : i32
      %mul3A_683 = arith.constant 2 : i32
      %mul3A_684 = arith.muli %mul3A_683, %add3A_682 : i32
      %dma_wait3A_685 = arith.constant 0 : i32
      %dma_wait3A_686 = tpu.memref_slice %arg7[%mul3A_684, %dma_wait3A_685] : memref<25x80xi32, #tpu.memory_space<vmem>> -> memref<1x80xi32, #tpu.memory_space<vmem>>
      %dma_wait3A_687 = tpu.memref_squeeze %dma_wait3A_686 : memref<1x80xi32, #tpu.memory_space<vmem>> -> memref<80xi32, #tpu.memory_space<vmem>>
      %dma_wait3A_688 = arith.constant 0 : i32
      %dma_wait3A_689 = arith.constant 0 : i32
      %dma_wait3A_690 = tpu.memref_slice %arg2[%dma_wait3A_688, %dma_wait3A_689] : memref<20000x128xf32, #tpu.memory_space<hbm>> -> memref<20000x128xf32, #tpu.memory_space<hbm>>
      tpu.wait_indirect_dma semaphore(%arg17 : memref<!tpu.dma_semaphore, #tpu.memory_space<semaphore_mem>>) src(%dma_wait3A_690 : memref<20000x128xf32, #tpu.memory_space<hbm>>) dst(%arg11 : memref<80x128xf32, #tpu.memory_space<vmem>>)
      %dma_start3A_691 = arith.constant 0 : i32
      %dma_start3A_692 = tpu.memref_slice %arg9[%mul3A_684, %dma_start3A_691] : memref<25x80xi32, #tpu.memory_space<vmem>> -> memref<1x80xi32, #tpu.memory_space<vmem>>
      %dma_start3A_693 = tpu.memref_squeeze %dma_start3A_692 : memref<1x80xi32, #tpu.memory_space<vmem>> -> memref<80xi32, #tpu.memory_space<vmem>>
      %dma_start3A_694 = arith.constant 0 : i32
      %dma_start3A_695 = arith.constant 0 : i32
      %dma_start3A_696 = tpu.memref_slice %arg15[%dma_start3A_694, %dma_start3A_695] : memref<10000x128xf32, #tpu.memory_space<vmem_shared>> -> memref<10000x128xf32, #tpu.memory_space<vmem_shared>>
      tpu.enqueue_indirect_dma source(%arg11 : memref<80x128xf32, #tpu.memory_space<vmem>>) target(%dma_start3A_696 : memref<10000x128xf32, #tpu.memory_space<vmem_shared>>) offsets(%dma_start3A_693 : memref<80xi32, #tpu.memory_space<vmem>>) semaphore(%arg19 : memref<!tpu.dma_semaphore, #tpu.memory_space<semaphore_mem>>) {add = true}
      %get3A_697 = arith.index_cast %mul3A_684 : i32 to index
      %get3A_698 = arith.constant 0 : index
      %get3A_699 = tpu.vector_load %arg9[%get3A_697, %get3A_698] {strides = array<i32>} : memref<25x80xi32, #tpu.memory_space<vmem>>, vector<16xi32>,
      %shift_right_logical3A_700 = arith.constant 7 : i32
      %shift_right_logical3A_701 = vector.broadcast %shift_right_logical3A_700 : i32 to vector<16xi32>
      %shift_right_logical3A_702 = arith.shrui %get3A_699, %shift_right_logical3A_701 : vector<16xi32>
      %and3A_703 = arith.constant 127 : i32
      %and3A_704 = vector.broadcast %and3A_703 : i32 to vector<16xi32>
      %and3A_705 = arith.andi %get3A_699, %and3A_704 : vector<16xi32>
      tpu.vector_store_idx %arg13[%shift_right_logical3A_702, %and3A_705], %broadcast_in_dim3A_2 {add = true} : memref<80x128xf32, #tpu.memory_space<vmem>>[vector<16xi32>, vector<16xi32>], vector<16xf32>,
      %get3A_706 = arith.index_cast %mul3A_684 : i32 to index
      %get3A_707 = arith.constant 16 : index
      %get3A_708 = tpu.vector_load %arg9[%get3A_706, %get3A_707] {strides = array<i32>} : memref<25x80xi32, #tpu.memory_space<vmem>>, vector<16xi32>,
      %shift_right_logical3A_709 = arith.constant 7 : i32
      %shift_right_logical3A_710 = vector.broadcast %shift_right_logical3A_709 : i32 to vector<16xi32>
      %shift_right_logical3A_711 = arith.shrui %get3A_708, %shift_right_logical3A_710 : vector<16xi32>
      %and3A_712 = arith.constant 127 : i32
      %and3A_713 = vector.broadcast %and3A_712 : i32 to vector<16xi32>
      %and3A_714 = arith.andi %get3A_708, %and3A_713 : vector<16xi32>
      tpu.vector_store_idx %arg13[%shift_right_logical3A_711, %and3A_714], %broadcast_in_dim3A_2 {add = true} : memref<80x128xf32, #tpu.memory_space<vmem>>[vector<16xi32>, vector<16xi32>], vector<16xf32>,
      %get3A_715 = arith.index_cast %mul3A_684 : i32 to index
      %get3A_716 = arith.constant 32 : index
      %get3A_717 = tpu.vector_load %arg9[%get3A_715, %get3A_716] {strides = array<i32>} : memref<25x80xi32, #tpu.memory_space<vmem>>, vector<16xi32>,
      %shift_right_logical3A_718 = arith.constant 7 : i32
      %shift_right_logical3A_719 = vector.broadcast %shift_right_logical3A_718 : i32 to vector<16xi32>
      %shift_right_logical3A_720 = arith.shrui %get3A_717, %shift_right_logical3A_719 : vector<16xi32>
      %and3A_721 = arith.constant 127 : i32
      %and3A_722 = vector.broadcast %and3A_721 : i32 to vector<16xi32>
      %and3A_723 = arith.andi %get3A_717, %and3A_722 : vector<16xi32>
      tpu.vector_store_idx %arg13[%shift_right_logical3A_720, %and3A_723], %broadcast_in_dim3A_2 {add = true} : memref<80x128xf32, #tpu.memory_space<vmem>>[vector<16xi32>, vector<16xi32>], vector<16xf32>,
      %get3A_724 = arith.index_cast %mul3A_684 : i32 to index
      %get3A_725 = arith.constant 48 : index
      %get3A_726 = tpu.vector_load %arg9[%get3A_724, %get3A_725] {strides = array<i32>} : memref<25x80xi32, #tpu.memory_space<vmem>>, vector<16xi32>,
      %shift_right_logical3A_727 = arith.constant 7 : i32
      %shift_right_logical3A_728 = vector.broadcast %shift_right_logical3A_727 : i32 to vector<16xi32>
      %shift_right_logical3A_729 = arith.shrui %get3A_726, %shift_right_logical3A_728 : vector<16xi32>
      %and3A_730 = arith.constant 127 : i32
      %and3A_731 = vector.broadcast %and3A_730 : i32 to vector<16xi32>
      %and3A_732 = arith.andi %get3A_726, %and3A_731 : vector<16xi32>
      tpu.vector_store_idx %arg13[%shift_right_logical3A_729, %and3A_732], %broadcast_in_dim3A_2 {add = true} : memref<80x128xf32, #tpu.memory_space<vmem>>[vector<16xi32>, vector<16xi32>], vector<16xf32>,
      %get3A_733 = arith.index_cast %mul3A_684 : i32 to index
      %get3A_734 = arith.constant 64 : index
      %get3A_735 = tpu.vector_load %arg9[%get3A_733, %get3A_734] {strides = array<i32>} : memref<25x80xi32, #tpu.memory_space<vmem>>, vector<16xi32>,
      %shift_right_logical3A_736 = arith.constant 7 : i32
      %shift_right_logical3A_737 = vector.broadcast %shift_right_logical3A_736 : i32 to vector<16xi32>
      %shift_right_logical3A_738 = arith.shrui %get3A_735, %shift_right_logical3A_737 : vector<16xi32>
      %and3A_739 = arith.constant 127 : i32
      %and3A_740 = vector.broadcast %and3A_739 : i32 to vector<16xi32>
      %and3A_741 = arith.andi %get3A_735, %and3A_740 : vector<16xi32>
      tpu.vector_store_idx %arg13[%shift_right_logical3A_738, %and3A_741], %broadcast_in_dim3A_2 {add = true} : memref<80x128xf32, #tpu.memory_space<vmem>>[vector<16xi32>, vector<16xi32>], vector<16xf32>,
      %add3A_742 = arith.constant 2 : i32
      %add3A_743 = arith.addi %mul3A_684, %add3A_742 : i32
      %le3A = arith.constant 24 : i32
      %le3A_744 = arith.cmpi sle, %add3A_743, %le3A : i32
      %convert_element_type3A_745 = arith.extui %le3A_744 : i1 to i32
      %cond3A_746 = arith.constant 0 : i32
      %cond3A_747 = arith.cmpi ne, %convert_element_type3A_745, %cond3A_746 : i32
      scf.if %cond3A_747 {
        %dma_wait3A_816 = arith.constant 0 : i32
        %dma_wait3A_817 = arith.constant 0 : i32
        %dma_wait3A_818 = tpu.memref_slice %arg9[%dma_wait3A_816, %dma_wait3A_817] : memref<25x80xi32, #tpu.memory_space<vmem>> -> memref<1x80xi32, #tpu.memory_space<vmem>>
        %dma_wait3A_819 = tpu.memref_squeeze %dma_wait3A_818 : memref<1x80xi32, #tpu.memory_space<vmem>> -> memref<80xi32, #tpu.memory_space<vmem>>
        %dma_wait3A_820 = arith.constant 0 : i32
        %dma_wait3A_821 = arith.constant 0 : i32
        %dma_wait3A_822 = tpu.memref_slice %arg15[%dma_wait3A_820, %dma_wait3A_821] : memref<10000x128xf32, #tpu.memory_space<vmem_shared>> -> memref<10000x128xf32, #tpu.memory_space<vmem_shared>>
        tpu.wait_indirect_dma semaphore(%arg19 : memref<!tpu.dma_semaphore, #tpu.memory_space<semaphore_mem>>) src(%arg11 : memref<80x128xf32, #tpu.memory_space<vmem>>) dst(%dma_wait3A_822 : memref<10000x128xf32, #tpu.memory_space<vmem_shared>>)
        %add3A_823 = arith.constant 2 : i32
        %add3A_824 = arith.addi %mul3A_684, %add3A_823 : i32
        %dma_start3A_825 = arith.constant 0 : i32
        %dma_start3A_826 = tpu.memref_slice %arg7[%add3A_824, %dma_start3A_825] : memref<25x80xi32, #tpu.memory_space<vmem>> -> memref<1x80xi32, #tpu.memory_space<vmem>>
        %dma_start3A_827 = tpu.memref_squeeze %dma_start3A_826 : memref<1x80xi32, #tpu.memory_space<vmem>> -> memref<80xi32, #tpu.memory_space<vmem>>
        %dma_start3A_828 = arith.constant 0 : i32
        %dma_start3A_829 = arith.constant 0 : i32
        %dma_start3A_830 = tpu.memref_slice %arg2[%dma_start3A_828, %dma_start3A_829] : memref<20000x128xf32, #tpu.memory_space<hbm>> -> memref<20000x128xf32, #tpu.memory_space<hbm>>
        tpu.enqueue_indirect_dma source(%dma_start3A_830 : memref<20000x128xf32, #tpu.memory_space<hbm>>) target(%arg11 : memref<80x128xf32, #tpu.memory_space<vmem>>) offsets(%dma_start3A_827 : memref<80xi32, #tpu.memory_space<vmem>>) semaphore(%arg17 : memref<!tpu.dma_semaphore, #tpu.memory_space<semaphore_mem>>)
      } else {
      }
      %mul3A_748 = arith.constant 2 : i32
      %mul3A_749 = arith.muli %mul3A_748, %add3A_682 : i32
      %add3A_750 = arith.constant 1 : i32
      %add3A_751 = arith.addi %mul3A_749, %add3A_750 : i32
      %dma_wait3A_752 = arith.constant 0 : i32
      %dma_wait3A_753 = tpu.memref_slice %arg7[%add3A_751, %dma_wait3A_752] : memref<25x80xi32, #tpu.memory_space<vmem>> -> memref<1x80xi32, #tpu.memory_space<vmem>>
      %dma_wait3A_754 = tpu.memref_squeeze %dma_wait3A_753 : memref<1x80xi32, #tpu.memory_space<vmem>> -> memref<80xi32, #tpu.memory_space<vmem>>
      %dma_wait3A_755 = arith.constant 0 : i32
      %dma_wait3A_756 = arith.constant 0 : i32
      %dma_wait3A_757 = tpu.memref_slice %arg2[%dma_wait3A_755, %dma_wait3A_756] : memref<20000x128xf32, #tpu.memory_space<hbm>> -> memref<20000x128xf32, #tpu.memory_space<hbm>>
      tpu.wait_indirect_dma semaphore(%arg18 : memref<!tpu.dma_semaphore, #tpu.memory_space<semaphore_mem>>) src(%dma_wait3A_757 : memref<20000x128xf32, #tpu.memory_space<hbm>>) dst(%arg12 : memref<80x128xf32, #tpu.memory_space<vmem>>)
      %dma_start3A_758 = arith.constant 0 : i32
      %dma_start3A_759 = tpu.memref_slice %arg9[%add3A_751, %dma_start3A_758] : memref<25x80xi32, #tpu.memory_space<vmem>> -> memref<1x80xi32, #tpu.memory_space<vmem>>
      %dma_start3A_760 = tpu.memref_squeeze %dma_start3A_759 : memref<1x80xi32, #tpu.memory_space<vmem>> -> memref<80xi32, #tpu.memory_space<vmem>>
      %dma_start3A_761 = arith.constant 0 : i32
      %dma_start3A_762 = arith.constant 0 : i32
      %dma_start3A_763 = tpu.memref_slice %arg15[%dma_start3A_761, %dma_start3A_762] : memref<10000x128xf32, #tpu.memory_space<vmem_shared>> -> memref<10000x128xf32, #tpu.memory_space<vmem_shared>>
      tpu.enqueue_indirect_dma source(%arg12 : memref<80x128xf32, #tpu.memory_space<vmem>>) target(%dma_start3A_763 : memref<10000x128xf32, #tpu.memory_space<vmem_shared>>) offsets(%dma_start3A_760 : memref<80xi32, #tpu.memory_space<vmem>>) semaphore(%arg20 : memref<!tpu.dma_semaphore, #tpu.memory_space<semaphore_mem>>) {add = true}
      %get3A_764 = arith.index_cast %add3A_751 : i32 to index
      %get3A_765 = arith.constant 0 : index
      %get3A_766 = tpu.vector_load %arg9[%get3A_764, %get3A_765] {strides = array<i32>} : memref<25x80xi32, #tpu.memory_space<vmem>>, vector<16xi32>,
      %shift_right_logical3A_767 = arith.constant 7 : i32
      %shift_right_logical3A_768 = vector.broadcast %shift_right_logical3A_767 : i32 to vector<16xi32>
      %shift_right_logical3A_769 = arith.shrui %get3A_766, %shift_right_logical3A_768 : vector<16xi32>
      %and3A_770 = arith.constant 127 : i32
      %and3A_771 = vector.broadcast %and3A_770 : i32 to vector<16xi32>
      %and3A_772 = arith.andi %get3A_766, %and3A_771 : vector<16xi32>
      tpu.vector_store_idx %arg13[%shift_right_logical3A_769, %and3A_772], %broadcast_in_dim3A_2 {add = true} : memref<80x128xf32, #tpu.memory_space<vmem>>[vector<16xi32>, vector<16xi32>], vector<16xf32>,
      %get3A_773 = arith.index_cast %add3A_751 : i32 to index
      %get3A_774 = arith.constant 16 : index
      %get3A_775 = tpu.vector_load %arg9[%get3A_773, %get3A_774] {strides = array<i32>} : memref<25x80xi32, #tpu.memory_space<vmem>>, vector<16xi32>,
      %shift_right_logical3A_776 = arith.constant 7 : i32
      %shift_right_logical3A_777 = vector.broadcast %shift_right_logical3A_776 : i32 to vector<16xi32>
      %shift_right_logical3A_778 = arith.shrui %get3A_775, %shift_right_logical3A_777 : vector<16xi32>
      %and3A_779 = arith.constant 127 : i32
      %and3A_780 = vector.broadcast %and3A_779 : i32 to vector<16xi32>
      %and3A_781 = arith.andi %get3A_775, %and3A_780 : vector<16xi32>
      tpu.vector_store_idx %arg13[%shift_right_logical3A_778, %and3A_781], %broadcast_in_dim3A_2 {add = true} : memref<80x128xf32, #tpu.memory_space<vmem>>[vector<16xi32>, vector<16xi32>], vector<16xf32>,
      %get3A_782 = arith.index_cast %add3A_751 : i32 to index
      %get3A_783 = arith.constant 32 : index
      %get3A_784 = tpu.vector_load %arg9[%get3A_782, %get3A_783] {strides = array<i32>} : memref<25x80xi32, #tpu.memory_space<vmem>>, vector<16xi32>,
      %shift_right_logical3A_785 = arith.constant 7 : i32
      %shift_right_logical3A_786 = vector.broadcast %shift_right_logical3A_785 : i32 to vector<16xi32>
      %shift_right_logical3A_787 = arith.shrui %get3A_784, %shift_right_logical3A_786 : vector<16xi32>
      %and3A_788 = arith.constant 127 : i32
      %and3A_789 = vector.broadcast %and3A_788 : i32 to vector<16xi32>
      %and3A_790 = arith.andi %get3A_784, %and3A_789 : vector<16xi32>
      tpu.vector_store_idx %arg13[%shift_right_logical3A_787, %and3A_790], %broadcast_in_dim3A_2 {add = true} : memref<80x128xf32, #tpu.memory_space<vmem>>[vector<16xi32>, vector<16xi32>], vector<16xf32>,
      %get3A_791 = arith.index_cast %add3A_751 : i32 to index
      %get3A_792 = arith.constant 48 : index
      %get3A_793 = tpu.vector_load %arg9[%get3A_791, %get3A_792] {strides = array<i32>} : memref<25x80xi32, #tpu.memory_space<vmem>>, vector<16xi32>,
      %shift_right_logical3A_794 = arith.constant 7 : i32
      %shift_right_logical3A_795 = vector.broadcast %shift_right_logical3A_794 : i32 to vector<16xi32>
      %shift_right_logical3A_796 = arith.shrui %get3A_793, %shift_right_logical3A_795 : vector<16xi32>
      %and3A_797 = arith.constant 127 : i32
      %and3A_798 = vector.broadcast %and3A_797 : i32 to vector<16xi32>
      %and3A_799 = arith.andi %get3A_793, %and3A_798 : vector<16xi32>
      tpu.vector_store_idx %arg13[%shift_right_logical3A_796, %and3A_799], %broadcast_in_dim3A_2 {add = true} : memref<80x128xf32, #tpu.memory_space<vmem>>[vector<16xi32>, vector<16xi32>], vector<16xf32>,
      %get3A_800 = arith.index_cast %add3A_751 : i32 to index
      %get3A_801 = arith.constant 64 : index
      %get3A_802 = tpu.vector_load %arg9[%get3A_800, %get3A_801] {strides = array<i32>} : memref<25x80xi32, #tpu.memory_space<vmem>>, vector<16xi32>,
      %shift_right_logical3A_803 = arith.constant 7 : i32
      %shift_right_logical3A_804 = vector.broadcast %shift_right_logical3A_803 : i32 to vector<16xi32>
      %shift_right_logical3A_805 = arith.shrui %get3A_802, %shift_right_logical3A_804 : vector<16xi32>
      %and3A_806 = arith.constant 127 : i32
      %and3A_807 = vector.broadcast %and3A_806 : i32 to vector<16xi32>
      %and3A_808 = arith.andi %get3A_802, %and3A_807 : vector<16xi32>
      tpu.vector_store_idx %arg13[%shift_right_logical3A_805, %and3A_808], %broadcast_in_dim3A_2 {add = true} : memref<80x128xf32, #tpu.memory_space<vmem>>[vector<16xi32>, vector<16xi32>], vector<16xf32>,
      %add3A_809 = arith.constant 2 : i32
      %add3A_810 = arith.addi %add3A_751, %add3A_809 : i32
      %le3A_811 = arith.constant 24 : i32
      %le3A_812 = arith.cmpi sle, %add3A_810, %le3A_811 : i32
      %convert_element_type3A_813 = arith.extui %le3A_812 : i1 to i32
      %cond3A_814 = arith.constant 0 : i32
      %cond3A_815 = arith.cmpi ne, %convert_element_type3A_813, %cond3A_814 : i32
      scf.if %cond3A_815 {
        %dma_wait3A_816 = arith.constant 0 : i32
        %dma_wait3A_817 = arith.constant 0 : i32
        %dma_wait3A_818 = tpu.memref_slice %arg9[%dma_wait3A_816, %dma_wait3A_817] : memref<25x80xi32, #tpu.memory_space<vmem>> -> memref<1x80xi32, #tpu.memory_space<vmem>>
        %dma_wait3A_819 = tpu.memref_squeeze %dma_wait3A_818 : memref<1x80xi32, #tpu.memory_space<vmem>> -> memref<80xi32, #tpu.memory_space<vmem>>
        %dma_wait3A_820 = arith.constant 0 : i32
        %dma_wait3A_821 = arith.constant 0 : i32
        %dma_wait3A_822 = tpu.memref_slice %arg15[%dma_wait3A_820, %dma_wait3A_821] : memref<10000x128xf32, #tpu.memory_space<vmem_shared>> -> memref<10000x128xf32, #tpu.memory_space<vmem_shared>>
        tpu.wait_indirect_dma semaphore(%arg20 : memref<!tpu.dma_semaphore, #tpu.memory_space<semaphore_mem>>) src(%arg12 : memref<80x128xf32, #tpu.memory_space<vmem>>) dst(%dma_wait3A_822 : memref<10000x128xf32, #tpu.memory_space<vmem_shared>>)
        %add3A_823 = arith.constant 2 : i32
        %add3A_824 = arith.addi %add3A_751, %add3A_823 : i32
        %dma_start3A_825 = arith.constant 0 : i32
        %dma_start3A_826 = tpu.memref_slice %arg7[%add3A_824, %dma_start3A_825] : memref<25x80xi32, #tpu.memory_space<vmem>> -> memref<1x80xi32, #tpu.memory_space<vmem>>
        %dma_start3A_827 = tpu.memref_squeeze %dma_start3A_826 : memref<1x80xi32, #tpu.memory_space<vmem>> -> memref<80xi32, #tpu.memory_space<vmem>>
        %dma_start3A_828 = arith.constant 0 : i32
        %dma_start3A_829 = arith.constant 0 : i32
        %dma_start3A_830 = tpu.memref_slice %arg2[%dma_start3A_828, %dma_start3A_829] : memref<20000x128xf32, #tpu.memory_space<hbm>> -> memref<20000x128xf32, #tpu.memory_space<hbm>>
        tpu.enqueue_indirect_dma source(%dma_start3A_830 : memref<20000x128xf32, #tpu.memory_space<hbm>>) target(%arg12 : memref<80x128xf32, #tpu.memory_space<vmem>>) offsets(%dma_start3A_827 : memref<80xi32, #tpu.memory_space<vmem>>) semaphore(%arg18 : memref<!tpu.dma_semaphore, #tpu.memory_space<semaphore_mem>>)
      } else {
      }
    }
    %scan3A_80 = arith.constant 12 : i32
    %dma_wait3A = arith.constant 24 : i32
    %dma_wait3A_81 = arith.constant 0 : i32
    %dma_wait3A_82 = tpu.memref_slice %arg7[%dma_wait3A, %dma_wait3A_81] : memref<25x80xi32, #tpu.memory_space<vmem>> -> memref<1x80xi32, #tpu.memory_space<vmem>>
    %dma_wait3A_83 = tpu.memref_squeeze %dma_wait3A_82 : memref<1x80xi32, #tpu.memory_space<vmem>> -> memref<80xi32, #tpu.memory_space<vmem>>
    %dma_wait3A_84 = arith.constant 0 : i32
    %dma_wait3A_85 = arith.constant 0 : i32
    %dma_wait3A_86 = tpu.memref_slice %arg2[%dma_wait3A_84, %dma_wait3A_85] : memref<20000x128xf32, #tpu.memory_space<hbm>> -> memref<20000x128xf32, #tpu.memory_space<hbm>>
    tpu.wait_indirect_dma semaphore(%arg17 : memref<!tpu.dma_semaphore, #tpu.memory_space<semaphore_mem>>) src(%dma_wait3A_86 : memref<20000x128xf32, #tpu.memory_space<hbm>>) dst(%arg11 : memref<80x128xf32, #tpu.memory_space<vmem>>)
    %dma_start3A_87 = arith.constant 24 : i32
    %dma_start3A_88 = arith.constant 0 : i32
    %dma_start3A_89 = tpu.memref_slice %arg9[%dma_start3A_87, %dma_start3A_88] : memref<25x80xi32, #tpu.memory_space<vmem>> -> memref<1x80xi32, #tpu.memory_space<vmem>>
    %dma_start3A_90 = tpu.memref_squeeze %dma_start3A_89 : memref<1x80xi32, #tpu.memory_space<vmem>> -> memref<80xi32, #tpu.memory_space<vmem>>
    %dma_start3A_91 = arith.constant 0 : i32
    %dma_start3A_92 = arith.constant 0 : i32
    %dma_start3A_93 = tpu.memref_slice %arg15[%dma_start3A_91, %dma_start3A_92] : memref<10000x128xf32, #tpu.memory_space<vmem_shared>> -> memref<10000x128xf32, #tpu.memory_space<vmem_shared>>
    tpu.enqueue_indirect_dma source(%arg11 : memref<80x128xf32, #tpu.memory_space<vmem>>) target(%dma_start3A_93 : memref<10000x128xf32, #tpu.memory_space<vmem_shared>>) offsets(%dma_start3A_90 : memref<80xi32, #tpu.memory_space<vmem>>) semaphore(%arg19 : memref<!tpu.dma_semaphore, #tpu.memory_space<semaphore_mem>>) {add = true}
    %get3A = arith.constant 24 : i32
    %get3A_94 = arith.index_cast %get3A : i32 to index
    %get3A_95 = arith.constant 0 : index
    %get3A_96 = tpu.vector_load %arg9[%get3A_94, %get3A_95] {strides = array<i32>} : memref<25x80xi32, #tpu.memory_space<vmem>>, vector<16xi32>,
    %shift_right_logical3A = arith.constant 7 : i32
    %shift_right_logical3A_97 = vector.broadcast %shift_right_logical3A : i32 to vector<16xi32>
    %shift_right_logical3A_98 = arith.shrui %get3A_96, %shift_right_logical3A_97 : vector<16xi32>
    %and3A = arith.constant 127 : i32
    %and3A_99 = vector.broadcast %and3A : i32 to vector<16xi32>
    %and3A_100 = arith.andi %get3A_96, %and3A_99 : vector<16xi32>
    tpu.vector_store_idx %arg13[%shift_right_logical3A_98, %and3A_100], %broadcast_in_dim3A_2 {add = true} : memref<80x128xf32, #tpu.memory_space<vmem>>[vector<16xi32>, vector<16xi32>], vector<16xf32>,
    %get3A_101 = arith.constant 24 : i32
    %get3A_102 = arith.index_cast %get3A_101 : i32 to index
    %get3A_103 = arith.constant 16 : index
    %get3A_104 = tpu.vector_load %arg9[%get3A_102, %get3A_103] {strides = array<i32>} : memref<25x80xi32, #tpu.memory_space<vmem>>, vector<16xi32>,
    %shift_right_logical3A_105 = arith.constant 7 : i32
    %shift_right_logical3A_106 = vector.broadcast %shift_right_logical3A_105 : i32 to vector<16xi32>
    %shift_right_logical3A_107 = arith.shrui %get3A_104, %shift_right_logical3A_106 : vector<16xi32>
    %and3A_108 = arith.constant 127 : i32
    %and3A_109 = vector.broadcast %and3A_108 : i32 to vector<16xi32>
    %and3A_110 = arith.andi %get3A_104, %and3A_109 : vector<16xi32>
    tpu.vector_store_idx %arg13[%shift_right_logical3A_107, %and3A_110], %broadcast_in_dim3A_2 {add = true} : memref<80x128xf32, #tpu.memory_space<vmem>>[vector<16xi32>, vector<16xi32>], vector<16xf32>,
    %get3A_111 = arith.constant 24 : i32
    %get3A_112 = arith.index_cast %get3A_111 : i32 to index
    %get3A_113 = arith.constant 32 : index
    %get3A_114 = tpu.vector_load %arg9[%get3A_112, %get3A_113] {strides = array<i32>} : memref<25x80xi32, #tpu.memory_space<vmem>>, vector<16xi32>,
    %shift_right_logical3A_115 = arith.constant 7 : i32
    %shift_right_logical3A_116 = vector.broadcast %shift_right_logical3A_115 : i32 to vector<16xi32>
    %shift_right_logical3A_117 = arith.shrui %get3A_114, %shift_right_logical3A_116 : vector<16xi32>
    %and3A_118 = arith.constant 127 : i32
    %and3A_119 = vector.broadcast %and3A_118 : i32 to vector<16xi32>
    %and3A_120 = arith.andi %get3A_114, %and3A_119 : vector<16xi32>
    tpu.vector_store_idx %arg13[%shift_right_logical3A_117, %and3A_120], %broadcast_in_dim3A_2 {add = true} : memref<80x128xf32, #tpu.memory_space<vmem>>[vector<16xi32>, vector<16xi32>], vector<16xf32>,
    %get3A_121 = arith.constant 24 : i32
    %get3A_122 = arith.index_cast %get3A_121 : i32 to index
    %get3A_123 = arith.constant 48 : index
    %get3A_124 = tpu.vector_load %arg9[%get3A_122, %get3A_123] {strides = array<i32>} : memref<25x80xi32, #tpu.memory_space<vmem>>, vector<16xi32>,
    %shift_right_logical3A_125 = arith.constant 7 : i32
    %shift_right_logical3A_126 = vector.broadcast %shift_right_logical3A_125 : i32 to vector<16xi32>
    %shift_right_logical3A_127 = arith.shrui %get3A_124, %shift_right_logical3A_126 : vector<16xi32>
    %and3A_128 = arith.constant 127 : i32
    %and3A_129 = vector.broadcast %and3A_128 : i32 to vector<16xi32>
    %and3A_130 = arith.andi %get3A_124, %and3A_129 : vector<16xi32>
    tpu.vector_store_idx %arg13[%shift_right_logical3A_127, %and3A_130], %broadcast_in_dim3A_2 {add = true} : memref<80x128xf32, #tpu.memory_space<vmem>>[vector<16xi32>, vector<16xi32>], vector<16xf32>,
    %get3A_131 = arith.constant 24 : i32
    %get3A_132 = arith.index_cast %get3A_131 : i32 to index
    %get3A_133 = arith.constant 64 : index
    %get3A_134 = tpu.vector_load %arg9[%get3A_132, %get3A_133] {strides = array<i32>} : memref<25x80xi32, #tpu.memory_space<vmem>>, vector<16xi32>,
    %shift_right_logical3A_135 = arith.constant 7 : i32
    %shift_right_logical3A_136 = vector.broadcast %shift_right_logical3A_135 : i32 to vector<16xi32>
    %shift_right_logical3A_137 = arith.shrui %get3A_134, %shift_right_logical3A_136 : vector<16xi32>
    %and3A_138 = arith.constant 127 : i32
    %and3A_139 = vector.broadcast %and3A_138 : i32 to vector<16xi32>
    %and3A_140 = arith.andi %get3A_134, %and3A_139 : vector<16xi32>
    tpu.vector_store_idx %arg13[%shift_right_logical3A_137, %and3A_140], %broadcast_in_dim3A_2 {add = true} : memref<80x128xf32, #tpu.memory_space<vmem>>[vector<16xi32>, vector<16xi32>], vector<16xf32>,
    %dma_wait3A_141 = arith.constant 1 : i32
    %dma_wait3A_142 = arith.constant 0 : i32
    %dma_wait3A_143 = arith.constant 0 : i32
    %dma_wait3A_144 = tpu.memref_slice %arg3[%arg0, %arg1, %dma_wait3A_141, %dma_wait3A_142, %dma_wait3A_143] : memref<2x16x5x25x80xi32, #tpu.memory_space<hbm>> -> memref<1x1x1x25x80xi32, #tpu.memory_space<hbm>>
    %dma_wait3A_145 = tpu.memref_squeeze %dma_wait3A_144 : memref<1x1x1x25x80xi32, #tpu.memory_space<hbm>> -> memref<25x80xi32, #tpu.memory_space<hbm>>
    %dma_wait3A_146 = arith.constant 0 : i32
    %dma_wait3A_147 = arith.constant 0 : i32
    %dma_wait3A_148 = tpu.memref_slice %arg3[%arg0, %arg1, %dma_wait3A_141, %dma_wait3A_146, %dma_wait3A_147] : memref<2x16x5x25x80xi32, #tpu.memory_space<hbm>> -> memref<1x1x1x25x80xi32, #tpu.memory_space<hbm>>
    %dma_wait3A_149 = tpu.memref_squeeze %dma_wait3A_148 : memref<1x1x1x25x80xi32, #tpu.memory_space<hbm>> -> memref<25x80xi32, #tpu.memory_space<hbm>>
    tpu.wait_dma2 semaphore(%arg21 : memref<!tpu.dma_semaphore, #tpu.memory_space<semaphore_mem>>) src(%dma_wait3A_149 : memref<25x80xi32, #tpu.memory_space<hbm>>) dst(%arg8 : memref<25x80xi32, #tpu.memory_space<vmem>>)
    %dma_wait3A_150 = arith.constant 1 : i32
    %dma_wait3A_151 = arith.constant 0 : i32
    %dma_wait3A_152 = arith.constant 0 : i32
    %dma_wait3A_153 = tpu.memref_slice %arg4[%arg1, %dma_wait3A_150, %dma_wait3A_151, %dma_wait3A_152] : memref<16x5x25x80xi32, #tpu.memory_space<hbm>> -> memref<1x1x25x80xi32, #tpu.memory_space<hbm>>
    %dma_wait3A_154 = tpu.memref_squeeze %dma_wait3A_153 : memref<1x1x25x80xi32, #tpu.memory_space<hbm>> -> memref<25x80xi32, #tpu.memory_space<hbm>>
    %dma_wait3A_155 = arith.constant 0 : i32
    %dma_wait3A_156 = arith.constant 0 : i32
    %dma_wait3A_157 = tpu.memref_slice %arg4[%arg1, %dma_wait3A_150, %dma_wait3A_155, %dma_wait3A_156] : memref<16x5x25x80xi32, #tpu.memory_space<hbm>> -> memref<1x1x25x80xi32, #tpu.memory_space<hbm>>
    %dma_wait3A_158 = tpu.memref_squeeze %dma_wait3A_157 : memref<1x1x25x80xi32, #tpu.memory_space<hbm>> -> memref<25x80xi32, #tpu.memory_space<hbm>>
    tpu.wait_dma2 semaphore(%arg21 : memref<!tpu.dma_semaphore, #tpu.memory_space<semaphore_mem>>) src(%dma_wait3A_158 : memref<25x80xi32, #tpu.memory_space<hbm>>) dst(%arg10 : memref<25x80xi32, #tpu.memory_space<vmem>>)
    %dma_wait3A_159 = arith.constant 0 : i32
    %dma_wait3A_160 = arith.constant 0 : i32
    %dma_wait3A_161 = tpu.memref_slice %arg9[%dma_wait3A_159, %dma_wait3A_160] : memref<25x80xi32, #tpu.memory_space<vmem>> -> memref<1x80xi32, #tpu.memory_space<vmem>>
    %dma_wait3A_162 = tpu.memref_squeeze %dma_wait3A_161 : memref<1x80xi32, #tpu.memory_space<vmem>> -> memref<80xi32, #tpu.memory_space<vmem>>
    %dma_wait3A_163 = arith.constant 0 : i32
    %dma_wait3A_164 = arith.constant 0 : i32
    %dma_wait3A_165 = tpu.memref_slice %arg15[%dma_wait3A_163, %dma_wait3A_164] : memref<10000x128xf32, #tpu.memory_space<vmem_shared>> -> memref<10000x128xf32, #tpu.memory_space<vmem_shared>>
    tpu.wait_indirect_dma semaphore(%arg20 : memref<!tpu.dma_semaphore, #tpu.memory_space<semaphore_mem>>) src(%arg12 : memref<80x128xf32, #tpu.memory_space<vmem>>) dst(%dma_wait3A_165 : memref<10000x128xf32, #tpu.memory_space<vmem_shared>>)
    %dma_start3A_166 = arith.constant 0 : i32
    %dma_start3A_167 = arith.constant 0 : i32
    %dma_start3A_168 = tpu.memref_slice %arg8[%dma_start3A_166, %dma_start3A_167] : memref<25x80xi32, #tpu.memory_space<vmem>> -> memref<1x80xi32, #tpu.memory_space<vmem>>
    %dma_start3A_169 = tpu.memref_squeeze %dma_start3A_168 : memref<1x80xi32, #tpu.memory_space<vmem>> -> memref<80xi32, #tpu.memory_space<vmem>>
    %dma_start3A_170 = arith.constant 0 : i32
    %dma_start3A_171 = arith.constant 0 : i32
    %dma_start3A_172 = tpu.memref_slice %arg2[%dma_start3A_170, %dma_start3A_171] : memref<20000x128xf32, #tpu.memory_space<hbm>> -> memref<20000x128xf32, #tpu.memory_space<hbm>>
    tpu.enqueue_indirect_dma source(%dma_start3A_172 : memref<20000x128xf32, #tpu.memory_space<hbm>>) target(%arg12 : memref<80x128xf32, #tpu.memory_space<vmem>>) offsets(%dma_start3A_169 : memref<80xi32, #tpu.memory_space<vmem>>) semaphore(%arg18 : memref<!tpu.dma_semaphore, #tpu.memory_space<semaphore_mem>>)
    %dma_wait3A_173 = arith.constant 0 : i32
    %dma_wait3A_174 = arith.constant 0 : i32
    %dma_wait3A_175 = tpu.memref_slice %arg9[%dma_wait3A_173, %dma_wait3A_174] : memref<25x80xi32, #tpu.memory_space<vmem>> -> memref<1x80xi32, #tpu.memory_space<vmem>>
    %dma_wait3A_176 = tpu.memref_squeeze %dma_wait3A_175 : memref<1x80xi32, #tpu.memory_space<vmem>> -> memref<80xi32, #tpu.memory_space<vmem>>
    %dma_wait3A_177 = arith.constant 0 : i32
    %dma_wait3A_178 = arith.constant 0 : i32
    %dma_wait3A_179 = tpu.memref_slice %arg15[%dma_wait3A_177, %dma_wait3A_178] : memref<10000x128xf32, #tpu.memory_space<vmem_shared>> -> memref<10000x128xf32, #tpu.memory_space<vmem_shared>>
    tpu.wait_indirect_dma semaphore(%arg19 : memref<!tpu.dma_semaphore, #tpu.memory_space<semaphore_mem>>) src(%arg11 : memref<80x128xf32, #tpu.memory_space<vmem>>) dst(%dma_wait3A_179 : memref<10000x128xf32, #tpu.memory_space<vmem_shared>>)
    %dma_start3A_180 = arith.constant 1 : i32
    %dma_start3A_181 = arith.constant 0 : i32
    %dma_start3A_182 = tpu.memref_slice %arg8[%dma_start3A_180, %dma_start3A_181] : memref<25x80xi32, #tpu.memory_space<vmem>> -> memref<1x80xi32, #tpu.memory_space<vmem>>
    %dma_start3A_183 = tpu.memref_squeeze %dma_start3A_182 : memref<1x80xi32, #tpu.memory_space<vmem>> -> memref<80xi32, #tpu.memory_space<vmem>>
    %dma_start3A_184 = arith.constant 0 : i32
    %dma_start3A_185 = arith.constant 0 : i32
    %dma_start3A_186 = tpu.memref_slice %arg2[%dma_start3A_184, %dma_start3A_185] : memref<20000x128xf32, #tpu.memory_space<hbm>> -> memref<20000x128xf32, #tpu.memory_space<hbm>>
    tpu.enqueue_indirect_dma source(%dma_start3A_186 : memref<20000x128xf32, #tpu.memory_space<hbm>>) target(%arg11 : memref<80x128xf32, #tpu.memory_space<vmem>>) offsets(%dma_start3A_183 : memref<80xi32, #tpu.memory_space<vmem>>) semaphore(%arg17 : memref<!tpu.dma_semaphore, #tpu.memory_space<semaphore_mem>>)
    %dma_start3A_187 = arith.constant 2 : i32
    %dma_start3A_188 = arith.constant 0 : i32
    %dma_start3A_189 = arith.constant 0 : i32
    %dma_start3A_190 = tpu.memref_slice %arg3[%arg0, %arg1, %dma_start3A_187, %dma_start3A_188, %dma_start3A_189] : memref<2x16x5x25x80xi32, #tpu.memory_space<hbm>> -> memref<1x1x1x25x80xi32, #tpu.memory_space<hbm>>
    %dma_start3A_191 = tpu.memref_squeeze %dma_start3A_190 : memref<1x1x1x25x80xi32, #tpu.memory_space<hbm>> -> memref<25x80xi32, #tpu.memory_space<hbm>>
    %dma_start3A_192 = arith.constant 0 : i32
    %dma_start3A_193 = arith.constant 0 : i32
    %dma_start3A_194 = tpu.memref_slice %arg3[%arg0, %arg1, %dma_start3A_187, %dma_start3A_192, %dma_start3A_193] : memref<2x16x5x25x80xi32, #tpu.memory_space<hbm>> -> memref<1x1x1x25x80xi32, #tpu.memory_space<hbm>>
    %dma_start3A_195 = tpu.memref_squeeze %dma_start3A_194 : memref<1x1x1x25x80xi32, #tpu.memory_space<hbm>> -> memref<25x80xi32, #tpu.memory_space<hbm>>
    tpu.enqueue_dma source(%dma_start3A_195 : memref<25x80xi32, #tpu.memory_space<hbm>>) target(%arg7 : memref<25x80xi32, #tpu.memory_space<vmem>>) target_semaphore(%arg21 : memref<!tpu.dma_semaphore, #tpu.memory_space<semaphore_mem>>)
    %dma_start3A_196 = arith.constant 2 : i32
    %dma_start3A_197 = arith.constant 0 : i32
    %dma_start3A_198 = arith.constant 0 : i32
    %dma_start3A_199 = tpu.memref_slice %arg4[%arg1, %dma_start3A_196, %dma_start3A_197, %dma_start3A_198] : memref<16x5x25x80xi32, #tpu.memory_space<hbm>> -> memref<1x1x25x80xi32, #tpu.memory_space<hbm>>
    %dma_start3A_200 = tpu.memref_squeeze %dma_start3A_199 : memref<1x1x25x80xi32, #tpu.memory_space<hbm>> -> memref<25x80xi32, #tpu.memory_space<hbm>>
    %dma_start3A_201 = arith.constant 0 : i32
    %dma_start3A_202 = arith.constant 0 : i32
    %dma_start3A_203 = tpu.memref_slice %arg4[%arg1, %dma_start3A_196, %dma_start3A_201, %dma_start3A_202] : memref<16x5x25x80xi32, #tpu.memory_space<hbm>> -> memref<1x1x25x80xi32, #tpu.memory_space<hbm>>
    %dma_start3A_204 = tpu.memref_squeeze %dma_start3A_203 : memref<1x1x25x80xi32, #tpu.memory_space<hbm>> -> memref<25x80xi32, #tpu.memory_space<hbm>>
    tpu.enqueue_dma source(%dma_start3A_204 : memref<25x80xi32, #tpu.memory_space<hbm>>) target(%arg9 : memref<25x80xi32, #tpu.memory_space<vmem>>) target_semaphore(%arg21 : memref<!tpu.dma_semaphore, #tpu.memory_space<semaphore_mem>>)
    %scan3A_205 = arith.constant 0 : i32
    %scan3A_206 = arith.constant 12 : i32
    %scan3A_207 = arith.addi %scan3A_205, %scan3A_206 : i32
    %scan3A_208 = arith.constant 1 : i32
    scf.for %scan3A_678 = %scan3A_205 to %scan3A_207 step %scan3A_208  : i32 {
      %mul3A_679 = arith.constant 1 : i32
      %mul3A_680 = arith.muli %scan3A_678, %mul3A_679 : i32
      %add3A_681 = arith.constant 0 : i32
      %add3A_682 = arith.addi %add3A_681, %mul3A_680 : i32
      %mul3A_683 = arith.constant 2 : i32
      %mul3A_684 = arith.muli %mul3A_683, %add3A_682 : i32
      %dma_wait3A_685 = arith.constant 0 : i32
      %dma_wait3A_686 = tpu.memref_slice %arg8[%mul3A_684, %dma_wait3A_685] : memref<25x80xi32, #tpu.memory_space<vmem>> -> memref<1x80xi32, #tpu.memory_space<vmem>>
      %dma_wait3A_687 = tpu.memref_squeeze %dma_wait3A_686 : memref<1x80xi32, #tpu.memory_space<vmem>> -> memref<80xi32, #tpu.memory_space<vmem>>
      %dma_wait3A_688 = arith.constant 0 : i32
      %dma_wait3A_689 = arith.constant 0 : i32
      %dma_wait3A_690 = tpu.memref_slice %arg2[%dma_wait3A_688, %dma_wait3A_689] : memref<20000x128xf32, #tpu.memory_space<hbm>> -> memref<20000x128xf32, #tpu.memory_space<hbm>>
      tpu.wait_indirect_dma semaphore(%arg18 : memref<!tpu.dma_semaphore, #tpu.memory_space<semaphore_mem>>) src(%dma_wait3A_690 : memref<20000x128xf32, #tpu.memory_space<hbm>>) dst(%arg12 : memref<80x128xf32, #tpu.memory_space<vmem>>)
      %dma_start3A_691 = arith.constant 0 : i32
      %dma_start3A_692 = tpu.memref_slice %arg10[%mul3A_684, %dma_start3A_691] : memref<25x80xi32, #tpu.memory_space<vmem>> -> memref<1x80xi32, #tpu.memory_space<vmem>>
      %dma_start3A_693 = tpu.memref_squeeze %dma_start3A_692 : memref<1x80xi32, #tpu.memory_space<vmem>> -> memref<80xi32, #tpu.memory_space<vmem>>
      %dma_start3A_694 = arith.constant 0 : i32
      %dma_start3A_695 = arith.constant 0 : i32
      %dma_start3A_696 = tpu.memref_slice %arg15[%dma_start3A_694, %dma_start3A_695] : memref<10000x128xf32, #tpu.memory_space<vmem_shared>> -> memref<10000x128xf32, #tpu.memory_space<vmem_shared>>
      tpu.enqueue_indirect_dma source(%arg12 : memref<80x128xf32, #tpu.memory_space<vmem>>) target(%dma_start3A_696 : memref<10000x128xf32, #tpu.memory_space<vmem_shared>>) offsets(%dma_start3A_693 : memref<80xi32, #tpu.memory_space<vmem>>) semaphore(%arg20 : memref<!tpu.dma_semaphore, #tpu.memory_space<semaphore_mem>>) {add = true}
      %get3A_697 = arith.index_cast %mul3A_684 : i32 to index
      %get3A_698 = arith.constant 0 : index
      %get3A_699 = tpu.vector_load %arg10[%get3A_697, %get3A_698] {strides = array<i32>} : memref<25x80xi32, #tpu.memory_space<vmem>>, vector<16xi32>,
      %shift_right_logical3A_700 = arith.constant 7 : i32
      %shift_right_logical3A_701 = vector.broadcast %shift_right_logical3A_700 : i32 to vector<16xi32>
      %shift_right_logical3A_702 = arith.shrui %get3A_699, %shift_right_logical3A_701 : vector<16xi32>
      %and3A_703 = arith.constant 127 : i32
      %and3A_704 = vector.broadcast %and3A_703 : i32 to vector<16xi32>
      %and3A_705 = arith.andi %get3A_699, %and3A_704 : vector<16xi32>
      tpu.vector_store_idx %arg13[%shift_right_logical3A_702, %and3A_705], %broadcast_in_dim3A_2 {add = true} : memref<80x128xf32, #tpu.memory_space<vmem>>[vector<16xi32>, vector<16xi32>], vector<16xf32>,
      %get3A_706 = arith.index_cast %mul3A_684 : i32 to index
      %get3A_707 = arith.constant 16 : index
      %get3A_708 = tpu.vector_load %arg10[%get3A_706, %get3A_707] {strides = array<i32>} : memref<25x80xi32, #tpu.memory_space<vmem>>, vector<16xi32>,
      %shift_right_logical3A_709 = arith.constant 7 : i32
      %shift_right_logical3A_710 = vector.broadcast %shift_right_logical3A_709 : i32 to vector<16xi32>
      %shift_right_logical3A_711 = arith.shrui %get3A_708, %shift_right_logical3A_710 : vector<16xi32>
      %and3A_712 = arith.constant 127 : i32
      %and3A_713 = vector.broadcast %and3A_712 : i32 to vector<16xi32>
      %and3A_714 = arith.andi %get3A_708, %and3A_713 : vector<16xi32>
      tpu.vector_store_idx %arg13[%shift_right_logical3A_711, %and3A_714], %broadcast_in_dim3A_2 {add = true} : memref<80x128xf32, #tpu.memory_space<vmem>>[vector<16xi32>, vector<16xi32>], vector<16xf32>,
      %get3A_715 = arith.index_cast %mul3A_684 : i32 to index
      %get3A_716 = arith.constant 32 : index
      %get3A_717 = tpu.vector_load %arg10[%get3A_715, %get3A_716] {strides = array<i32>} : memref<25x80xi32, #tpu.memory_space<vmem>>, vector<16xi32>,
      %shift_right_logical3A_718 = arith.constant 7 : i32
      %shift_right_logical3A_719 = vector.broadcast %shift_right_logical3A_718 : i32 to vector<16xi32>
      %shift_right_logical3A_720 = arith.shrui %get3A_717, %shift_right_logical3A_719 : vector<16xi32>
      %and3A_721 = arith.constant 127 : i32
      %and3A_722 = vector.broadcast %and3A_721 : i32 to vector<16xi32>
      %and3A_723 = arith.andi %get3A_717, %and3A_722 : vector<16xi32>
      tpu.vector_store_idx %arg13[%shift_right_logical3A_720, %and3A_723], %broadcast_in_dim3A_2 {add = true} : memref<80x128xf32, #tpu.memory_space<vmem>>[vector<16xi32>, vector<16xi32>], vector<16xf32>,
      %get3A_724 = arith.index_cast %mul3A_684 : i32 to index
      %get3A_725 = arith.constant 48 : index
      %get3A_726 = tpu.vector_load %arg10[%get3A_724, %get3A_725] {strides = array<i32>} : memref<25x80xi32, #tpu.memory_space<vmem>>, vector<16xi32>,
      %shift_right_logical3A_727 = arith.constant 7 : i32
      %shift_right_logical3A_728 = vector.broadcast %shift_right_logical3A_727 : i32 to vector<16xi32>
      %shift_right_logical3A_729 = arith.shrui %get3A_726, %shift_right_logical3A_728 : vector<16xi32>
      %and3A_730 = arith.constant 127 : i32
      %and3A_731 = vector.broadcast %and3A_730 : i32 to vector<16xi32>
      %and3A_732 = arith.andi %get3A_726, %and3A_731 : vector<16xi32>
      tpu.vector_store_idx %arg13[%shift_right_logical3A_729, %and3A_732], %broadcast_in_dim3A_2 {add = true} : memref<80x128xf32, #tpu.memory_space<vmem>>[vector<16xi32>, vector<16xi32>], vector<16xf32>,
      %get3A_733 = arith.index_cast %mul3A_684 : i32 to index
      %get3A_734 = arith.constant 64 : index
      %get3A_735 = tpu.vector_load %arg10[%get3A_733, %get3A_734] {strides = array<i32>} : memref<25x80xi32, #tpu.memory_space<vmem>>, vector<16xi32>,
      %shift_right_logical3A_736 = arith.constant 7 : i32
      %shift_right_logical3A_737 = vector.broadcast %shift_right_logical3A_736 : i32 to vector<16xi32>
      %shift_right_logical3A_738 = arith.shrui %get3A_735, %shift_right_logical3A_737 : vector<16xi32>
      %and3A_739 = arith.constant 127 : i32
      %and3A_740 = vector.broadcast %and3A_739 : i32 to vector<16xi32>
      %and3A_741 = arith.andi %get3A_735, %and3A_740 : vector<16xi32>
      tpu.vector_store_idx %arg13[%shift_right_logical3A_738, %and3A_741], %broadcast_in_dim3A_2 {add = true} : memref<80x128xf32, #tpu.memory_space<vmem>>[vector<16xi32>, vector<16xi32>], vector<16xf32>,
      %add3A_742 = arith.constant 2 : i32
      %add3A_743 = arith.addi %mul3A_684, %add3A_742 : i32
      %le3A = arith.constant 24 : i32
      %le3A_744 = arith.cmpi sle, %add3A_743, %le3A : i32
      %convert_element_type3A_745 = arith.extui %le3A_744 : i1 to i32
      %cond3A_746 = arith.constant 0 : i32
      %cond3A_747 = arith.cmpi ne, %convert_element_type3A_745, %cond3A_746 : i32
      scf.if %cond3A_747 {
        %dma_wait3A_816 = arith.constant 0 : i32
        %dma_wait3A_817 = arith.constant 0 : i32
        %dma_wait3A_818 = tpu.memref_slice %arg9[%dma_wait3A_816, %dma_wait3A_817] : memref<25x80xi32, #tpu.memory_space<vmem>> -> memref<1x80xi32, #tpu.memory_space<vmem>>
        %dma_wait3A_819 = tpu.memref_squeeze %dma_wait3A_818 : memref<1x80xi32, #tpu.memory_space<vmem>> -> memref<80xi32, #tpu.memory_space<vmem>>
        %dma_wait3A_820 = arith.constant 0 : i32
        %dma_wait3A_821 = arith.constant 0 : i32
        %dma_wait3A_822 = tpu.memref_slice %arg15[%dma_wait3A_820, %dma_wait3A_821] : memref<10000x128xf32, #tpu.memory_space<vmem_shared>> -> memref<10000x128xf32, #tpu.memory_space<vmem_shared>>
        tpu.wait_indirect_dma semaphore(%arg20 : memref<!tpu.dma_semaphore, #tpu.memory_space<semaphore_mem>>) src(%arg12 : memref<80x128xf32, #tpu.memory_space<vmem>>) dst(%dma_wait3A_822 : memref<10000x128xf32, #tpu.memory_space<vmem_shared>>)
        %add3A_823 = arith.constant 2 : i32
        %add3A_824 = arith.addi %mul3A_684, %add3A_823 : i32
        %dma_start3A_825 = arith.constant 0 : i32
        %dma_start3A_826 = tpu.memref_slice %arg8[%add3A_824, %dma_start3A_825] : memref<25x80xi32, #tpu.memory_space<vmem>> -> memref<1x80xi32, #tpu.memory_space<vmem>>
        %dma_start3A_827 = tpu.memref_squeeze %dma_start3A_826 : memref<1x80xi32, #tpu.memory_space<vmem>> -> memref<80xi32, #tpu.memory_space<vmem>>
        %dma_start3A_828 = arith.constant 0 : i32
        %dma_start3A_829 = arith.constant 0 : i32
        %dma_start3A_830 = tpu.memref_slice %arg2[%dma_start3A_828, %dma_start3A_829] : memref<20000x128xf32, #tpu.memory_space<hbm>> -> memref<20000x128xf32, #tpu.memory_space<hbm>>
        tpu.enqueue_indirect_dma source(%dma_start3A_830 : memref<20000x128xf32, #tpu.memory_space<hbm>>) target(%arg12 : memref<80x128xf32, #tpu.memory_space<vmem>>) offsets(%dma_start3A_827 : memref<80xi32, #tpu.memory_space<vmem>>) semaphore(%arg18 : memref<!tpu.dma_semaphore, #tpu.memory_space<semaphore_mem>>)
      } else {
      }
      %mul3A_748 = arith.constant 2 : i32
      %mul3A_749 = arith.muli %mul3A_748, %add3A_682 : i32
      %add3A_750 = arith.constant 1 : i32
      %add3A_751 = arith.addi %mul3A_749, %add3A_750 : i32
      %dma_wait3A_752 = arith.constant 0 : i32
      %dma_wait3A_753 = tpu.memref_slice %arg8[%add3A_751, %dma_wait3A_752] : memref<25x80xi32, #tpu.memory_space<vmem>> -> memref<1x80xi32, #tpu.memory_space<vmem>>
      %dma_wait3A_754 = tpu.memref_squeeze %dma_wait3A_753 : memref<1x80xi32, #tpu.memory_space<vmem>> -> memref<80xi32, #tpu.memory_space<vmem>>
      %dma_wait3A_755 = arith.constant 0 : i32
      %dma_wait3A_756 = arith.constant 0 : i32
      %dma_wait3A_757 = tpu.memref_slice %arg2[%dma_wait3A_755, %dma_wait3A_756] : memref<20000x128xf32, #tpu.memory_space<hbm>> -> memref<20000x128xf32, #tpu.memory_space<hbm>>
      tpu.wait_indirect_dma semaphore(%arg17 : memref<!tpu.dma_semaphore, #tpu.memory_space<semaphore_mem>>) src(%dma_wait3A_757 : memref<20000x128xf32, #tpu.memory_space<hbm>>) dst(%arg11 : memref<80x128xf32, #tpu.memory_space<vmem>>)
      %dma_start3A_758 = arith.constant 0 : i32
      %dma_start3A_759 = tpu.memref_slice %arg10[%add3A_751, %dma_start3A_758] : memref<25x80xi32, #tpu.memory_space<vmem>> -> memref<1x80xi32, #tpu.memory_space<vmem>>
      %dma_start3A_760 = tpu.memref_squeeze %dma_start3A_759 : memref<1x80xi32, #tpu.memory_space<vmem>> -> memref<80xi32, #tpu.memory_space<vmem>>
      %dma_start3A_761 = arith.constant 0 : i32
      %dma_start3A_762 = arith.constant 0 : i32
      %dma_start3A_763 = tpu.memref_slice %arg15[%dma_start3A_761, %dma_start3A_762] : memref<10000x128xf32, #tpu.memory_space<vmem_shared>> -> memref<10000x128xf32, #tpu.memory_space<vmem_shared>>
      tpu.enqueue_indirect_dma source(%arg11 : memref<80x128xf32, #tpu.memory_space<vmem>>) target(%dma_start3A_763 : memref<10000x128xf32, #tpu.memory_space<vmem_shared>>) offsets(%dma_start3A_760 : memref<80xi32, #tpu.memory_space<vmem>>) semaphore(%arg19 : memref<!tpu.dma_semaphore, #tpu.memory_space<semaphore_mem>>) {add = true}
      %get3A_764 = arith.index_cast %add3A_751 : i32 to index
      %get3A_765 = arith.constant 0 : index
      %get3A_766 = tpu.vector_load %arg10[%get3A_764, %get3A_765] {strides = array<i32>} : memref<25x80xi32, #tpu.memory_space<vmem>>, vector<16xi32>,
      %shift_right_logical3A_767 = arith.constant 7 : i32
      %shift_right_logical3A_768 = vector.broadcast %shift_right_logical3A_767 : i32 to vector<16xi32>
      %shift_right_logical3A_769 = arith.shrui %get3A_766, %shift_right_logical3A_768 : vector<16xi32>
      %and3A_770 = arith.constant 127 : i32
      %and3A_771 = vector.broadcast %and3A_770 : i32 to vector<16xi32>
      %and3A_772 = arith.andi %get3A_766, %and3A_771 : vector<16xi32>
      tpu.vector_store_idx %arg13[%shift_right_logical3A_769, %and3A_772], %broadcast_in_dim3A_2 {add = true} : memref<80x128xf32, #tpu.memory_space<vmem>>[vector<16xi32>, vector<16xi32>], vector<16xf32>,
      %get3A_773 = arith.index_cast %add3A_751 : i32 to index
      %get3A_774 = arith.constant 16 : index
      %get3A_775 = tpu.vector_load %arg10[%get3A_773, %get3A_774] {strides = array<i32>} : memref<25x80xi32, #tpu.memory_space<vmem>>, vector<16xi32>,
      %shift_right_logical3A_776 = arith.constant 7 : i32
      %shift_right_logical3A_777 = vector.broadcast %shift_right_logical3A_776 : i32 to vector<16xi32>
      %shift_right_logical3A_778 = arith.shrui %get3A_775, %shift_right_logical3A_777 : vector<16xi32>
      %and3A_779 = arith.constant 127 : i32
      %and3A_780 = vector.broadcast %and3A_779 : i32 to vector<16xi32>
      %and3A_781 = arith.andi %get3A_775, %and3A_780 : vector<16xi32>
      tpu.vector_store_idx %arg13[%shift_right_logical3A_778, %and3A_781], %broadcast_in_dim3A_2 {add = true} : memref<80x128xf32, #tpu.memory_space<vmem>>[vector<16xi32>, vector<16xi32>], vector<16xf32>,
      %get3A_782 = arith.index_cast %add3A_751 : i32 to index
      %get3A_783 = arith.constant 32 : index
      %get3A_784 = tpu.vector_load %arg10[%get3A_782, %get3A_783] {strides = array<i32>} : memref<25x80xi32, #tpu.memory_space<vmem>>, vector<16xi32>,
      %shift_right_logical3A_785 = arith.constant 7 : i32
      %shift_right_logical3A_786 = vector.broadcast %shift_right_logical3A_785 : i32 to vector<16xi32>
      %shift_right_logical3A_787 = arith.shrui %get3A_784, %shift_right_logical3A_786 : vector<16xi32>
      %and3A_788 = arith.constant 127 : i32
      %and3A_789 = vector.broadcast %and3A_788 : i32 to vector<16xi32>
      %and3A_790 = arith.andi %get3A_784, %and3A_789 : vector<16xi32>
      tpu.vector_store_idx %arg13[%shift_right_logical3A_787, %and3A_790], %broadcast_in_dim3A_2 {add = true} : memref<80x128xf32, #tpu.memory_space<vmem>>[vector<16xi32>, vector<16xi32>], vector<16xf32>,
      %get3A_791 = arith.index_cast %add3A_751 : i32 to index
      %get3A_792 = arith.constant 48 : index
      %get3A_793 = tpu.vector_load %arg10[%get3A_791, %get3A_792] {strides = array<i32>} : memref<25x80xi32, #tpu.memory_space<vmem>>, vector<16xi32>,
      %shift_right_logical3A_794 = arith.constant 7 : i32
      %shift_right_logical3A_795 = vector.broadcast %shift_right_logical3A_794 : i32 to vector<16xi32>
      %shift_right_logical3A_796 = arith.shrui %get3A_793, %shift_right_logical3A_795 : vector<16xi32>
      %and3A_797 = arith.constant 127 : i32
      %and3A_798 = vector.broadcast %and3A_797 : i32 to vector<16xi32>
      %and3A_799 = arith.andi %get3A_793, %and3A_798 : vector<16xi32>
      tpu.vector_store_idx %arg13[%shift_right_logical3A_796, %and3A_799], %broadcast_in_dim3A_2 {add = true} : memref<80x128xf32, #tpu.memory_space<vmem>>[vector<16xi32>, vector<16xi32>], vector<16xf32>,
      %get3A_800 = arith.index_cast %add3A_751 : i32 to index
      %get3A_801 = arith.constant 64 : index
      %get3A_802 = tpu.vector_load %arg10[%get3A_800, %get3A_801] {strides = array<i32>} : memref<25x80xi32, #tpu.memory_space<vmem>>, vector<16xi32>,
      %shift_right_logical3A_803 = arith.constant 7 : i32
      %shift_right_logical3A_804 = vector.broadcast %shift_right_logical3A_803 : i32 to vector<16xi32>
      %shift_right_logical3A_805 = arith.shrui %get3A_802, %shift_right_logical3A_804 : vector<16xi32>
      %and3A_806 = arith.constant 127 : i32
      %and3A_807 = vector.broadcast %and3A_806 : i32 to vector<16xi32>
      %and3A_808 = arith.andi %get3A_802, %and3A_807 : vector<16xi32>
      tpu.vector_store_idx %arg13[%shift_right_logical3A_805, %and3A_808], %broadcast_in_dim3A_2 {add = true} : memref<80x128xf32, #tpu.memory_space<vmem>>[vector<16xi32>, vector<16xi32>], vector<16xf32>,
      %add3A_809 = arith.constant 2 : i32
      %add3A_810 = arith.addi %add3A_751, %add3A_809 : i32
      %le3A_811 = arith.constant 24 : i32
      %le3A_812 = arith.cmpi sle, %add3A_810, %le3A_811 : i32
      %convert_element_type3A_813 = arith.extui %le3A_812 : i1 to i32
      %cond3A_814 = arith.constant 0 : i32
      %cond3A_815 = arith.cmpi ne, %convert_element_type3A_813, %cond3A_814 : i32
      scf.if %cond3A_815 {
        %dma_wait3A_816 = arith.constant 0 : i32
        %dma_wait3A_817 = arith.constant 0 : i32
        %dma_wait3A_818 = tpu.memref_slice %arg9[%dma_wait3A_816, %dma_wait3A_817] : memref<25x80xi32, #tpu.memory_space<vmem>> -> memref<1x80xi32, #tpu.memory_space<vmem>>
        %dma_wait3A_819 = tpu.memref_squeeze %dma_wait3A_818 : memref<1x80xi32, #tpu.memory_space<vmem>> -> memref<80xi32, #tpu.memory_space<vmem>>
        %dma_wait3A_820 = arith.constant 0 : i32
        %dma_wait3A_821 = arith.constant 0 : i32
        %dma_wait3A_822 = tpu.memref_slice %arg15[%dma_wait3A_820, %dma_wait3A_821] : memref<10000x128xf32, #tpu.memory_space<vmem_shared>> -> memref<10000x128xf32, #tpu.memory_space<vmem_shared>>
        tpu.wait_indirect_dma semaphore(%arg19 : memref<!tpu.dma_semaphore, #tpu.memory_space<semaphore_mem>>) src(%arg11 : memref<80x128xf32, #tpu.memory_space<vmem>>) dst(%dma_wait3A_822 : memref<10000x128xf32, #tpu.memory_space<vmem_shared>>)
        %add3A_823 = arith.constant 2 : i32
        %add3A_824 = arith.addi %add3A_751, %add3A_823 : i32
        %dma_start3A_825 = arith.constant 0 : i32
        %dma_start3A_826 = tpu.memref_slice %arg8[%add3A_824, %dma_start3A_825] : memref<25x80xi32, #tpu.memory_space<vmem>> -> memref<1x80xi32, #tpu.memory_space<vmem>>
        %dma_start3A_827 = tpu.memref_squeeze %dma_start3A_826 : memref<1x80xi32, #tpu.memory_space<vmem>> -> memref<80xi32, #tpu.memory_space<vmem>>
        %dma_start3A_828 = arith.constant 0 : i32
        %dma_start3A_829 = arith.constant 0 : i32
        %dma_start3A_830 = tpu.memref_slice %arg2[%dma_start3A_828, %dma_start3A_829] : memref<20000x128xf32, #tpu.memory_space<hbm>> -> memref<20000x128xf32, #tpu.memory_space<hbm>>
        tpu.enqueue_indirect_dma source(%dma_start3A_830 : memref<20000x128xf32, #tpu.memory_space<hbm>>) target(%arg11 : memref<80x128xf32, #tpu.memory_space<vmem>>) offsets(%dma_start3A_827 : memref<80xi32, #tpu.memory_space<vmem>>) semaphore(%arg17 : memref<!tpu.dma_semaphore, #tpu.memory_space<semaphore_mem>>)
      } else {
      }
    }
    %scan3A_209 = arith.constant 12 : i32
    %dma_wait3A_210 = arith.constant 24 : i32
    %dma_wait3A_211 = arith.constant 0 : i32
    %dma_wait3A_212 = tpu.memref_slice %arg8[%dma_wait3A_210, %dma_wait3A_211] : memref<25x80xi32, #tpu.memory_space<vmem>> -> memref<1x80xi32, #tpu.memory_space<vmem>>
    %dma_wait3A_213 = tpu.memref_squeeze %dma_wait3A_212 : memref<1x80xi32, #tpu.memory_space<vmem>> -> memref<80xi32, #tpu.memory_space<vmem>>
    %dma_wait3A_214 = arith.constant 0 : i32
    %dma_wait3A_215 = arith.constant 0 : i32
    %dma_wait3A_216 = tpu.memref_slice %arg2[%dma_wait3A_214, %dma_wait3A_215] : memref<20000x128xf32, #tpu.memory_space<hbm>> -> memref<20000x128xf32, #tpu.memory_space<hbm>>
    tpu.wait_indirect_dma semaphore(%arg18 : memref<!tpu.dma_semaphore, #tpu.memory_space<semaphore_mem>>) src(%dma_wait3A_216 : memref<20000x128xf32, #tpu.memory_space<hbm>>) dst(%arg12 : memref<80x128xf32, #tpu.memory_space<vmem>>)
    %dma_start3A_217 = arith.constant 24 : i32
    %dma_start3A_218 = arith.constant 0 : i32
    %dma_start3A_219 = tpu.memref_slice %arg10[%dma_start3A_217, %dma_start3A_218] : memref<25x80xi32, #tpu.memory_space<vmem>> -> memref<1x80xi32, #tpu.memory_space<vmem>>
    %dma_start3A_220 = tpu.memref_squeeze %dma_start3A_219 : memref<1x80xi32, #tpu.memory_space<vmem>> -> memref<80xi32, #tpu.memory_space<vmem>>
    %dma_start3A_221 = arith.constant 0 : i32
    %dma_start3A_222 = arith.constant 0 : i32
    %dma_start3A_223 = tpu.memref_slice %arg15[%dma_start3A_221, %dma_start3A_222] : memref<10000x128xf32, #tpu.memory_space<vmem_shared>> -> memref<10000x128xf32, #tpu.memory_space<vmem_shared>>
    tpu.enqueue_indirect_dma source(%arg12 : memref<80x128xf32, #tpu.memory_space<vmem>>) target(%dma_start3A_223 : memref<10000x128xf32, #tpu.memory_space<vmem_shared>>) offsets(%dma_start3A_220 : memref<80xi32, #tpu.memory_space<vmem>>) semaphore(%arg20 : memref<!tpu.dma_semaphore, #tpu.memory_space<semaphore_mem>>) {add = true}
    %get3A_224 = arith.constant 24 : i32
    %get3A_225 = arith.index_cast %get3A_224 : i32 to index
    %get3A_226 = arith.constant 0 : index
    %get3A_227 = tpu.vector_load %arg10[%get3A_225, %get3A_226] {strides = array<i32>} : memref<25x80xi32, #tpu.memory_space<vmem>>, vector<16xi32>,
    %shift_right_logical3A_228 = arith.constant 7 : i32
    %shift_right_logical3A_229 = vector.broadcast %shift_right_logical3A_228 : i32 to vector<16xi32>
    %shift_right_logical3A_230 = arith.shrui %get3A_227, %shift_right_logical3A_229 : vector<16xi32>
    %and3A_231 = arith.constant 127 : i32
    %and3A_232 = vector.broadcast %and3A_231 : i32 to vector<16xi32>
    %and3A_233 = arith.andi %get3A_227, %and3A_232 : vector<16xi32>
    tpu.vector_store_idx %arg13[%shift_right_logical3A_230, %and3A_233], %broadcast_in_dim3A_2 {add = true} : memref<80x128xf32, #tpu.memory_space<vmem>>[vector<16xi32>, vector<16xi32>], vector<16xf32>,
    %get3A_234 = arith.constant 24 : i32
    %get3A_235 = arith.index_cast %get3A_234 : i32 to index
    %get3A_236 = arith.constant 16 : index
    %get3A_237 = tpu.vector_load %arg10[%get3A_235, %get3A_236] {strides = array<i32>} : memref<25x80xi32, #tpu.memory_space<vmem>>, vector<16xi32>,
    %shift_right_logical3A_238 = arith.constant 7 : i32
    %shift_right_logical3A_239 = vector.broadcast %shift_right_logical3A_238 : i32 to vector<16xi32>
    %shift_right_logical3A_240 = arith.shrui %get3A_237, %shift_right_logical3A_239 : vector<16xi32>
    %and3A_241 = arith.constant 127 : i32
    %and3A_242 = vector.broadcast %and3A_241 : i32 to vector<16xi32>
    %and3A_243 = arith.andi %get3A_237, %and3A_242 : vector<16xi32>
    tpu.vector_store_idx %arg13[%shift_right_logical3A_240, %and3A_243], %broadcast_in_dim3A_2 {add = true} : memref<80x128xf32, #tpu.memory_space<vmem>>[vector<16xi32>, vector<16xi32>], vector<16xf32>,
    %get3A_244 = arith.constant 24 : i32
    %get3A_245 = arith.index_cast %get3A_244 : i32 to index
    %get3A_246 = arith.constant 32 : index
    %get3A_247 = tpu.vector_load %arg10[%get3A_245, %get3A_246] {strides = array<i32>} : memref<25x80xi32, #tpu.memory_space<vmem>>, vector<16xi32>,
    %shift_right_logical3A_248 = arith.constant 7 : i32
    %shift_right_logical3A_249 = vector.broadcast %shift_right_logical3A_248 : i32 to vector<16xi32>
    %shift_right_logical3A_250 = arith.shrui %get3A_247, %shift_right_logical3A_249 : vector<16xi32>
    %and3A_251 = arith.constant 127 : i32
    %and3A_252 = vector.broadcast %and3A_251 : i32 to vector<16xi32>
    %and3A_253 = arith.andi %get3A_247, %and3A_252 : vector<16xi32>
    tpu.vector_store_idx %arg13[%shift_right_logical3A_250, %and3A_253], %broadcast_in_dim3A_2 {add = true} : memref<80x128xf32, #tpu.memory_space<vmem>>[vector<16xi32>, vector<16xi32>], vector<16xf32>,
    %get3A_254 = arith.constant 24 : i32
    %get3A_255 = arith.index_cast %get3A_254 : i32 to index
    %get3A_256 = arith.constant 48 : index
    %get3A_257 = tpu.vector_load %arg10[%get3A_255, %get3A_256] {strides = array<i32>} : memref<25x80xi32, #tpu.memory_space<vmem>>, vector<16xi32>,
    %shift_right_logical3A_258 = arith.constant 7 : i32
    %shift_right_logical3A_259 = vector.broadcast %shift_right_logical3A_258 : i32 to vector<16xi32>
    %shift_right_logical3A_260 = arith.shrui %get3A_257, %shift_right_logical3A_259 : vector<16xi32>
    %and3A_261 = arith.constant 127 : i32
    %and3A_262 = vector.broadcast %and3A_261 : i32 to vector<16xi32>
    %and3A_263 = arith.andi %get3A_257, %and3A_262 : vector<16xi32>
    tpu.vector_store_idx %arg13[%shift_right_logical3A_260, %and3A_263], %broadcast_in_dim3A_2 {add = true} : memref<80x128xf32, #tpu.memory_space<vmem>>[vector<16xi32>, vector<16xi32>], vector<16xf32>,
    %get3A_264 = arith.constant 24 : i32
    %get3A_265 = arith.index_cast %get3A_264 : i32 to index
    %get3A_266 = arith.constant 64 : index
    %get3A_267 = tpu.vector_load %arg10[%get3A_265, %get3A_266] {strides = array<i32>} : memref<25x80xi32, #tpu.memory_space<vmem>>, vector<16xi32>,
    %shift_right_logical3A_268 = arith.constant 7 : i32
    %shift_right_logical3A_269 = vector.broadcast %shift_right_logical3A_268 : i32 to vector<16xi32>
    %shift_right_logical3A_270 = arith.shrui %get3A_267, %shift_right_logical3A_269 : vector<16xi32>
    %and3A_271 = arith.constant 127 : i32
    %and3A_272 = vector.broadcast %and3A_271 : i32 to vector<16xi32>
    %and3A_273 = arith.andi %get3A_267, %and3A_272 : vector<16xi32>
    tpu.vector_store_idx %arg13[%shift_right_logical3A_270, %and3A_273], %broadcast_in_dim3A_2 {add = true} : memref<80x128xf32, #tpu.memory_space<vmem>>[vector<16xi32>, vector<16xi32>], vector<16xf32>,
    %dma_wait3A_274 = arith.constant 2 : i32
    %dma_wait3A_275 = arith.constant 0 : i32
    %dma_wait3A_276 = arith.constant 0 : i32
    %dma_wait3A_277 = tpu.memref_slice %arg3[%arg0, %arg1, %dma_wait3A_274, %dma_wait3A_275, %dma_wait3A_276] : memref<2x16x5x25x80xi32, #tpu.memory_space<hbm>> -> memref<1x1x1x25x80xi32, #tpu.memory_space<hbm>>
    %dma_wait3A_278 = tpu.memref_squeeze %dma_wait3A_277 : memref<1x1x1x25x80xi32, #tpu.memory_space<hbm>> -> memref<25x80xi32, #tpu.memory_space<hbm>>
    %dma_wait3A_279 = arith.constant 0 : i32
    %dma_wait3A_280 = arith.constant 0 : i32
    %dma_wait3A_281 = tpu.memref_slice %arg3[%arg0, %arg1, %dma_wait3A_274, %dma_wait3A_279, %dma_wait3A_280] : memref<2x16x5x25x80xi32, #tpu.memory_space<hbm>> -> memref<1x1x1x25x80xi32, #tpu.memory_space<hbm>>
    %dma_wait3A_282 = tpu.memref_squeeze %dma_wait3A_281 : memref<1x1x1x25x80xi32, #tpu.memory_space<hbm>> -> memref<25x80xi32, #tpu.memory_space<hbm>>
    tpu.wait_dma2 semaphore(%arg21 : memref<!tpu.dma_semaphore, #tpu.memory_space<semaphore_mem>>) src(%dma_wait3A_282 : memref<25x80xi32, #tpu.memory_space<hbm>>) dst(%arg7 : memref<25x80xi32, #tpu.memory_space<vmem>>)
    %dma_wait3A_283 = arith.constant 2 : i32
    %dma_wait3A_284 = arith.constant 0 : i32
    %dma_wait3A_285 = arith.constant 0 : i32
    %dma_wait3A_286 = tpu.memref_slice %arg4[%arg1, %dma_wait3A_283, %dma_wait3A_284, %dma_wait3A_285] : memref<16x5x25x80xi32, #tpu.memory_space<hbm>> -> memref<1x1x25x80xi32, #tpu.memory_space<hbm>>
    %dma_wait3A_287 = tpu.memref_squeeze %dma_wait3A_286 : memref<1x1x25x80xi32, #tpu.memory_space<hbm>> -> memref<25x80xi32, #tpu.memory_space<hbm>>
    %dma_wait3A_288 = arith.constant 0 : i32
    %dma_wait3A_289 = arith.constant 0 : i32
    %dma_wait3A_290 = tpu.memref_slice %arg4[%arg1, %dma_wait3A_283, %dma_wait3A_288, %dma_wait3A_289] : memref<16x5x25x80xi32, #tpu.memory_space<hbm>> -> memref<1x1x25x80xi32, #tpu.memory_space<hbm>>
    %dma_wait3A_291 = tpu.memref_squeeze %dma_wait3A_290 : memref<1x1x25x80xi32, #tpu.memory_space<hbm>> -> memref<25x80xi32, #tpu.memory_space<hbm>>
    tpu.wait_dma2 semaphore(%arg21 : memref<!tpu.dma_semaphore, #tpu.memory_space<semaphore_mem>>) src(%dma_wait3A_291 : memref<25x80xi32, #tpu.memory_space<hbm>>) dst(%arg9 : memref<25x80xi32, #tpu.memory_space<vmem>>)
    %dma_wait3A_292 = arith.constant 0 : i32
    %dma_wait3A_293 = arith.constant 0 : i32
    %dma_wait3A_294 = tpu.memref_slice %arg9[%dma_wait3A_292, %dma_wait3A_293] : memref<25x80xi32, #tpu.memory_space<vmem>> -> memref<1x80xi32, #tpu.memory_space<vmem>>
    %dma_wait3A_295 = tpu.memref_squeeze %dma_wait3A_294 : memref<1x80xi32, #tpu.memory_space<vmem>> -> memref<80xi32, #tpu.memory_space<vmem>>
    %dma_wait3A_296 = arith.constant 0 : i32
    %dma_wait3A_297 = arith.constant 0 : i32
    %dma_wait3A_298 = tpu.memref_slice %arg15[%dma_wait3A_296, %dma_wait3A_297] : memref<10000x128xf32, #tpu.memory_space<vmem_shared>> -> memref<10000x128xf32, #tpu.memory_space<vmem_shared>>
    tpu.wait_indirect_dma semaphore(%arg19 : memref<!tpu.dma_semaphore, #tpu.memory_space<semaphore_mem>>) src(%arg11 : memref<80x128xf32, #tpu.memory_space<vmem>>) dst(%dma_wait3A_298 : memref<10000x128xf32, #tpu.memory_space<vmem_shared>>)
    %dma_start3A_299 = arith.constant 0 : i32
    %dma_start3A_300 = arith.constant 0 : i32
    %dma_start3A_301 = tpu.memref_slice %arg7[%dma_start3A_299, %dma_start3A_300] : memref<25x80xi32, #tpu.memory_space<vmem>> -> memref<1x80xi32, #tpu.memory_space<vmem>>
    %dma_start3A_302 = tpu.memref_squeeze %dma_start3A_301 : memref<1x80xi32, #tpu.memory_space<vmem>> -> memref<80xi32, #tpu.memory_space<vmem>>
    %dma_start3A_303 = arith.constant 0 : i32
    %dma_start3A_304 = arith.constant 0 : i32
    %dma_start3A_305 = tpu.memref_slice %arg2[%dma_start3A_303, %dma_start3A_304] : memref<20000x128xf32, #tpu.memory_space<hbm>> -> memref<20000x128xf32, #tpu.memory_space<hbm>>
    tpu.enqueue_indirect_dma source(%dma_start3A_305 : memref<20000x128xf32, #tpu.memory_space<hbm>>) target(%arg11 : memref<80x128xf32, #tpu.memory_space<vmem>>) offsets(%dma_start3A_302 : memref<80xi32, #tpu.memory_space<vmem>>) semaphore(%arg17 : memref<!tpu.dma_semaphore, #tpu.memory_space<semaphore_mem>>)
    %dma_wait3A_306 = arith.constant 0 : i32
    %dma_wait3A_307 = arith.constant 0 : i32
    %dma_wait3A_308 = tpu.memref_slice %arg9[%dma_wait3A_306, %dma_wait3A_307] : memref<25x80xi32, #tpu.memory_space<vmem>> -> memref<1x80xi32, #tpu.memory_space<vmem>>
    %dma_wait3A_309 = tpu.memref_squeeze %dma_wait3A_308 : memref<1x80xi32, #tpu.memory_space<vmem>> -> memref<80xi32, #tpu.memory_space<vmem>>
    %dma_wait3A_310 = arith.constant 0 : i32
    %dma_wait3A_311 = arith.constant 0 : i32
    %dma_wait3A_312 = tpu.memref_slice %arg15[%dma_wait3A_310, %dma_wait3A_311] : memref<10000x128xf32, #tpu.memory_space<vmem_shared>> -> memref<10000x128xf32, #tpu.memory_space<vmem_shared>>
    tpu.wait_indirect_dma semaphore(%arg20 : memref<!tpu.dma_semaphore, #tpu.memory_space<semaphore_mem>>) src(%arg12 : memref<80x128xf32, #tpu.memory_space<vmem>>) dst(%dma_wait3A_312 : memref<10000x128xf32, #tpu.memory_space<vmem_shared>>)
    %dma_start3A_313 = arith.constant 1 : i32
    %dma_start3A_314 = arith.constant 0 : i32
    %dma_start3A_315 = tpu.memref_slice %arg7[%dma_start3A_313, %dma_start3A_314] : memref<25x80xi32, #tpu.memory_space<vmem>> -> memref<1x80xi32, #tpu.memory_space<vmem>>
    %dma_start3A_316 = tpu.memref_squeeze %dma_start3A_315 : memref<1x80xi32, #tpu.memory_space<vmem>> -> memref<80xi32, #tpu.memory_space<vmem>>
    %dma_start3A_317 = arith.constant 0 : i32
    %dma_start3A_318 = arith.constant 0 : i32
    %dma_start3A_319 = tpu.memref_slice %arg2[%dma_start3A_317, %dma_start3A_318] : memref<20000x128xf32, #tpu.memory_space<hbm>> -> memref<20000x128xf32, #tpu.memory_space<hbm>>
    tpu.enqueue_indirect_dma source(%dma_start3A_319 : memref<20000x128xf32, #tpu.memory_space<hbm>>) target(%arg12 : memref<80x128xf32, #tpu.memory_space<vmem>>) offsets(%dma_start3A_316 : memref<80xi32, #tpu.memory_space<vmem>>) semaphore(%arg18 : memref<!tpu.dma_semaphore, #tpu.memory_space<semaphore_mem>>)
    %dma_start3A_320 = arith.constant 3 : i32
    %dma_start3A_321 = arith.constant 0 : i32
    %dma_start3A_322 = arith.constant 0 : i32
    %dma_start3A_323 = tpu.memref_slice %arg3[%arg0, %arg1, %dma_start3A_320, %dma_start3A_321, %dma_start3A_322] : memref<2x16x5x25x80xi32, #tpu.memory_space<hbm>> -> memref<1x1x1x25x80xi32, #tpu.memory_space<hbm>>
    %dma_start3A_324 = tpu.memref_squeeze %dma_start3A_323 : memref<1x1x1x25x80xi32, #tpu.memory_space<hbm>> -> memref<25x80xi32, #tpu.memory_space<hbm>>
    %dma_start3A_325 = arith.constant 0 : i32
    %dma_start3A_326 = arith.constant 0 : i32
    %dma_start3A_327 = tpu.memref_slice %arg3[%arg0, %arg1, %dma_start3A_320, %dma_start3A_325, %dma_start3A_326] : memref<2x16x5x25x80xi32, #tpu.memory_space<hbm>> -> memref<1x1x1x25x80xi32, #tpu.memory_space<hbm>>
    %dma_start3A_328 = tpu.memref_squeeze %dma_start3A_327 : memref<1x1x1x25x80xi32, #tpu.memory_space<hbm>> -> memref<25x80xi32, #tpu.memory_space<hbm>>
    tpu.enqueue_dma source(%dma_start3A_328 : memref<25x80xi32, #tpu.memory_space<hbm>>) target(%arg8 : memref<25x80xi32, #tpu.memory_space<vmem>>) target_semaphore(%arg21 : memref<!tpu.dma_semaphore, #tpu.memory_space<semaphore_mem>>)
    %dma_start3A_329 = arith.constant 3 : i32
    %dma_start3A_330 = arith.constant 0 : i32
    %dma_start3A_331 = arith.constant 0 : i32
    %dma_start3A_332 = tpu.memref_slice %arg4[%arg1, %dma_start3A_329, %dma_start3A_330, %dma_start3A_331] : memref<16x5x25x80xi32, #tpu.memory_space<hbm>> -> memref<1x1x25x80xi32, #tpu.memory_space<hbm>>
    %dma_start3A_333 = tpu.memref_squeeze %dma_start3A_332 : memref<1x1x25x80xi32, #tpu.memory_space<hbm>> -> memref<25x80xi32, #tpu.memory_space<hbm>>
    %dma_start3A_334 = arith.constant 0 : i32
    %dma_start3A_335 = arith.constant 0 : i32
    %dma_start3A_336 = tpu.memref_slice %arg4[%arg1, %dma_start3A_329, %dma_start3A_334, %dma_start3A_335] : memref<16x5x25x80xi32, #tpu.memory_space<hbm>> -> memref<1x1x25x80xi32, #tpu.memory_space<hbm>>
    %dma_start3A_337 = tpu.memref_squeeze %dma_start3A_336 : memref<1x1x25x80xi32, #tpu.memory_space<hbm>> -> memref<25x80xi32, #tpu.memory_space<hbm>>
    tpu.enqueue_dma source(%dma_start3A_337 : memref<25x80xi32, #tpu.memory_space<hbm>>) target(%arg10 : memref<25x80xi32, #tpu.memory_space<vmem>>) target_semaphore(%arg21 : memref<!tpu.dma_semaphore, #tpu.memory_space<semaphore_mem>>)
    %scan3A_338 = arith.constant 0 : i32
    %scan3A_339 = arith.constant 12 : i32
    %scan3A_340 = arith.addi %scan3A_338, %scan3A_339 : i32
    %scan3A_341 = arith.constant 1 : i32
    scf.for %scan3A_678 = %scan3A_338 to %scan3A_340 step %scan3A_341  : i32 {
      %mul3A_679 = arith.constant 1 : i32
      %mul3A_680 = arith.muli %scan3A_678, %mul3A_679 : i32
      %add3A_681 = arith.constant 0 : i32
      %add3A_682 = arith.addi %add3A_681, %mul3A_680 : i32
      %mul3A_683 = arith.constant 2 : i32
      %mul3A_684 = arith.muli %mul3A_683, %add3A_682 : i32
      %dma_wait3A_685 = arith.constant 0 : i32
      %dma_wait3A_686 = tpu.memref_slice %arg7[%mul3A_684, %dma_wait3A_685] : memref<25x80xi32, #tpu.memory_space<vmem>> -> memref<1x80xi32, #tpu.memory_space<vmem>>
      %dma_wait3A_687 = tpu.memref_squeeze %dma_wait3A_686 : memref<1x80xi32, #tpu.memory_space<vmem>> -> memref<80xi32, #tpu.memory_space<vmem>>
      %dma_wait3A_688 = arith.constant 0 : i32
      %dma_wait3A_689 = arith.constant 0 : i32
      %dma_wait3A_690 = tpu.memref_slice %arg2[%dma_wait3A_688, %dma_wait3A_689] : memref<20000x128xf32, #tpu.memory_space<hbm>> -> memref<20000x128xf32, #tpu.memory_space<hbm>>
      tpu.wait_indirect_dma semaphore(%arg17 : memref<!tpu.dma_semaphore, #tpu.memory_space<semaphore_mem>>) src(%dma_wait3A_690 : memref<20000x128xf32, #tpu.memory_space<hbm>>) dst(%arg11 : memref<80x128xf32, #tpu.memory_space<vmem>>)
      %dma_start3A_691 = arith.constant 0 : i32
      %dma_start3A_692 = tpu.memref_slice %arg9[%mul3A_684, %dma_start3A_691] : memref<25x80xi32, #tpu.memory_space<vmem>> -> memref<1x80xi32, #tpu.memory_space<vmem>>
      %dma_start3A_693 = tpu.memref_squeeze %dma_start3A_692 : memref<1x80xi32, #tpu.memory_space<vmem>> -> memref<80xi32, #tpu.memory_space<vmem>>
      %dma_start3A_694 = arith.constant 0 : i32
      %dma_start3A_695 = arith.constant 0 : i32
      %dma_start3A_696 = tpu.memref_slice %arg15[%dma_start3A_694, %dma_start3A_695] : memref<10000x128xf32, #tpu.memory_space<vmem_shared>> -> memref<10000x128xf32, #tpu.memory_space<vmem_shared>>
      tpu.enqueue_indirect_dma source(%arg11 : memref<80x128xf32, #tpu.memory_space<vmem>>) target(%dma_start3A_696 : memref<10000x128xf32, #tpu.memory_space<vmem_shared>>) offsets(%dma_start3A_693 : memref<80xi32, #tpu.memory_space<vmem>>) semaphore(%arg19 : memref<!tpu.dma_semaphore, #tpu.memory_space<semaphore_mem>>) {add = true}
      %get3A_697 = arith.index_cast %mul3A_684 : i32 to index
      %get3A_698 = arith.constant 0 : index
      %get3A_699 = tpu.vector_load %arg9[%get3A_697, %get3A_698] {strides = array<i32>} : memref<25x80xi32, #tpu.memory_space<vmem>>, vector<16xi32>,
      %shift_right_logical3A_700 = arith.constant 7 : i32
      %shift_right_logical3A_701 = vector.broadcast %shift_right_logical3A_700 : i32 to vector<16xi32>
      %shift_right_logical3A_702 = arith.shrui %get3A_699, %shift_right_logical3A_701 : vector<16xi32>
      %and3A_703 = arith.constant 127 : i32
      %and3A_704 = vector.broadcast %and3A_703 : i32 to vector<16xi32>
      %and3A_705 = arith.andi %get3A_699, %and3A_704 : vector<16xi32>
      tpu.vector_store_idx %arg13[%shift_right_logical3A_702, %and3A_705], %broadcast_in_dim3A_2 {add = true} : memref<80x128xf32, #tpu.memory_space<vmem>>[vector<16xi32>, vector<16xi32>], vector<16xf32>,
      %get3A_706 = arith.index_cast %mul3A_684 : i32 to index
      %get3A_707 = arith.constant 16 : index
      %get3A_708 = tpu.vector_load %arg9[%get3A_706, %get3A_707] {strides = array<i32>} : memref<25x80xi32, #tpu.memory_space<vmem>>, vector<16xi32>,
      %shift_right_logical3A_709 = arith.constant 7 : i32
      %shift_right_logical3A_710 = vector.broadcast %shift_right_logical3A_709 : i32 to vector<16xi32>
      %shift_right_logical3A_711 = arith.shrui %get3A_708, %shift_right_logical3A_710 : vector<16xi32>
      %and3A_712 = arith.constant 127 : i32
      %and3A_713 = vector.broadcast %and3A_712 : i32 to vector<16xi32>
      %and3A_714 = arith.andi %get3A_708, %and3A_713 : vector<16xi32>
      tpu.vector_store_idx %arg13[%shift_right_logical3A_711, %and3A_714], %broadcast_in_dim3A_2 {add = true} : memref<80x128xf32, #tpu.memory_space<vmem>>[vector<16xi32>, vector<16xi32>], vector<16xf32>,
      %get3A_715 = arith.index_cast %mul3A_684 : i32 to index
      %get3A_716 = arith.constant 32 : index
      %get3A_717 = tpu.vector_load %arg9[%get3A_715, %get3A_716] {strides = array<i32>} : memref<25x80xi32, #tpu.memory_space<vmem>>, vector<16xi32>,
      %shift_right_logical3A_718 = arith.constant 7 : i32
      %shift_right_logical3A_719 = vector.broadcast %shift_right_logical3A_718 : i32 to vector<16xi32>
      %shift_right_logical3A_720 = arith.shrui %get3A_717, %shift_right_logical3A_719 : vector<16xi32>
      %and3A_721 = arith.constant 127 : i32
      %and3A_722 = vector.broadcast %and3A_721 : i32 to vector<16xi32>
      %and3A_723 = arith.andi %get3A_717, %and3A_722 : vector<16xi32>
      tpu.vector_store_idx %arg13[%shift_right_logical3A_720, %and3A_723], %broadcast_in_dim3A_2 {add = true} : memref<80x128xf32, #tpu.memory_space<vmem>>[vector<16xi32>, vector<16xi32>], vector<16xf32>,
      %get3A_724 = arith.index_cast %mul3A_684 : i32 to index
      %get3A_725 = arith.constant 48 : index
      %get3A_726 = tpu.vector_load %arg9[%get3A_724, %get3A_725] {strides = array<i32>} : memref<25x80xi32, #tpu.memory_space<vmem>>, vector<16xi32>,
      %shift_right_logical3A_727 = arith.constant 7 : i32
      %shift_right_logical3A_728 = vector.broadcast %shift_right_logical3A_727 : i32 to vector<16xi32>
      %shift_right_logical3A_729 = arith.shrui %get3A_726, %shift_right_logical3A_728 : vector<16xi32>
      %and3A_730 = arith.constant 127 : i32
      %and3A_731 = vector.broadcast %and3A_730 : i32 to vector<16xi32>
      %and3A_732 = arith.andi %get3A_726, %and3A_731 : vector<16xi32>
      tpu.vector_store_idx %arg13[%shift_right_logical3A_729, %and3A_732], %broadcast_in_dim3A_2 {add = true} : memref<80x128xf32, #tpu.memory_space<vmem>>[vector<16xi32>, vector<16xi32>], vector<16xf32>,
      %get3A_733 = arith.index_cast %mul3A_684 : i32 to index
      %get3A_734 = arith.constant 64 : index
      %get3A_735 = tpu.vector_load %arg9[%get3A_733, %get3A_734] {strides = array<i32>} : memref<25x80xi32, #tpu.memory_space<vmem>>, vector<16xi32>,
      %shift_right_logical3A_736 = arith.constant 7 : i32
      %shift_right_logical3A_737 = vector.broadcast %shift_right_logical3A_736 : i32 to vector<16xi32>
      %shift_right_logical3A_738 = arith.shrui %get3A_735, %shift_right_logical3A_737 : vector<16xi32>
      %and3A_739 = arith.constant 127 : i32
      %and3A_740 = vector.broadcast %and3A_739 : i32 to vector<16xi32>
      %and3A_741 = arith.andi %get3A_735, %and3A_740 : vector<16xi32>
      tpu.vector_store_idx %arg13[%shift_right_logical3A_738, %and3A_741], %broadcast_in_dim3A_2 {add = true} : memref<80x128xf32, #tpu.memory_space<vmem>>[vector<16xi32>, vector<16xi32>], vector<16xf32>,
      %add3A_742 = arith.constant 2 : i32
      %add3A_743 = arith.addi %mul3A_684, %add3A_742 : i32
      %le3A = arith.constant 24 : i32
      %le3A_744 = arith.cmpi sle, %add3A_743, %le3A : i32
      %convert_element_type3A_745 = arith.extui %le3A_744 : i1 to i32
      %cond3A_746 = arith.constant 0 : i32
      %cond3A_747 = arith.cmpi ne, %convert_element_type3A_745, %cond3A_746 : i32
      scf.if %cond3A_747 {
        %dma_wait3A_816 = arith.constant 0 : i32
        %dma_wait3A_817 = arith.constant 0 : i32
        %dma_wait3A_818 = tpu.memref_slice %arg9[%dma_wait3A_816, %dma_wait3A_817] : memref<25x80xi32, #tpu.memory_space<vmem>> -> memref<1x80xi32, #tpu.memory_space<vmem>>
        %dma_wait3A_819 = tpu.memref_squeeze %dma_wait3A_818 : memref<1x80xi32, #tpu.memory_space<vmem>> -> memref<80xi32, #tpu.memory_space<vmem>>
        %dma_wait3A_820 = arith.constant 0 : i32
        %dma_wait3A_821 = arith.constant 0 : i32
        %dma_wait3A_822 = tpu.memref_slice %arg15[%dma_wait3A_820, %dma_wait3A_821] : memref<10000x128xf32, #tpu.memory_space<vmem_shared>> -> memref<10000x128xf32, #tpu.memory_space<vmem_shared>>
        tpu.wait_indirect_dma semaphore(%arg19 : memref<!tpu.dma_semaphore, #tpu.memory_space<semaphore_mem>>) src(%arg11 : memref<80x128xf32, #tpu.memory_space<vmem>>) dst(%dma_wait3A_822 : memref<10000x128xf32, #tpu.memory_space<vmem_shared>>)
        %add3A_823 = arith.constant 2 : i32
        %add3A_824 = arith.addi %mul3A_684, %add3A_823 : i32
        %dma_start3A_825 = arith.constant 0 : i32
        %dma_start3A_826 = tpu.memref_slice %arg7[%add3A_824, %dma_start3A_825] : memref<25x80xi32, #tpu.memory_space<vmem>> -> memref<1x80xi32, #tpu.memory_space<vmem>>
        %dma_start3A_827 = tpu.memref_squeeze %dma_start3A_826 : memref<1x80xi32, #tpu.memory_space<vmem>> -> memref<80xi32, #tpu.memory_space<vmem>>
        %dma_start3A_828 = arith.constant 0 : i32
        %dma_start3A_829 = arith.constant 0 : i32
        %dma_start3A_830 = tpu.memref_slice %arg2[%dma_start3A_828, %dma_start3A_829] : memref<20000x128xf32, #tpu.memory_space<hbm>> -> memref<20000x128xf32, #tpu.memory_space<hbm>>
        tpu.enqueue_indirect_dma source(%dma_start3A_830 : memref<20000x128xf32, #tpu.memory_space<hbm>>) target(%arg11 : memref<80x128xf32, #tpu.memory_space<vmem>>) offsets(%dma_start3A_827 : memref<80xi32, #tpu.memory_space<vmem>>) semaphore(%arg17 : memref<!tpu.dma_semaphore, #tpu.memory_space<semaphore_mem>>)
      } else {
      }
      %mul3A_748 = arith.constant 2 : i32
      %mul3A_749 = arith.muli %mul3A_748, %add3A_682 : i32
      %add3A_750 = arith.constant 1 : i32
      %add3A_751 = arith.addi %mul3A_749, %add3A_750 : i32
      %dma_wait3A_752 = arith.constant 0 : i32
      %dma_wait3A_753 = tpu.memref_slice %arg7[%add3A_751, %dma_wait3A_752] : memref<25x80xi32, #tpu.memory_space<vmem>> -> memref<1x80xi32, #tpu.memory_space<vmem>>
      %dma_wait3A_754 = tpu.memref_squeeze %dma_wait3A_753 : memref<1x80xi32, #tpu.memory_space<vmem>> -> memref<80xi32, #tpu.memory_space<vmem>>
      %dma_wait3A_755 = arith.constant 0 : i32
      %dma_wait3A_756 = arith.constant 0 : i32
      %dma_wait3A_757 = tpu.memref_slice %arg2[%dma_wait3A_755, %dma_wait3A_756] : memref<20000x128xf32, #tpu.memory_space<hbm>> -> memref<20000x128xf32, #tpu.memory_space<hbm>>
      tpu.wait_indirect_dma semaphore(%arg18 : memref<!tpu.dma_semaphore, #tpu.memory_space<semaphore_mem>>) src(%dma_wait3A_757 : memref<20000x128xf32, #tpu.memory_space<hbm>>) dst(%arg12 : memref<80x128xf32, #tpu.memory_space<vmem>>)
      %dma_start3A_758 = arith.constant 0 : i32
      %dma_start3A_759 = tpu.memref_slice %arg9[%add3A_751, %dma_start3A_758] : memref<25x80xi32, #tpu.memory_space<vmem>> -> memref<1x80xi32, #tpu.memory_space<vmem>>
      %dma_start3A_760 = tpu.memref_squeeze %dma_start3A_759 : memref<1x80xi32, #tpu.memory_space<vmem>> -> memref<80xi32, #tpu.memory_space<vmem>>
      %dma_start3A_761 = arith.constant 0 : i32
      %dma_start3A_762 = arith.constant 0 : i32
      %dma_start3A_763 = tpu.memref_slice %arg15[%dma_start3A_761, %dma_start3A_762] : memref<10000x128xf32, #tpu.memory_space<vmem_shared>> -> memref<10000x128xf32, #tpu.memory_space<vmem_shared>>
      tpu.enqueue_indirect_dma source(%arg12 : memref<80x128xf32, #tpu.memory_space<vmem>>) target(%dma_start3A_763 : memref<10000x128xf32, #tpu.memory_space<vmem_shared>>) offsets(%dma_start3A_760 : memref<80xi32, #tpu.memory_space<vmem>>) semaphore(%arg20 : memref<!tpu.dma_semaphore, #tpu.memory_space<semaphore_mem>>) {add = true}
      %get3A_764 = arith.index_cast %add3A_751 : i32 to index
      %get3A_765 = arith.constant 0 : index
      %get3A_766 = tpu.vector_load %arg9[%get3A_764, %get3A_765] {strides = array<i32>} : memref<25x80xi32, #tpu.memory_space<vmem>>, vector<16xi32>,
      %shift_right_logical3A_767 = arith.constant 7 : i32
      %shift_right_logical3A_768 = vector.broadcast %shift_right_logical3A_767 : i32 to vector<16xi32>
      %shift_right_logical3A_769 = arith.shrui %get3A_766, %shift_right_logical3A_768 : vector<16xi32>
      %and3A_770 = arith.constant 127 : i32
      %and3A_771 = vector.broadcast %and3A_770 : i32 to vector<16xi32>
      %and3A_772 = arith.andi %get3A_766, %and3A_771 : vector<16xi32>
      tpu.vector_store_idx %arg13[%shift_right_logical3A_769, %and3A_772], %broadcast_in_dim3A_2 {add = true} : memref<80x128xf32, #tpu.memory_space<vmem>>[vector<16xi32>, vector<16xi32>], vector<16xf32>,
      %get3A_773 = arith.index_cast %add3A_751 : i32 to index
      %get3A_774 = arith.constant 16 : index
      %get3A_775 = tpu.vector_load %arg9[%get3A_773, %get3A_774] {strides = array<i32>} : memref<25x80xi32, #tpu.memory_space<vmem>>, vector<16xi32>,
      %shift_right_logical3A_776 = arith.constant 7 : i32
      %shift_right_logical3A_777 = vector.broadcast %shift_right_logical3A_776 : i32 to vector<16xi32>
      %shift_right_logical3A_778 = arith.shrui %get3A_775, %shift_right_logical3A_777 : vector<16xi32>
      %and3A_779 = arith.constant 127 : i32
      %and3A_780 = vector.broadcast %and3A_779 : i32 to vector<16xi32>
      %and3A_781 = arith.andi %get3A_775, %and3A_780 : vector<16xi32>
      tpu.vector_store_idx %arg13[%shift_right_logical3A_778, %and3A_781], %broadcast_in_dim3A_2 {add = true} : memref<80x128xf32, #tpu.memory_space<vmem>>[vector<16xi32>, vector<16xi32>], vector<16xf32>,
      %get3A_782 = arith.index_cast %add3A_751 : i32 to index
      %get3A_783 = arith.constant 32 : index
      %get3A_784 = tpu.vector_load %arg9[%get3A_782, %get3A_783] {strides = array<i32>} : memref<25x80xi32, #tpu.memory_space<vmem>>, vector<16xi32>,
      %shift_right_logical3A_785 = arith.constant 7 : i32
      %shift_right_logical3A_786 = vector.broadcast %shift_right_logical3A_785 : i32 to vector<16xi32>
      %shift_right_logical3A_787 = arith.shrui %get3A_784, %shift_right_logical3A_786 : vector<16xi32>
      %and3A_788 = arith.constant 127 : i32
      %and3A_789 = vector.broadcast %and3A_788 : i32 to vector<16xi32>
      %and3A_790 = arith.andi %get3A_784, %and3A_789 : vector<16xi32>
      tpu.vector_store_idx %arg13[%shift_right_logical3A_787, %and3A_790], %broadcast_in_dim3A_2 {add = true} : memref<80x128xf32, #tpu.memory_space<vmem>>[vector<16xi32>, vector<16xi32>], vector<16xf32>,
      %get3A_791 = arith.index_cast %add3A_751 : i32 to index
      %get3A_792 = arith.constant 48 : index
      %get3A_793 = tpu.vector_load %arg9[%get3A_791, %get3A_792] {strides = array<i32>} : memref<25x80xi32, #tpu.memory_space<vmem>>, vector<16xi32>,
      %shift_right_logical3A_794 = arith.constant 7 : i32
      %shift_right_logical3A_795 = vector.broadcast %shift_right_logical3A_794 : i32 to vector<16xi32>
      %shift_right_logical3A_796 = arith.shrui %get3A_793, %shift_right_logical3A_795 : vector<16xi32>
      %and3A_797 = arith.constant 127 : i32
      %and3A_798 = vector.broadcast %and3A_797 : i32 to vector<16xi32>
      %and3A_799 = arith.andi %get3A_793, %and3A_798 : vector<16xi32>
      tpu.vector_store_idx %arg13[%shift_right_logical3A_796, %and3A_799], %broadcast_in_dim3A_2 {add = true} : memref<80x128xf32, #tpu.memory_space<vmem>>[vector<16xi32>, vector<16xi32>], vector<16xf32>,
      %get3A_800 = arith.index_cast %add3A_751 : i32 to index
      %get3A_801 = arith.constant 64 : index
      %get3A_802 = tpu.vector_load %arg9[%get3A_800, %get3A_801] {strides = array<i32>} : memref<25x80xi32, #tpu.memory_space<vmem>>, vector<16xi32>,
      %shift_right_logical3A_803 = arith.constant 7 : i32
      %shift_right_logical3A_804 = vector.broadcast %shift_right_logical3A_803 : i32 to vector<16xi32>
      %shift_right_logical3A_805 = arith.shrui %get3A_802, %shift_right_logical3A_804 : vector<16xi32>
      %and3A_806 = arith.constant 127 : i32
      %and3A_807 = vector.broadcast %and3A_806 : i32 to vector<16xi32>
      %and3A_808 = arith.andi %get3A_802, %and3A_807 : vector<16xi32>
      tpu.vector_store_idx %arg13[%shift_right_logical3A_805, %and3A_808], %broadcast_in_dim3A_2 {add = true} : memref<80x128xf32, #tpu.memory_space<vmem>>[vector<16xi32>, vector<16xi32>], vector<16xf32>,
      %add3A_809 = arith.constant 2 : i32
      %add3A_810 = arith.addi %add3A_751, %add3A_809 : i32
      %le3A_811 = arith.constant 24 : i32
      %le3A_812 = arith.cmpi sle, %add3A_810, %le3A_811 : i32
      %convert_element_type3A_813 = arith.extui %le3A_812 : i1 to i32
      %cond3A_814 = arith.constant 0 : i32
      %cond3A_815 = arith.cmpi ne, %convert_element_type3A_813, %cond3A_814 : i32
      scf.if %cond3A_815 {
        %dma_wait3A_816 = arith.constant 0 : i32
        %dma_wait3A_817 = arith.constant 0 : i32
        %dma_wait3A_818 = tpu.memref_slice %arg9[%dma_wait3A_816, %dma_wait3A_817] : memref<25x80xi32, #tpu.memory_space<vmem>> -> memref<1x80xi32, #tpu.memory_space<vmem>>
        %dma_wait3A_819 = tpu.memref_squeeze %dma_wait3A_818 : memref<1x80xi32, #tpu.memory_space<vmem>> -> memref<80xi32, #tpu.memory_space<vmem>>
        %dma_wait3A_820 = arith.constant 0 : i32
        %dma_wait3A_821 = arith.constant 0 : i32
        %dma_wait3A_822 = tpu.memref_slice %arg15[%dma_wait3A_820, %dma_wait3A_821] : memref<10000x128xf32, #tpu.memory_space<vmem_shared>> -> memref<10000x128xf32, #tpu.memory_space<vmem_shared>>
        tpu.wait_indirect_dma semaphore(%arg20 : memref<!tpu.dma_semaphore, #tpu.memory_space<semaphore_mem>>) src(%arg12 : memref<80x128xf32, #tpu.memory_space<vmem>>) dst(%dma_wait3A_822 : memref<10000x128xf32, #tpu.memory_space<vmem_shared>>)
        %add3A_823 = arith.constant 2 : i32
        %add3A_824 = arith.addi %add3A_751, %add3A_823 : i32
        %dma_start3A_825 = arith.constant 0 : i32
        %dma_start3A_826 = tpu.memref_slice %arg7[%add3A_824, %dma_start3A_825] : memref<25x80xi32, #tpu.memory_space<vmem>> -> memref<1x80xi32, #tpu.memory_space<vmem>>
        %dma_start3A_827 = tpu.memref_squeeze %dma_start3A_826 : memref<1x80xi32, #tpu.memory_space<vmem>> -> memref<80xi32, #tpu.memory_space<vmem>>
        %dma_start3A_828 = arith.constant 0 : i32
        %dma_start3A_829 = arith.constant 0 : i32
        %dma_start3A_830 = tpu.memref_slice %arg2[%dma_start3A_828, %dma_start3A_829] : memref<20000x128xf32, #tpu.memory_space<hbm>> -> memref<20000x128xf32, #tpu.memory_space<hbm>>
        tpu.enqueue_indirect_dma source(%dma_start3A_830 : memref<20000x128xf32, #tpu.memory_space<hbm>>) target(%arg12 : memref<80x128xf32, #tpu.memory_space<vmem>>) offsets(%dma_start3A_827 : memref<80xi32, #tpu.memory_space<vmem>>) semaphore(%arg18 : memref<!tpu.dma_semaphore, #tpu.memory_space<semaphore_mem>>)
      } else {
      }
    }
    %scan3A_342 = arith.constant 12 : i32
    %dma_wait3A_343 = arith.constant 24 : i32
    %dma_wait3A_344 = arith.constant 0 : i32
    %dma_wait3A_345 = tpu.memref_slice %arg7[%dma_wait3A_343, %dma_wait3A_344] : memref<25x80xi32, #tpu.memory_space<vmem>> -> memref<1x80xi32, #tpu.memory_space<vmem>>
    %dma_wait3A_346 = tpu.memref_squeeze %dma_wait3A_345 : memref<1x80xi32, #tpu.memory_space<vmem>> -> memref<80xi32, #tpu.memory_space<vmem>>
    %dma_wait3A_347 = arith.constant 0 : i32
    %dma_wait3A_348 = arith.constant 0 : i32
    %dma_wait3A_349 = tpu.memref_slice %arg2[%dma_wait3A_347, %dma_wait3A_348] : memref<20000x128xf32, #tpu.memory_space<hbm>> -> memref<20000x128xf32, #tpu.memory_space<hbm>>
    tpu.wait_indirect_dma semaphore(%arg17 : memref<!tpu.dma_semaphore, #tpu.memory_space<semaphore_mem>>) src(%dma_wait3A_349 : memref<20000x128xf32, #tpu.memory_space<hbm>>) dst(%arg11 : memref<80x128xf32, #tpu.memory_space<vmem>>)
    %dma_start3A_350 = arith.constant 24 : i32
    %dma_start3A_351 = arith.constant 0 : i32
    %dma_start3A_352 = tpu.memref_slice %arg9[%dma_start3A_350, %dma_start3A_351] : memref<25x80xi32, #tpu.memory_space<vmem>> -> memref<1x80xi32, #tpu.memory_space<vmem>>
    %dma_start3A_353 = tpu.memref_squeeze %dma_start3A_352 : memref<1x80xi32, #tpu.memory_space<vmem>> -> memref<80xi32, #tpu.memory_space<vmem>>
    %dma_start3A_354 = arith.constant 0 : i32
    %dma_start3A_355 = arith.constant 0 : i32
    %dma_start3A_356 = tpu.memref_slice %arg15[%dma_start3A_354, %dma_start3A_355] : memref<10000x128xf32, #tpu.memory_space<vmem_shared>> -> memref<10000x128xf32, #tpu.memory_space<vmem_shared>>
    tpu.enqueue_indirect_dma source(%arg11 : memref<80x128xf32, #tpu.memory_space<vmem>>) target(%dma_start3A_356 : memref<10000x128xf32, #tpu.memory_space<vmem_shared>>) offsets(%dma_start3A_353 : memref<80xi32, #tpu.memory_space<vmem>>) semaphore(%arg19 : memref<!tpu.dma_semaphore, #tpu.memory_space<semaphore_mem>>) {add = true}
    %get3A_357 = arith.constant 24 : i32
    %get3A_358 = arith.index_cast %get3A_357 : i32 to index
    %get3A_359 = arith.constant 0 : index
    %get3A_360 = tpu.vector_load %arg9[%get3A_358, %get3A_359] {strides = array<i32>} : memref<25x80xi32, #tpu.memory_space<vmem>>, vector<16xi32>,
    %shift_right_logical3A_361 = arith.constant 7 : i32
    %shift_right_logical3A_362 = vector.broadcast %shift_right_logical3A_361 : i32 to vector<16xi32>
    %shift_right_logical3A_363 = arith.shrui %get3A_360, %shift_right_logical3A_362 : vector<16xi32>
    %and3A_364 = arith.constant 127 : i32
    %and3A_365 = vector.broadcast %and3A_364 : i32 to vector<16xi32>
    %and3A_366 = arith.andi %get3A_360, %and3A_365 : vector<16xi32>
    tpu.vector_store_idx %arg13[%shift_right_logical3A_363, %and3A_366], %broadcast_in_dim3A_2 {add = true} : memref<80x128xf32, #tpu.memory_space<vmem>>[vector<16xi32>, vector<16xi32>], vector<16xf32>,
    %get3A_367 = arith.constant 24 : i32
    %get3A_368 = arith.index_cast %get3A_367 : i32 to index
    %get3A_369 = arith.constant 16 : index
    %get3A_370 = tpu.vector_load %arg9[%get3A_368, %get3A_369] {strides = array<i32>} : memref<25x80xi32, #tpu.memory_space<vmem>>, vector<16xi32>,
    %shift_right_logical3A_371 = arith.constant 7 : i32
    %shift_right_logical3A_372 = vector.broadcast %shift_right_logical3A_371 : i32 to vector<16xi32>
    %shift_right_logical3A_373 = arith.shrui %get3A_370, %shift_right_logical3A_372 : vector<16xi32>
    %and3A_374 = arith.constant 127 : i32
    %and3A_375 = vector.broadcast %and3A_374 : i32 to vector<16xi32>
    %and3A_376 = arith.andi %get3A_370, %and3A_375 : vector<16xi32>
    tpu.vector_store_idx %arg13[%shift_right_logical3A_373, %and3A_376], %broadcast_in_dim3A_2 {add = true} : memref<80x128xf32, #tpu.memory_space<vmem>>[vector<16xi32>, vector<16xi32>], vector<16xf32>,
    %get3A_377 = arith.constant 24 : i32
    %get3A_378 = arith.index_cast %get3A_377 : i32 to index
    %get3A_379 = arith.constant 32 : index
    %get3A_380 = tpu.vector_load %arg9[%get3A_378, %get3A_379] {strides = array<i32>} : memref<25x80xi32, #tpu.memory_space<vmem>>, vector<16xi32>,
    %shift_right_logical3A_381 = arith.constant 7 : i32
    %shift_right_logical3A_382 = vector.broadcast %shift_right_logical3A_381 : i32 to vector<16xi32>
    %shift_right_logical3A_383 = arith.shrui %get3A_380, %shift_right_logical3A_382 : vector<16xi32>
    %and3A_384 = arith.constant 127 : i32
    %and3A_385 = vector.broadcast %and3A_384 : i32 to vector<16xi32>
    %and3A_386 = arith.andi %get3A_380, %and3A_385 : vector<16xi32>
    tpu.vector_store_idx %arg13[%shift_right_logical3A_383, %and3A_386], %broadcast_in_dim3A_2 {add = true} : memref<80x128xf32, #tpu.memory_space<vmem>>[vector<16xi32>, vector<16xi32>], vector<16xf32>,
    %get3A_387 = arith.constant 24 : i32
    %get3A_388 = arith.index_cast %get3A_387 : i32 to index
    %get3A_389 = arith.constant 48 : index
    %get3A_390 = tpu.vector_load %arg9[%get3A_388, %get3A_389] {strides = array<i32>} : memref<25x80xi32, #tpu.memory_space<vmem>>, vector<16xi32>,
    %shift_right_logical3A_391 = arith.constant 7 : i32
    %shift_right_logical3A_392 = vector.broadcast %shift_right_logical3A_391 : i32 to vector<16xi32>
    %shift_right_logical3A_393 = arith.shrui %get3A_390, %shift_right_logical3A_392 : vector<16xi32>
    %and3A_394 = arith.constant 127 : i32
    %and3A_395 = vector.broadcast %and3A_394 : i32 to vector<16xi32>
    %and3A_396 = arith.andi %get3A_390, %and3A_395 : vector<16xi32>
    tpu.vector_store_idx %arg13[%shift_right_logical3A_393, %and3A_396], %broadcast_in_dim3A_2 {add = true} : memref<80x128xf32, #tpu.memory_space<vmem>>[vector<16xi32>, vector<16xi32>], vector<16xf32>,
    %get3A_397 = arith.constant 24 : i32
    %get3A_398 = arith.index_cast %get3A_397 : i32 to index
    %get3A_399 = arith.constant 64 : index
    %get3A_400 = tpu.vector_load %arg9[%get3A_398, %get3A_399] {strides = array<i32>} : memref<25x80xi32, #tpu.memory_space<vmem>>, vector<16xi32>,
    %shift_right_logical3A_401 = arith.constant 7 : i32
    %shift_right_logical3A_402 = vector.broadcast %shift_right_logical3A_401 : i32 to vector<16xi32>
    %shift_right_logical3A_403 = arith.shrui %get3A_400, %shift_right_logical3A_402 : vector<16xi32>
    %and3A_404 = arith.constant 127 : i32
    %and3A_405 = vector.broadcast %and3A_404 : i32 to vector<16xi32>
    %and3A_406 = arith.andi %get3A_400, %and3A_405 : vector<16xi32>
    tpu.vector_store_idx %arg13[%shift_right_logical3A_403, %and3A_406], %broadcast_in_dim3A_2 {add = true} : memref<80x128xf32, #tpu.memory_space<vmem>>[vector<16xi32>, vector<16xi32>], vector<16xf32>,
    %dma_wait3A_407 = arith.constant 3 : i32
    %dma_wait3A_408 = arith.constant 0 : i32
    %dma_wait3A_409 = arith.constant 0 : i32
    %dma_wait3A_410 = tpu.memref_slice %arg3[%arg0, %arg1, %dma_wait3A_407, %dma_wait3A_408, %dma_wait3A_409] : memref<2x16x5x25x80xi32, #tpu.memory_space<hbm>> -> memref<1x1x1x25x80xi32, #tpu.memory_space<hbm>>
    %dma_wait3A_411 = tpu.memref_squeeze %dma_wait3A_410 : memref<1x1x1x25x80xi32, #tpu.memory_space<hbm>> -> memref<25x80xi32, #tpu.memory_space<hbm>>
    %dma_wait3A_412 = arith.constant 0 : i32
    %dma_wait3A_413 = arith.constant 0 : i32
    %dma_wait3A_414 = tpu.memref_slice %arg3[%arg0, %arg1, %dma_wait3A_407, %dma_wait3A_412, %dma_wait3A_413] : memref<2x16x5x25x80xi32, #tpu.memory_space<hbm>> -> memref<1x1x1x25x80xi32, #tpu.memory_space<hbm>>
    %dma_wait3A_415 = tpu.memref_squeeze %dma_wait3A_414 : memref<1x1x1x25x80xi32, #tpu.memory_space<hbm>> -> memref<25x80xi32, #tpu.memory_space<hbm>>
    tpu.wait_dma2 semaphore(%arg21 : memref<!tpu.dma_semaphore, #tpu.memory_space<semaphore_mem>>) src(%dma_wait3A_415 : memref<25x80xi32, #tpu.memory_space<hbm>>) dst(%arg8 : memref<25x80xi32, #tpu.memory_space<vmem>>)
    %dma_wait3A_416 = arith.constant 3 : i32
    %dma_wait3A_417 = arith.constant 0 : i32
    %dma_wait3A_418 = arith.constant 0 : i32
    %dma_wait3A_419 = tpu.memref_slice %arg4[%arg1, %dma_wait3A_416, %dma_wait3A_417, %dma_wait3A_418] : memref<16x5x25x80xi32, #tpu.memory_space<hbm>> -> memref<1x1x25x80xi32, #tpu.memory_space<hbm>>
    %dma_wait3A_420 = tpu.memref_squeeze %dma_wait3A_419 : memref<1x1x25x80xi32, #tpu.memory_space<hbm>> -> memref<25x80xi32, #tpu.memory_space<hbm>>
    %dma_wait3A_421 = arith.constant 0 : i32
    %dma_wait3A_422 = arith.constant 0 : i32
    %dma_wait3A_423 = tpu.memref_slice %arg4[%arg1, %dma_wait3A_416, %dma_wait3A_421, %dma_wait3A_422] : memref<16x5x25x80xi32, #tpu.memory_space<hbm>> -> memref<1x1x25x80xi32, #tpu.memory_space<hbm>>
    %dma_wait3A_424 = tpu.memref_squeeze %dma_wait3A_423 : memref<1x1x25x80xi32, #tpu.memory_space<hbm>> -> memref<25x80xi32, #tpu.memory_space<hbm>>
    tpu.wait_dma2 semaphore(%arg21 : memref<!tpu.dma_semaphore, #tpu.memory_space<semaphore_mem>>) src(%dma_wait3A_424 : memref<25x80xi32, #tpu.memory_space<hbm>>) dst(%arg10 : memref<25x80xi32, #tpu.memory_space<vmem>>)
    %dma_wait3A_425 = arith.constant 0 : i32
    %dma_wait3A_426 = arith.constant 0 : i32
    %dma_wait3A_427 = tpu.memref_slice %arg9[%dma_wait3A_425, %dma_wait3A_426] : memref<25x80xi32, #tpu.memory_space<vmem>> -> memref<1x80xi32, #tpu.memory_space<vmem>>
    %dma_wait3A_428 = tpu.memref_squeeze %dma_wait3A_427 : memref<1x80xi32, #tpu.memory_space<vmem>> -> memref<80xi32, #tpu.memory_space<vmem>>
    %dma_wait3A_429 = arith.constant 0 : i32
    %dma_wait3A_430 = arith.constant 0 : i32
    %dma_wait3A_431 = tpu.memref_slice %arg15[%dma_wait3A_429, %dma_wait3A_430] : memref<10000x128xf32, #tpu.memory_space<vmem_shared>> -> memref<10000x128xf32, #tpu.memory_space<vmem_shared>>
    tpu.wait_indirect_dma semaphore(%arg20 : memref<!tpu.dma_semaphore, #tpu.memory_space<semaphore_mem>>) src(%arg12 : memref<80x128xf32, #tpu.memory_space<vmem>>) dst(%dma_wait3A_431 : memref<10000x128xf32, #tpu.memory_space<vmem_shared>>)
    %dma_start3A_432 = arith.constant 0 : i32
    %dma_start3A_433 = arith.constant 0 : i32
    %dma_start3A_434 = tpu.memref_slice %arg8[%dma_start3A_432, %dma_start3A_433] : memref<25x80xi32, #tpu.memory_space<vmem>> -> memref<1x80xi32, #tpu.memory_space<vmem>>
    %dma_start3A_435 = tpu.memref_squeeze %dma_start3A_434 : memref<1x80xi32, #tpu.memory_space<vmem>> -> memref<80xi32, #tpu.memory_space<vmem>>
    %dma_start3A_436 = arith.constant 0 : i32
    %dma_start3A_437 = arith.constant 0 : i32
    %dma_start3A_438 = tpu.memref_slice %arg2[%dma_start3A_436, %dma_start3A_437] : memref<20000x128xf32, #tpu.memory_space<hbm>> -> memref<20000x128xf32, #tpu.memory_space<hbm>>
    tpu.enqueue_indirect_dma source(%dma_start3A_438 : memref<20000x128xf32, #tpu.memory_space<hbm>>) target(%arg12 : memref<80x128xf32, #tpu.memory_space<vmem>>) offsets(%dma_start3A_435 : memref<80xi32, #tpu.memory_space<vmem>>) semaphore(%arg18 : memref<!tpu.dma_semaphore, #tpu.memory_space<semaphore_mem>>)
    %dma_wait3A_439 = arith.constant 0 : i32
    %dma_wait3A_440 = arith.constant 0 : i32
    %dma_wait3A_441 = tpu.memref_slice %arg9[%dma_wait3A_439, %dma_wait3A_440] : memref<25x80xi32, #tpu.memory_space<vmem>> -> memref<1x80xi32, #tpu.memory_space<vmem>>
    %dma_wait3A_442 = tpu.memref_squeeze %dma_wait3A_441 : memref<1x80xi32, #tpu.memory_space<vmem>> -> memref<80xi32, #tpu.memory_space<vmem>>
    %dma_wait3A_443 = arith.constant 0 : i32
    %dma_wait3A_444 = arith.constant 0 : i32
    %dma_wait3A_445 = tpu.memref_slice %arg15[%dma_wait3A_443, %dma_wait3A_444] : memref<10000x128xf32, #tpu.memory_space<vmem_shared>> -> memref<10000x128xf32, #tpu.memory_space<vmem_shared>>
    tpu.wait_indirect_dma semaphore(%arg19 : memref<!tpu.dma_semaphore, #tpu.memory_space<semaphore_mem>>) src(%arg11 : memref<80x128xf32, #tpu.memory_space<vmem>>) dst(%dma_wait3A_445 : memref<10000x128xf32, #tpu.memory_space<vmem_shared>>)
    %dma_start3A_446 = arith.constant 1 : i32
    %dma_start3A_447 = arith.constant 0 : i32
    %dma_start3A_448 = tpu.memref_slice %arg8[%dma_start3A_446, %dma_start3A_447] : memref<25x80xi32, #tpu.memory_space<vmem>> -> memref<1x80xi32, #tpu.memory_space<vmem>>
    %dma_start3A_449 = tpu.memref_squeeze %dma_start3A_448 : memref<1x80xi32, #tpu.memory_space<vmem>> -> memref<80xi32, #tpu.memory_space<vmem>>
    %dma_start3A_450 = arith.constant 0 : i32
    %dma_start3A_451 = arith.constant 0 : i32
    %dma_start3A_452 = tpu.memref_slice %arg2[%dma_start3A_450, %dma_start3A_451] : memref<20000x128xf32, #tpu.memory_space<hbm>> -> memref<20000x128xf32, #tpu.memory_space<hbm>>
    tpu.enqueue_indirect_dma source(%dma_start3A_452 : memref<20000x128xf32, #tpu.memory_space<hbm>>) target(%arg11 : memref<80x128xf32, #tpu.memory_space<vmem>>) offsets(%dma_start3A_449 : memref<80xi32, #tpu.memory_space<vmem>>) semaphore(%arg17 : memref<!tpu.dma_semaphore, #tpu.memory_space<semaphore_mem>>)
    %dma_start3A_453 = arith.constant 4 : i32
    %dma_start3A_454 = arith.constant 0 : i32
    %dma_start3A_455 = arith.constant 0 : i32
    %dma_start3A_456 = tpu.memref_slice %arg3[%arg0, %arg1, %dma_start3A_453, %dma_start3A_454, %dma_start3A_455] : memref<2x16x5x25x80xi32, #tpu.memory_space<hbm>> -> memref<1x1x1x25x80xi32, #tpu.memory_space<hbm>>
    %dma_start3A_457 = tpu.memref_squeeze %dma_start3A_456 : memref<1x1x1x25x80xi32, #tpu.memory_space<hbm>> -> memref<25x80xi32, #tpu.memory_space<hbm>>
    %dma_start3A_458 = arith.constant 0 : i32
    %dma_start3A_459 = arith.constant 0 : i32
    %dma_start3A_460 = tpu.memref_slice %arg3[%arg0, %arg1, %dma_start3A_453, %dma_start3A_458, %dma_start3A_459] : memref<2x16x5x25x80xi32, #tpu.memory_space<hbm>> -> memref<1x1x1x25x80xi32, #tpu.memory_space<hbm>>
    %dma_start3A_461 = tpu.memref_squeeze %dma_start3A_460 : memref<1x1x1x25x80xi32, #tpu.memory_space<hbm>> -> memref<25x80xi32, #tpu.memory_space<hbm>>
    tpu.enqueue_dma source(%dma_start3A_461 : memref<25x80xi32, #tpu.memory_space<hbm>>) target(%arg7 : memref<25x80xi32, #tpu.memory_space<vmem>>) target_semaphore(%arg21 : memref<!tpu.dma_semaphore, #tpu.memory_space<semaphore_mem>>)
    %dma_start3A_462 = arith.constant 4 : i32
    %dma_start3A_463 = arith.constant 0 : i32
    %dma_start3A_464 = arith.constant 0 : i32
    %dma_start3A_465 = tpu.memref_slice %arg4[%arg1, %dma_start3A_462, %dma_start3A_463, %dma_start3A_464] : memref<16x5x25x80xi32, #tpu.memory_space<hbm>> -> memref<1x1x25x80xi32, #tpu.memory_space<hbm>>
    %dma_start3A_466 = tpu.memref_squeeze %dma_start3A_465 : memref<1x1x25x80xi32, #tpu.memory_space<hbm>> -> memref<25x80xi32, #tpu.memory_space<hbm>>
    %dma_start3A_467 = arith.constant 0 : i32
    %dma_start3A_468 = arith.constant 0 : i32
    %dma_start3A_469 = tpu.memref_slice %arg4[%arg1, %dma_start3A_462, %dma_start3A_467, %dma_start3A_468] : memref<16x5x25x80xi32, #tpu.memory_space<hbm>> -> memref<1x1x25x80xi32, #tpu.memory_space<hbm>>
    %dma_start3A_470 = tpu.memref_squeeze %dma_start3A_469 : memref<1x1x25x80xi32, #tpu.memory_space<hbm>> -> memref<25x80xi32, #tpu.memory_space<hbm>>
    tpu.enqueue_dma source(%dma_start3A_470 : memref<25x80xi32, #tpu.memory_space<hbm>>) target(%arg9 : memref<25x80xi32, #tpu.memory_space<vmem>>) target_semaphore(%arg21 : memref<!tpu.dma_semaphore, #tpu.memory_space<semaphore_mem>>)
    %scan3A_471 = arith.constant 0 : i32
    %scan3A_472 = arith.constant 12 : i32
    %scan3A_473 = arith.addi %scan3A_471, %scan3A_472 : i32
    %scan3A_474 = arith.constant 1 : i32
    scf.for %scan3A_678 = %scan3A_471 to %scan3A_473 step %scan3A_474  : i32 {
      %mul3A_679 = arith.constant 1 : i32
      %mul3A_680 = arith.muli %scan3A_678, %mul3A_679 : i32
      %add3A_681 = arith.constant 0 : i32
      %add3A_682 = arith.addi %add3A_681, %mul3A_680 : i32
      %mul3A_683 = arith.constant 2 : i32
      %mul3A_684 = arith.muli %mul3A_683, %add3A_682 : i32
      %dma_wait3A_685 = arith.constant 0 : i32
      %dma_wait3A_686 = tpu.memref_slice %arg8[%mul3A_684, %dma_wait3A_685] : memref<25x80xi32, #tpu.memory_space<vmem>> -> memref<1x80xi32, #tpu.memory_space<vmem>>
      %dma_wait3A_687 = tpu.memref_squeeze %dma_wait3A_686 : memref<1x80xi32, #tpu.memory_space<vmem>> -> memref<80xi32, #tpu.memory_space<vmem>>
      %dma_wait3A_688 = arith.constant 0 : i32
      %dma_wait3A_689 = arith.constant 0 : i32
      %dma_wait3A_690 = tpu.memref_slice %arg2[%dma_wait3A_688, %dma_wait3A_689] : memref<20000x128xf32, #tpu.memory_space<hbm>> -> memref<20000x128xf32, #tpu.memory_space<hbm>>
      tpu.wait_indirect_dma semaphore(%arg18 : memref<!tpu.dma_semaphore, #tpu.memory_space<semaphore_mem>>) src(%dma_wait3A_690 : memref<20000x128xf32, #tpu.memory_space<hbm>>) dst(%arg12 : memref<80x128xf32, #tpu.memory_space<vmem>>)
      %dma_start3A_691 = arith.constant 0 : i32
      %dma_start3A_692 = tpu.memref_slice %arg10[%mul3A_684, %dma_start3A_691] : memref<25x80xi32, #tpu.memory_space<vmem>> -> memref<1x80xi32, #tpu.memory_space<vmem>>
      %dma_start3A_693 = tpu.memref_squeeze %dma_start3A_692 : memref<1x80xi32, #tpu.memory_space<vmem>> -> memref<80xi32, #tpu.memory_space<vmem>>
      %dma_start3A_694 = arith.constant 0 : i32
      %dma_start3A_695 = arith.constant 0 : i32
      %dma_start3A_696 = tpu.memref_slice %arg15[%dma_start3A_694, %dma_start3A_695] : memref<10000x128xf32, #tpu.memory_space<vmem_shared>> -> memref<10000x128xf32, #tpu.memory_space<vmem_shared>>
      tpu.enqueue_indirect_dma source(%arg12 : memref<80x128xf32, #tpu.memory_space<vmem>>) target(%dma_start3A_696 : memref<10000x128xf32, #tpu.memory_space<vmem_shared>>) offsets(%dma_start3A_693 : memref<80xi32, #tpu.memory_space<vmem>>) semaphore(%arg20 : memref<!tpu.dma_semaphore, #tpu.memory_space<semaphore_mem>>) {add = true}
      %get3A_697 = arith.index_cast %mul3A_684 : i32 to index
      %get3A_698 = arith.constant 0 : index
      %get3A_699 = tpu.vector_load %arg10[%get3A_697, %get3A_698] {strides = array<i32>} : memref<25x80xi32, #tpu.memory_space<vmem>>, vector<16xi32>,
      %shift_right_logical3A_700 = arith.constant 7 : i32
      %shift_right_logical3A_701 = vector.broadcast %shift_right_logical3A_700 : i32 to vector<16xi32>
      %shift_right_logical3A_702 = arith.shrui %get3A_699, %shift_right_logical3A_701 : vector<16xi32>
      %and3A_703 = arith.constant 127 : i32
      %and3A_704 = vector.broadcast %and3A_703 : i32 to vector<16xi32>
      %and3A_705 = arith.andi %get3A_699, %and3A_704 : vector<16xi32>
      tpu.vector_store_idx %arg13[%shift_right_logical3A_702, %and3A_705], %broadcast_in_dim3A_2 {add = true} : memref<80x128xf32, #tpu.memory_space<vmem>>[vector<16xi32>, vector<16xi32>], vector<16xf32>,
      %get3A_706 = arith.index_cast %mul3A_684 : i32 to index
      %get3A_707 = arith.constant 16 : index
      %get3A_708 = tpu.vector_load %arg10[%get3A_706, %get3A_707] {strides = array<i32>} : memref<25x80xi32, #tpu.memory_space<vmem>>, vector<16xi32>,
      %shift_right_logical3A_709 = arith.constant 7 : i32
      %shift_right_logical3A_710 = vector.broadcast %shift_right_logical3A_709 : i32 to vector<16xi32>
      %shift_right_logical3A_711 = arith.shrui %get3A_708, %shift_right_logical3A_710 : vector<16xi32>
      %and3A_712 = arith.constant 127 : i32
      %and3A_713 = vector.broadcast %and3A_712 : i32 to vector<16xi32>
      %and3A_714 = arith.andi %get3A_708, %and3A_713 : vector<16xi32>
      tpu.vector_store_idx %arg13[%shift_right_logical3A_711, %and3A_714], %broadcast_in_dim3A_2 {add = true} : memref<80x128xf32, #tpu.memory_space<vmem>>[vector<16xi32>, vector<16xi32>], vector<16xf32>,
      %get3A_715 = arith.index_cast %mul3A_684 : i32 to index
      %get3A_716 = arith.constant 32 : index
      %get3A_717 = tpu.vector_load %arg10[%get3A_715, %get3A_716] {strides = array<i32>} : memref<25x80xi32, #tpu.memory_space<vmem>>, vector<16xi32>,
      %shift_right_logical3A_718 = arith.constant 7 : i32
      %shift_right_logical3A_719 = vector.broadcast %shift_right_logical3A_718 : i32 to vector<16xi32>
      %shift_right_logical3A_720 = arith.shrui %get3A_717, %shift_right_logical3A_719 : vector<16xi32>
      %and3A_721 = arith.constant 127 : i32
      %and3A_722 = vector.broadcast %and3A_721 : i32 to vector<16xi32>
      %and3A_723 = arith.andi %get3A_717, %and3A_722 : vector<16xi32>
      tpu.vector_store_idx %arg13[%shift_right_logical3A_720, %and3A_723], %broadcast_in_dim3A_2 {add = true} : memref<80x128xf32, #tpu.memory_space<vmem>>[vector<16xi32>, vector<16xi32>], vector<16xf32>,
      %get3A_724 = arith.index_cast %mul3A_684 : i32 to index
      %get3A_725 = arith.constant 48 : index
      %get3A_726 = tpu.vector_load %arg10[%get3A_724, %get3A_725] {strides = array<i32>} : memref<25x80xi32, #tpu.memory_space<vmem>>, vector<16xi32>,
      %shift_right_logical3A_727 = arith.constant 7 : i32
      %shift_right_logical3A_728 = vector.broadcast %shift_right_logical3A_727 : i32 to vector<16xi32>
      %shift_right_logical3A_729 = arith.shrui %get3A_726, %shift_right_logical3A_728 : vector<16xi32>
      %and3A_730 = arith.constant 127 : i32
      %and3A_731 = vector.broadcast %and3A_730 : i32 to vector<16xi32>
      %and3A_732 = arith.andi %get3A_726, %and3A_731 : vector<16xi32>
      tpu.vector_store_idx %arg13[%shift_right_logical3A_729, %and3A_732], %broadcast_in_dim3A_2 {add = true} : memref<80x128xf32, #tpu.memory_space<vmem>>[vector<16xi32>, vector<16xi32>], vector<16xf32>,
      %get3A_733 = arith.index_cast %mul3A_684 : i32 to index
      %get3A_734 = arith.constant 64 : index
      %get3A_735 = tpu.vector_load %arg10[%get3A_733, %get3A_734] {strides = array<i32>} : memref<25x80xi32, #tpu.memory_space<vmem>>, vector<16xi32>,
      %shift_right_logical3A_736 = arith.constant 7 : i32
      %shift_right_logical3A_737 = vector.broadcast %shift_right_logical3A_736 : i32 to vector<16xi32>
      %shift_right_logical3A_738 = arith.shrui %get3A_735, %shift_right_logical3A_737 : vector<16xi32>
      %and3A_739 = arith.constant 127 : i32
      %and3A_740 = vector.broadcast %and3A_739 : i32 to vector<16xi32>
      %and3A_741 = arith.andi %get3A_735, %and3A_740 : vector<16xi32>
      tpu.vector_store_idx %arg13[%shift_right_logical3A_738, %and3A_741], %broadcast_in_dim3A_2 {add = true} : memref<80x128xf32, #tpu.memory_space<vmem>>[vector<16xi32>, vector<16xi32>], vector<16xf32>,
      %add3A_742 = arith.constant 2 : i32
      %add3A_743 = arith.addi %mul3A_684, %add3A_742 : i32
      %le3A = arith.constant 24 : i32
      %le3A_744 = arith.cmpi sle, %add3A_743, %le3A : i32
      %convert_element_type3A_745 = arith.extui %le3A_744 : i1 to i32
      %cond3A_746 = arith.constant 0 : i32
      %cond3A_747 = arith.cmpi ne, %convert_element_type3A_745, %cond3A_746 : i32
      scf.if %cond3A_747 {
        %dma_wait3A_816 = arith.constant 0 : i32
        %dma_wait3A_817 = arith.constant 0 : i32
        %dma_wait3A_818 = tpu.memref_slice %arg9[%dma_wait3A_816, %dma_wait3A_817] : memref<25x80xi32, #tpu.memory_space<vmem>> -> memref<1x80xi32, #tpu.memory_space<vmem>>
        %dma_wait3A_819 = tpu.memref_squeeze %dma_wait3A_818 : memref<1x80xi32, #tpu.memory_space<vmem>> -> memref<80xi32, #tpu.memory_space<vmem>>
        %dma_wait3A_820 = arith.constant 0 : i32
        %dma_wait3A_821 = arith.constant 0 : i32
        %dma_wait3A_822 = tpu.memref_slice %arg15[%dma_wait3A_820, %dma_wait3A_821] : memref<10000x128xf32, #tpu.memory_space<vmem_shared>> -> memref<10000x128xf32, #tpu.memory_space<vmem_shared>>
        tpu.wait_indirect_dma semaphore(%arg20 : memref<!tpu.dma_semaphore, #tpu.memory_space<semaphore_mem>>) src(%arg12 : memref<80x128xf32, #tpu.memory_space<vmem>>) dst(%dma_wait3A_822 : memref<10000x128xf32, #tpu.memory_space<vmem_shared>>)
        %add3A_823 = arith.constant 2 : i32
        %add3A_824 = arith.addi %mul3A_684, %add3A_823 : i32
        %dma_start3A_825 = arith.constant 0 : i32
        %dma_start3A_826 = tpu.memref_slice %arg8[%add3A_824, %dma_start3A_825] : memref<25x80xi32, #tpu.memory_space<vmem>> -> memref<1x80xi32, #tpu.memory_space<vmem>>
        %dma_start3A_827 = tpu.memref_squeeze %dma_start3A_826 : memref<1x80xi32, #tpu.memory_space<vmem>> -> memref<80xi32, #tpu.memory_space<vmem>>
        %dma_start3A_828 = arith.constant 0 : i32
        %dma_start3A_829 = arith.constant 0 : i32
        %dma_start3A_830 = tpu.memref_slice %arg2[%dma_start3A_828, %dma_start3A_829] : memref<20000x128xf32, #tpu.memory_space<hbm>> -> memref<20000x128xf32, #tpu.memory_space<hbm>>
        tpu.enqueue_indirect_dma source(%dma_start3A_830 : memref<20000x128xf32, #tpu.memory_space<hbm>>) target(%arg12 : memref<80x128xf32, #tpu.memory_space<vmem>>) offsets(%dma_start3A_827 : memref<80xi32, #tpu.memory_space<vmem>>) semaphore(%arg18 : memref<!tpu.dma_semaphore, #tpu.memory_space<semaphore_mem>>)
      } else {
      }
      %mul3A_748 = arith.constant 2 : i32
      %mul3A_749 = arith.muli %mul3A_748, %add3A_682 : i32
      %add3A_750 = arith.constant 1 : i32
      %add3A_751 = arith.addi %mul3A_749, %add3A_750 : i32
      %dma_wait3A_752 = arith.constant 0 : i32
      %dma_wait3A_753 = tpu.memref_slice %arg8[%add3A_751, %dma_wait3A_752] : memref<25x80xi32, #tpu.memory_space<vmem>> -> memref<1x80xi32, #tpu.memory_space<vmem>>
      %dma_wait3A_754 = tpu.memref_squeeze %dma_wait3A_753 : memref<1x80xi32, #tpu.memory_space<vmem>> -> memref<80xi32, #tpu.memory_space<vmem>>
      %dma_wait3A_755 = arith.constant 0 : i32
      %dma_wait3A_756 = arith.constant 0 : i32
      %dma_wait3A_757 = tpu.memref_slice %arg2[%dma_wait3A_755, %dma_wait3A_756] : memref<20000x128xf32, #tpu.memory_space<hbm>> -> memref<20000x128xf32, #tpu.memory_space<hbm>>
      tpu.wait_indirect_dma semaphore(%arg17 : memref<!tpu.dma_semaphore, #tpu.memory_space<semaphore_mem>>) src(%dma_wait3A_757 : memref<20000x128xf32, #tpu.memory_space<hbm>>) dst(%arg11 : memref<80x128xf32, #tpu.memory_space<vmem>>)
      %dma_start3A_758 = arith.constant 0 : i32
      %dma_start3A_759 = tpu.memref_slice %arg10[%add3A_751, %dma_start3A_758] : memref<25x80xi32, #tpu.memory_space<vmem>> -> memref<1x80xi32, #tpu.memory_space<vmem>>
      %dma_start3A_760 = tpu.memref_squeeze %dma_start3A_759 : memref<1x80xi32, #tpu.memory_space<vmem>> -> memref<80xi32, #tpu.memory_space<vmem>>
      %dma_start3A_761 = arith.constant 0 : i32
      %dma_start3A_762 = arith.constant 0 : i32
      %dma_start3A_763 = tpu.memref_slice %arg15[%dma_start3A_761, %dma_start3A_762] : memref<10000x128xf32, #tpu.memory_space<vmem_shared>> -> memref<10000x128xf32, #tpu.memory_space<vmem_shared>>
      tpu.enqueue_indirect_dma source(%arg11 : memref<80x128xf32, #tpu.memory_space<vmem>>) target(%dma_start3A_763 : memref<10000x128xf32, #tpu.memory_space<vmem_shared>>) offsets(%dma_start3A_760 : memref<80xi32, #tpu.memory_space<vmem>>) semaphore(%arg19 : memref<!tpu.dma_semaphore, #tpu.memory_space<semaphore_mem>>) {add = true}
      %get3A_764 = arith.index_cast %add3A_751 : i32 to index
      %get3A_765 = arith.constant 0 : index
      %get3A_766 = tpu.vector_load %arg10[%get3A_764, %get3A_765] {strides = array<i32>} : memref<25x80xi32, #tpu.memory_space<vmem>>, vector<16xi32>,
      %shift_right_logical3A_767 = arith.constant 7 : i32
      %shift_right_logical3A_768 = vector.broadcast %shift_right_logical3A_767 : i32 to vector<16xi32>
      %shift_right_logical3A_769 = arith.shrui %get3A_766, %shift_right_logical3A_768 : vector<16xi32>
      %and3A_770 = arith.constant 127 : i32
      %and3A_771 = vector.broadcast %and3A_770 : i32 to vector<16xi32>
      %and3A_772 = arith.andi %get3A_766, %and3A_771 : vector<16xi32>
      tpu.vector_store_idx %arg13[%shift_right_logical3A_769, %and3A_772], %broadcast_in_dim3A_2 {add = true} : memref<80x128xf32, #tpu.memory_space<vmem>>[vector<16xi32>, vector<16xi32>], vector<16xf32>,
      %get3A_773 = arith.index_cast %add3A_751 : i32 to index
      %get3A_774 = arith.constant 16 : index
      %get3A_775 = tpu.vector_load %arg10[%get3A_773, %get3A_774] {strides = array<i32>} : memref<25x80xi32, #tpu.memory_space<vmem>>, vector<16xi32>,
      %shift_right_logical3A_776 = arith.constant 7 : i32
      %shift_right_logical3A_777 = vector.broadcast %shift_right_logical3A_776 : i32 to vector<16xi32>
      %shift_right_logical3A_778 = arith.shrui %get3A_775, %shift_right_logical3A_777 : vector<16xi32>
      %and3A_779 = arith.constant 127 : i32
      %and3A_780 = vector.broadcast %and3A_779 : i32 to vector<16xi32>
      %and3A_781 = arith.andi %get3A_775, %and3A_780 : vector<16xi32>
      tpu.vector_store_idx %arg13[%shift_right_logical3A_778, %and3A_781], %broadcast_in_dim3A_2 {add = true} : memref<80x128xf32, #tpu.memory_space<vmem>>[vector<16xi32>, vector<16xi32>], vector<16xf32>,
      %get3A_782 = arith.index_cast %add3A_751 : i32 to index
      %get3A_783 = arith.constant 32 : index
      %get3A_784 = tpu.vector_load %arg10[%get3A_782, %get3A_783] {strides = array<i32>} : memref<25x80xi32, #tpu.memory_space<vmem>>, vector<16xi32>,
      %shift_right_logical3A_785 = arith.constant 7 : i32
      %shift_right_logical3A_786 = vector.broadcast %shift_right_logical3A_785 : i32 to vector<16xi32>
      %shift_right_logical3A_787 = arith.shrui %get3A_784, %shift_right_logical3A_786 : vector<16xi32>
      %and3A_788 = arith.constant 127 : i32
      %and3A_789 = vector.broadcast %and3A_788 : i32 to vector<16xi32>
      %and3A_790 = arith.andi %get3A_784, %and3A_789 : vector<16xi32>
      tpu.vector_store_idx %arg13[%shift_right_logical3A_787, %and3A_790], %broadcast_in_dim3A_2 {add = true} : memref<80x128xf32, #tpu.memory_space<vmem>>[vector<16xi32>, vector<16xi32>], vector<16xf32>,
      %get3A_791 = arith.index_cast %add3A_751 : i32 to index
      %get3A_792 = arith.constant 48 : index
      %get3A_793 = tpu.vector_load %arg10[%get3A_791, %get3A_792] {strides = array<i32>} : memref<25x80xi32, #tpu.memory_space<vmem>>, vector<16xi32>,
      %shift_right_logical3A_794 = arith.constant 7 : i32
      %shift_right_logical3A_795 = vector.broadcast %shift_right_logical3A_794 : i32 to vector<16xi32>
      %shift_right_logical3A_796 = arith.shrui %get3A_793, %shift_right_logical3A_795 : vector<16xi32>
      %and3A_797 = arith.constant 127 : i32
      %and3A_798 = vector.broadcast %and3A_797 : i32 to vector<16xi32>
      %and3A_799 = arith.andi %get3A_793, %and3A_798 : vector<16xi32>
      tpu.vector_store_idx %arg13[%shift_right_logical3A_796, %and3A_799], %broadcast_in_dim3A_2 {add = true} : memref<80x128xf32, #tpu.memory_space<vmem>>[vector<16xi32>, vector<16xi32>], vector<16xf32>,
      %get3A_800 = arith.index_cast %add3A_751 : i32 to index
      %get3A_801 = arith.constant 64 : index
      %get3A_802 = tpu.vector_load %arg10[%get3A_800, %get3A_801] {strides = array<i32>} : memref<25x80xi32, #tpu.memory_space<vmem>>, vector<16xi32>,
      %shift_right_logical3A_803 = arith.constant 7 : i32
      %shift_right_logical3A_804 = vector.broadcast %shift_right_logical3A_803 : i32 to vector<16xi32>
      %shift_right_logical3A_805 = arith.shrui %get3A_802, %shift_right_logical3A_804 : vector<16xi32>
      %and3A_806 = arith.constant 127 : i32
      %and3A_807 = vector.broadcast %and3A_806 : i32 to vector<16xi32>
      %and3A_808 = arith.andi %get3A_802, %and3A_807 : vector<16xi32>
      tpu.vector_store_idx %arg13[%shift_right_logical3A_805, %and3A_808], %broadcast_in_dim3A_2 {add = true} : memref<80x128xf32, #tpu.memory_space<vmem>>[vector<16xi32>, vector<16xi32>], vector<16xf32>,
      %add3A_809 = arith.constant 2 : i32
      %add3A_810 = arith.addi %add3A_751, %add3A_809 : i32
      %le3A_811 = arith.constant 24 : i32
      %le3A_812 = arith.cmpi sle, %add3A_810, %le3A_811 : i32
      %convert_element_type3A_813 = arith.extui %le3A_812 : i1 to i32
      %cond3A_814 = arith.constant 0 : i32
      %cond3A_815 = arith.cmpi ne, %convert_element_type3A_813, %cond3A_814 : i32
      scf.if %cond3A_815 {
        %dma_wait3A_816 = arith.constant 0 : i32
        %dma_wait3A_817 = arith.constant 0 : i32
        %dma_wait3A_818 = tpu.memref_slice %arg9[%dma_wait3A_816, %dma_wait3A_817] : memref<25x80xi32, #tpu.memory_space<vmem>> -> memref<1x80xi32, #tpu.memory_space<vmem>>
        %dma_wait3A_819 = tpu.memref_squeeze %dma_wait3A_818 : memref<1x80xi32, #tpu.memory_space<vmem>> -> memref<80xi32, #tpu.memory_space<vmem>>
        %dma_wait3A_820 = arith.constant 0 : i32
        %dma_wait3A_821 = arith.constant 0 : i32
        %dma_wait3A_822 = tpu.memref_slice %arg15[%dma_wait3A_820, %dma_wait3A_821] : memref<10000x128xf32, #tpu.memory_space<vmem_shared>> -> memref<10000x128xf32, #tpu.memory_space<vmem_shared>>
        tpu.wait_indirect_dma semaphore(%arg19 : memref<!tpu.dma_semaphore, #tpu.memory_space<semaphore_mem>>) src(%arg11 : memref<80x128xf32, #tpu.memory_space<vmem>>) dst(%dma_wait3A_822 : memref<10000x128xf32, #tpu.memory_space<vmem_shared>>)
        %add3A_823 = arith.constant 2 : i32
        %add3A_824 = arith.addi %add3A_751, %add3A_823 : i32
        %dma_start3A_825 = arith.constant 0 : i32
        %dma_start3A_826 = tpu.memref_slice %arg8[%add3A_824, %dma_start3A_825] : memref<25x80xi32, #tpu.memory_space<vmem>> -> memref<1x80xi32, #tpu.memory_space<vmem>>
        %dma_start3A_827 = tpu.memref_squeeze %dma_start3A_826 : memref<1x80xi32, #tpu.memory_space<vmem>> -> memref<80xi32, #tpu.memory_space<vmem>>
        %dma_start3A_828 = arith.constant 0 : i32
        %dma_start3A_829 = arith.constant 0 : i32
        %dma_start3A_830 = tpu.memref_slice %arg2[%dma_start3A_828, %dma_start3A_829] : memref<20000x128xf32, #tpu.memory_space<hbm>> -> memref<20000x128xf32, #tpu.memory_space<hbm>>
        tpu.enqueue_indirect_dma source(%dma_start3A_830 : memref<20000x128xf32, #tpu.memory_space<hbm>>) target(%arg11 : memref<80x128xf32, #tpu.memory_space<vmem>>) offsets(%dma_start3A_827 : memref<80xi32, #tpu.memory_space<vmem>>) semaphore(%arg17 : memref<!tpu.dma_semaphore, #tpu.memory_space<semaphore_mem>>)
      } else {
      }
    }
    %scan3A_475 = arith.constant 12 : i32
    %dma_wait3A_476 = arith.constant 24 : i32
    %dma_wait3A_477 = arith.constant 0 : i32
    %dma_wait3A_478 = tpu.memref_slice %arg8[%dma_wait3A_476, %dma_wait3A_477] : memref<25x80xi32, #tpu.memory_space<vmem>> -> memref<1x80xi32, #tpu.memory_space<vmem>>
    %dma_wait3A_479 = tpu.memref_squeeze %dma_wait3A_478 : memref<1x80xi32, #tpu.memory_space<vmem>> -> memref<80xi32, #tpu.memory_space<vmem>>
    %dma_wait3A_480 = arith.constant 0 : i32
    %dma_wait3A_481 = arith.constant 0 : i32
    %dma_wait3A_482 = tpu.memref_slice %arg2[%dma_wait3A_480, %dma_wait3A_481] : memref<20000x128xf32, #tpu.memory_space<hbm>> -> memref<20000x128xf32, #tpu.memory_space<hbm>>
    tpu.wait_indirect_dma semaphore(%arg18 : memref<!tpu.dma_semaphore, #tpu.memory_space<semaphore_mem>>) src(%dma_wait3A_482 : memref<20000x128xf32, #tpu.memory_space<hbm>>) dst(%arg12 : memref<80x128xf32, #tpu.memory_space<vmem>>)
    %dma_start3A_483 = arith.constant 24 : i32
    %dma_start3A_484 = arith.constant 0 : i32
    %dma_start3A_485 = tpu.memref_slice %arg10[%dma_start3A_483, %dma_start3A_484] : memref<25x80xi32, #tpu.memory_space<vmem>> -> memref<1x80xi32, #tpu.memory_space<vmem>>
    %dma_start3A_486 = tpu.memref_squeeze %dma_start3A_485 : memref<1x80xi32, #tpu.memory_space<vmem>> -> memref<80xi32, #tpu.memory_space<vmem>>
    %dma_start3A_487 = arith.constant 0 : i32
    %dma_start3A_488 = arith.constant 0 : i32
    %dma_start3A_489 = tpu.memref_slice %arg15[%dma_start3A_487, %dma_start3A_488] : memref<10000x128xf32, #tpu.memory_space<vmem_shared>> -> memref<10000x128xf32, #tpu.memory_space<vmem_shared>>
    tpu.enqueue_indirect_dma source(%arg12 : memref<80x128xf32, #tpu.memory_space<vmem>>) target(%dma_start3A_489 : memref<10000x128xf32, #tpu.memory_space<vmem_shared>>) offsets(%dma_start3A_486 : memref<80xi32, #tpu.memory_space<vmem>>) semaphore(%arg20 : memref<!tpu.dma_semaphore, #tpu.memory_space<semaphore_mem>>) {add = true}
    %get3A_490 = arith.constant 24 : i32
    %get3A_491 = arith.index_cast %get3A_490 : i32 to index
    %get3A_492 = arith.constant 0 : index
    %get3A_493 = tpu.vector_load %arg10[%get3A_491, %get3A_492] {strides = array<i32>} : memref<25x80xi32, #tpu.memory_space<vmem>>, vector<16xi32>,
    %shift_right_logical3A_494 = arith.constant 7 : i32
    %shift_right_logical3A_495 = vector.broadcast %shift_right_logical3A_494 : i32 to vector<16xi32>
    %shift_right_logical3A_496 = arith.shrui %get3A_493, %shift_right_logical3A_495 : vector<16xi32>
    %and3A_497 = arith.constant 127 : i32
    %and3A_498 = vector.broadcast %and3A_497 : i32 to vector<16xi32>
    %and3A_499 = arith.andi %get3A_493, %and3A_498 : vector<16xi32>
    tpu.vector_store_idx %arg13[%shift_right_logical3A_496, %and3A_499], %broadcast_in_dim3A_2 {add = true} : memref<80x128xf32, #tpu.memory_space<vmem>>[vector<16xi32>, vector<16xi32>], vector<16xf32>,
    %get3A_500 = arith.constant 24 : i32
    %get3A_501 = arith.index_cast %get3A_500 : i32 to index
    %get3A_502 = arith.constant 16 : index
    %get3A_503 = tpu.vector_load %arg10[%get3A_501, %get3A_502] {strides = array<i32>} : memref<25x80xi32, #tpu.memory_space<vmem>>, vector<16xi32>,
    %shift_right_logical3A_504 = arith.constant 7 : i32
    %shift_right_logical3A_505 = vector.broadcast %shift_right_logical3A_504 : i32 to vector<16xi32>
    %shift_right_logical3A_506 = arith.shrui %get3A_503, %shift_right_logical3A_505 : vector<16xi32>
    %and3A_507 = arith.constant 127 : i32
    %and3A_508 = vector.broadcast %and3A_507 : i32 to vector<16xi32>
    %and3A_509 = arith.andi %get3A_503, %and3A_508 : vector<16xi32>
    tpu.vector_store_idx %arg13[%shift_right_logical3A_506, %and3A_509], %broadcast_in_dim3A_2 {add = true} : memref<80x128xf32, #tpu.memory_space<vmem>>[vector<16xi32>, vector<16xi32>], vector<16xf32>,
    %get3A_510 = arith.constant 24 : i32
    %get3A_511 = arith.index_cast %get3A_510 : i32 to index
    %get3A_512 = arith.constant 32 : index
    %get3A_513 = tpu.vector_load %arg10[%get3A_511, %get3A_512] {strides = array<i32>} : memref<25x80xi32, #tpu.memory_space<vmem>>, vector<16xi32>,
    %shift_right_logical3A_514 = arith.constant 7 : i32
    %shift_right_logical3A_515 = vector.broadcast %shift_right_logical3A_514 : i32 to vector<16xi32>
    %shift_right_logical3A_516 = arith.shrui %get3A_513, %shift_right_logical3A_515 : vector<16xi32>
    %and3A_517 = arith.constant 127 : i32
    %and3A_518 = vector.broadcast %and3A_517 : i32 to vector<16xi32>
    %and3A_519 = arith.andi %get3A_513, %and3A_518 : vector<16xi32>
    tpu.vector_store_idx %arg13[%shift_right_logical3A_516, %and3A_519], %broadcast_in_dim3A_2 {add = true} : memref<80x128xf32, #tpu.memory_space<vmem>>[vector<16xi32>, vector<16xi32>], vector<16xf32>,
    %get3A_520 = arith.constant 24 : i32
    %get3A_521 = arith.index_cast %get3A_520 : i32 to index
    %get3A_522 = arith.constant 48 : index
    %get3A_523 = tpu.vector_load %arg10[%get3A_521, %get3A_522] {strides = array<i32>} : memref<25x80xi32, #tpu.memory_space<vmem>>, vector<16xi32>,
    %shift_right_logical3A_524 = arith.constant 7 : i32
    %shift_right_logical3A_525 = vector.broadcast %shift_right_logical3A_524 : i32 to vector<16xi32>
    %shift_right_logical3A_526 = arith.shrui %get3A_523, %shift_right_logical3A_525 : vector<16xi32>
    %and3A_527 = arith.constant 127 : i32
    %and3A_528 = vector.broadcast %and3A_527 : i32 to vector<16xi32>
    %and3A_529 = arith.andi %get3A_523, %and3A_528 : vector<16xi32>
    tpu.vector_store_idx %arg13[%shift_right_logical3A_526, %and3A_529], %broadcast_in_dim3A_2 {add = true} : memref<80x128xf32, #tpu.memory_space<vmem>>[vector<16xi32>, vector<16xi32>], vector<16xf32>,
    %get3A_530 = arith.constant 24 : i32
    %get3A_531 = arith.index_cast %get3A_530 : i32 to index
    %get3A_532 = arith.constant 64 : index
    %get3A_533 = tpu.vector_load %arg10[%get3A_531, %get3A_532] {strides = array<i32>} : memref<25x80xi32, #tpu.memory_space<vmem>>, vector<16xi32>,
    %shift_right_logical3A_534 = arith.constant 7 : i32
    %shift_right_logical3A_535 = vector.broadcast %shift_right_logical3A_534 : i32 to vector<16xi32>
    %shift_right_logical3A_536 = arith.shrui %get3A_533, %shift_right_logical3A_535 : vector<16xi32>
    %and3A_537 = arith.constant 127 : i32
    %and3A_538 = vector.broadcast %and3A_537 : i32 to vector<16xi32>
    %and3A_539 = arith.andi %get3A_533, %and3A_538 : vector<16xi32>
    tpu.vector_store_idx %arg13[%shift_right_logical3A_536, %and3A_539], %broadcast_in_dim3A_2 {add = true} : memref<80x128xf32, #tpu.memory_space<vmem>>[vector<16xi32>, vector<16xi32>], vector<16xf32>,
    %dma_wait3A_540 = arith.constant 4 : i32
    %dma_wait3A_541 = arith.constant 0 : i32
    %dma_wait3A_542 = arith.constant 0 : i32
    %dma_wait3A_543 = tpu.memref_slice %arg3[%arg0, %arg1, %dma_wait3A_540, %dma_wait3A_541, %dma_wait3A_542] : memref<2x16x5x25x80xi32, #tpu.memory_space<hbm>> -> memref<1x1x1x25x80xi32, #tpu.memory_space<hbm>>
    %dma_wait3A_544 = tpu.memref_squeeze %dma_wait3A_543 : memref<1x1x1x25x80xi32, #tpu.memory_space<hbm>> -> memref<25x80xi32, #tpu.memory_space<hbm>>
    %dma_wait3A_545 = arith.constant 0 : i32
    %dma_wait3A_546 = arith.constant 0 : i32
    %dma_wait3A_547 = tpu.memref_slice %arg3[%arg0, %arg1, %dma_wait3A_540, %dma_wait3A_545, %dma_wait3A_546] : memref<2x16x5x25x80xi32, #tpu.memory_space<hbm>> -> memref<1x1x1x25x80xi32, #tpu.memory_space<hbm>>
    %dma_wait3A_548 = tpu.memref_squeeze %dma_wait3A_547 : memref<1x1x1x25x80xi32, #tpu.memory_space<hbm>> -> memref<25x80xi32, #tpu.memory_space<hbm>>
    tpu.wait_dma2 semaphore(%arg21 : memref<!tpu.dma_semaphore, #tpu.memory_space<semaphore_mem>>) src(%dma_wait3A_548 : memref<25x80xi32, #tpu.memory_space<hbm>>) dst(%arg7 : memref<25x80xi32, #tpu.memory_space<vmem>>)
    %dma_wait3A_549 = arith.constant 4 : i32
    %dma_wait3A_550 = arith.constant 0 : i32
    %dma_wait3A_551 = arith.constant 0 : i32
    %dma_wait3A_552 = tpu.memref_slice %arg4[%arg1, %dma_wait3A_549, %dma_wait3A_550, %dma_wait3A_551] : memref<16x5x25x80xi32, #tpu.memory_space<hbm>> -> memref<1x1x25x80xi32, #tpu.memory_space<hbm>>
    %dma_wait3A_553 = tpu.memref_squeeze %dma_wait3A_552 : memref<1x1x25x80xi32, #tpu.memory_space<hbm>> -> memref<25x80xi32, #tpu.memory_space<hbm>>
    %dma_wait3A_554 = arith.constant 0 : i32
    %dma_wait3A_555 = arith.constant 0 : i32
    %dma_wait3A_556 = tpu.memref_slice %arg4[%arg1, %dma_wait3A_549, %dma_wait3A_554, %dma_wait3A_555] : memref<16x5x25x80xi32, #tpu.memory_space<hbm>> -> memref<1x1x25x80xi32, #tpu.memory_space<hbm>>
    %dma_wait3A_557 = tpu.memref_squeeze %dma_wait3A_556 : memref<1x1x25x80xi32, #tpu.memory_space<hbm>> -> memref<25x80xi32, #tpu.memory_space<hbm>>
    tpu.wait_dma2 semaphore(%arg21 : memref<!tpu.dma_semaphore, #tpu.memory_space<semaphore_mem>>) src(%dma_wait3A_557 : memref<25x80xi32, #tpu.memory_space<hbm>>) dst(%arg9 : memref<25x80xi32, #tpu.memory_space<vmem>>)
    %dma_wait3A_558 = arith.constant 0 : i32
    %dma_wait3A_559 = arith.constant 0 : i32
    %dma_wait3A_560 = tpu.memref_slice %arg9[%dma_wait3A_558, %dma_wait3A_559] : memref<25x80xi32, #tpu.memory_space<vmem>> -> memref<1x80xi32, #tpu.memory_space<vmem>>
    %dma_wait3A_561 = tpu.memref_squeeze %dma_wait3A_560 : memref<1x80xi32, #tpu.memory_space<vmem>> -> memref<80xi32, #tpu.memory_space<vmem>>
    %dma_wait3A_562 = arith.constant 0 : i32
    %dma_wait3A_563 = arith.constant 0 : i32
    %dma_wait3A_564 = tpu.memref_slice %arg15[%dma_wait3A_562, %dma_wait3A_563] : memref<10000x128xf32, #tpu.memory_space<vmem_shared>> -> memref<10000x128xf32, #tpu.memory_space<vmem_shared>>
    tpu.wait_indirect_dma semaphore(%arg19 : memref<!tpu.dma_semaphore, #tpu.memory_space<semaphore_mem>>) src(%arg11 : memref<80x128xf32, #tpu.memory_space<vmem>>) dst(%dma_wait3A_564 : memref<10000x128xf32, #tpu.memory_space<vmem_shared>>)
    %dma_start3A_565 = arith.constant 0 : i32
    %dma_start3A_566 = arith.constant 0 : i32
    %dma_start3A_567 = tpu.memref_slice %arg7[%dma_start3A_565, %dma_start3A_566] : memref<25x80xi32, #tpu.memory_space<vmem>> -> memref<1x80xi32, #tpu.memory_space<vmem>>
    %dma_start3A_568 = tpu.memref_squeeze %dma_start3A_567 : memref<1x80xi32, #tpu.memory_space<vmem>> -> memref<80xi32, #tpu.memory_space<vmem>>
    %dma_start3A_569 = arith.constant 0 : i32
    %dma_start3A_570 = arith.constant 0 : i32
    %dma_start3A_571 = tpu.memref_slice %arg2[%dma_start3A_569, %dma_start3A_570] : memref<20000x128xf32, #tpu.memory_space<hbm>> -> memref<20000x128xf32, #tpu.memory_space<hbm>>
    tpu.enqueue_indirect_dma source(%dma_start3A_571 : memref<20000x128xf32, #tpu.memory_space<hbm>>) target(%arg11 : memref<80x128xf32, #tpu.memory_space<vmem>>) offsets(%dma_start3A_568 : memref<80xi32, #tpu.memory_space<vmem>>) semaphore(%arg17 : memref<!tpu.dma_semaphore, #tpu.memory_space<semaphore_mem>>)
    %dma_wait3A_572 = arith.constant 0 : i32
    %dma_wait3A_573 = arith.constant 0 : i32
    %dma_wait3A_574 = tpu.memref_slice %arg9[%dma_wait3A_572, %dma_wait3A_573] : memref<25x80xi32, #tpu.memory_space<vmem>> -> memref<1x80xi32, #tpu.memory_space<vmem>>
    %dma_wait3A_575 = tpu.memref_squeeze %dma_wait3A_574 : memref<1x80xi32, #tpu.memory_space<vmem>> -> memref<80xi32, #tpu.memory_space<vmem>>
    %dma_wait3A_576 = arith.constant 0 : i32
    %dma_wait3A_577 = arith.constant 0 : i32
    %dma_wait3A_578 = tpu.memref_slice %arg15[%dma_wait3A_576, %dma_wait3A_577] : memref<10000x128xf32, #tpu.memory_space<vmem_shared>> -> memref<10000x128xf32, #tpu.memory_space<vmem_shared>>
    tpu.wait_indirect_dma semaphore(%arg20 : memref<!tpu.dma_semaphore, #tpu.memory_space<semaphore_mem>>) src(%arg12 : memref<80x128xf32, #tpu.memory_space<vmem>>) dst(%dma_wait3A_578 : memref<10000x128xf32, #tpu.memory_space<vmem_shared>>)
    %dma_start3A_579 = arith.constant 1 : i32
    %dma_start3A_580 = arith.constant 0 : i32
    %dma_start3A_581 = tpu.memref_slice %arg7[%dma_start3A_579, %dma_start3A_580] : memref<25x80xi32, #tpu.memory_space<vmem>> -> memref<1x80xi32, #tpu.memory_space<vmem>>
    %dma_start3A_582 = tpu.memref_squeeze %dma_start3A_581 : memref<1x80xi32, #tpu.memory_space<vmem>> -> memref<80xi32, #tpu.memory_space<vmem>>
    %dma_start3A_583 = arith.constant 0 : i32
    %dma_start3A_584 = arith.constant 0 : i32
    %dma_start3A_585 = tpu.memref_slice %arg2[%dma_start3A_583, %dma_start3A_584] : memref<20000x128xf32, #tpu.memory_space<hbm>> -> memref<20000x128xf32, #tpu.memory_space<hbm>>
    tpu.enqueue_indirect_dma source(%dma_start3A_585 : memref<20000x128xf32, #tpu.memory_space<hbm>>) target(%arg12 : memref<80x128xf32, #tpu.memory_space<vmem>>) offsets(%dma_start3A_582 : memref<80xi32, #tpu.memory_space<vmem>>) semaphore(%arg18 : memref<!tpu.dma_semaphore, #tpu.memory_space<semaphore_mem>>)
    %scan3A_586 = arith.constant 0 : i32
    %scan3A_587 = arith.constant 12 : i32
    %scan3A_588 = arith.addi %scan3A_586, %scan3A_587 : i32
    %scan3A_589 = arith.constant 1 : i32
    scf.for %scan3A_678 = %scan3A_586 to %scan3A_588 step %scan3A_589  : i32 {
      %mul3A_679 = arith.constant 1 : i32
      %mul3A_680 = arith.muli %scan3A_678, %mul3A_679 : i32
      %add3A_681 = arith.constant 0 : i32
      %add3A_682 = arith.addi %add3A_681, %mul3A_680 : i32
      %mul3A_683 = arith.constant 2 : i32
      %mul3A_684 = arith.muli %mul3A_683, %add3A_682 : i32
      %dma_wait3A_685 = arith.constant 0 : i32
      %dma_wait3A_686 = tpu.memref_slice %arg7[%mul3A_684, %dma_wait3A_685] : memref<25x80xi32, #tpu.memory_space<vmem>> -> memref<1x80xi32, #tpu.memory_space<vmem>>
      %dma_wait3A_687 = tpu.memref_squeeze %dma_wait3A_686 : memref<1x80xi32, #tpu.memory_space<vmem>> -> memref<80xi32, #tpu.memory_space<vmem>>
      %dma_wait3A_688 = arith.constant 0 : i32
      %dma_wait3A_689 = arith.constant 0 : i32
      %dma_wait3A_690 = tpu.memref_slice %arg2[%dma_wait3A_688, %dma_wait3A_689] : memref<20000x128xf32, #tpu.memory_space<hbm>> -> memref<20000x128xf32, #tpu.memory_space<hbm>>
      tpu.wait_indirect_dma semaphore(%arg17 : memref<!tpu.dma_semaphore, #tpu.memory_space<semaphore_mem>>) src(%dma_wait3A_690 : memref<20000x128xf32, #tpu.memory_space<hbm>>) dst(%arg11 : memref<80x128xf32, #tpu.memory_space<vmem>>)
      %dma_start3A_691 = arith.constant 0 : i32
      %dma_start3A_692 = tpu.memref_slice %arg9[%mul3A_684, %dma_start3A_691] : memref<25x80xi32, #tpu.memory_space<vmem>> -> memref<1x80xi32, #tpu.memory_space<vmem>>
      %dma_start3A_693 = tpu.memref_squeeze %dma_start3A_692 : memref<1x80xi32, #tpu.memory_space<vmem>> -> memref<80xi32, #tpu.memory_space<vmem>>
      %dma_start3A_694 = arith.constant 0 : i32
      %dma_start3A_695 = arith.constant 0 : i32
      %dma_start3A_696 = tpu.memref_slice %arg15[%dma_start3A_694, %dma_start3A_695] : memref<10000x128xf32, #tpu.memory_space<vmem_shared>> -> memref<10000x128xf32, #tpu.memory_space<vmem_shared>>
      tpu.enqueue_indirect_dma source(%arg11 : memref<80x128xf32, #tpu.memory_space<vmem>>) target(%dma_start3A_696 : memref<10000x128xf32, #tpu.memory_space<vmem_shared>>) offsets(%dma_start3A_693 : memref<80xi32, #tpu.memory_space<vmem>>) semaphore(%arg19 : memref<!tpu.dma_semaphore, #tpu.memory_space<semaphore_mem>>) {add = true}
      %get3A_697 = arith.index_cast %mul3A_684 : i32 to index
      %get3A_698 = arith.constant 0 : index
      %get3A_699 = tpu.vector_load %arg9[%get3A_697, %get3A_698] {strides = array<i32>} : memref<25x80xi32, #tpu.memory_space<vmem>>, vector<16xi32>,
      %shift_right_logical3A_700 = arith.constant 7 : i32
      %shift_right_logical3A_701 = vector.broadcast %shift_right_logical3A_700 : i32 to vector<16xi32>
      %shift_right_logical3A_702 = arith.shrui %get3A_699, %shift_right_logical3A_701 : vector<16xi32>
      %and3A_703 = arith.constant 127 : i32
      %and3A_704 = vector.broadcast %and3A_703 : i32 to vector<16xi32>
      %and3A_705 = arith.andi %get3A_699, %and3A_704 : vector<16xi32>
      tpu.vector_store_idx %arg13[%shift_right_logical3A_702, %and3A_705], %broadcast_in_dim3A_2 {add = true} : memref<80x128xf32, #tpu.memory_space<vmem>>[vector<16xi32>, vector<16xi32>], vector<16xf32>,
      %get3A_706 = arith.index_cast %mul3A_684 : i32 to index
      %get3A_707 = arith.constant 16 : index
      %get3A_708 = tpu.vector_load %arg9[%get3A_706, %get3A_707] {strides = array<i32>} : memref<25x80xi32, #tpu.memory_space<vmem>>, vector<16xi32>,
      %shift_right_logical3A_709 = arith.constant 7 : i32
      %shift_right_logical3A_710 = vector.broadcast %shift_right_logical3A_709 : i32 to vector<16xi32>
      %shift_right_logical3A_711 = arith.shrui %get3A_708, %shift_right_logical3A_710 : vector<16xi32>
      %and3A_712 = arith.constant 127 : i32
      %and3A_713 = vector.broadcast %and3A_712 : i32 to vector<16xi32>
      %and3A_714 = arith.andi %get3A_708, %and3A_713 : vector<16xi32>
      tpu.vector_store_idx %arg13[%shift_right_logical3A_711, %and3A_714], %broadcast_in_dim3A_2 {add = true} : memref<80x128xf32, #tpu.memory_space<vmem>>[vector<16xi32>, vector<16xi32>], vector<16xf32>,
      %get3A_715 = arith.index_cast %mul3A_684 : i32 to index
      %get3A_716 = arith.constant 32 : index
      %get3A_717 = tpu.vector_load %arg9[%get3A_715, %get3A_716] {strides = array<i32>} : memref<25x80xi32, #tpu.memory_space<vmem>>, vector<16xi32>,
      %shift_right_logical3A_718 = arith.constant 7 : i32
      %shift_right_logical3A_719 = vector.broadcast %shift_right_logical3A_718 : i32 to vector<16xi32>
      %shift_right_logical3A_720 = arith.shrui %get3A_717, %shift_right_logical3A_719 : vector<16xi32>
      %and3A_721 = arith.constant 127 : i32
      %and3A_722 = vector.broadcast %and3A_721 : i32 to vector<16xi32>
      %and3A_723 = arith.andi %get3A_717, %and3A_722 : vector<16xi32>
      tpu.vector_store_idx %arg13[%shift_right_logical3A_720, %and3A_723], %broadcast_in_dim3A_2 {add = true} : memref<80x128xf32, #tpu.memory_space<vmem>>[vector<16xi32>, vector<16xi32>], vector<16xf32>,
      %get3A_724 = arith.index_cast %mul3A_684 : i32 to index
      %get3A_725 = arith.constant 48 : index
      %get3A_726 = tpu.vector_load %arg9[%get3A_724, %get3A_725] {strides = array<i32>} : memref<25x80xi32, #tpu.memory_space<vmem>>, vector<16xi32>,
      %shift_right_logical3A_727 = arith.constant 7 : i32
      %shift_right_logical3A_728 = vector.broadcast %shift_right_logical3A_727 : i32 to vector<16xi32>
      %shift_right_logical3A_729 = arith.shrui %get3A_726, %shift_right_logical3A_728 : vector<16xi32>
      %and3A_730 = arith.constant 127 : i32
      %and3A_731 = vector.broadcast %and3A_730 : i32 to vector<16xi32>
      %and3A_732 = arith.andi %get3A_726, %and3A_731 : vector<16xi32>
      tpu.vector_store_idx %arg13[%shift_right_logical3A_729, %and3A_732], %broadcast_in_dim3A_2 {add = true} : memref<80x128xf32, #tpu.memory_space<vmem>>[vector<16xi32>, vector<16xi32>], vector<16xf32>,
      %get3A_733 = arith.index_cast %mul3A_684 : i32 to index
      %get3A_734 = arith.constant 64 : index
      %get3A_735 = tpu.vector_load %arg9[%get3A_733, %get3A_734] {strides = array<i32>} : memref<25x80xi32, #tpu.memory_space<vmem>>, vector<16xi32>,
      %shift_right_logical3A_736 = arith.constant 7 : i32
      %shift_right_logical3A_737 = vector.broadcast %shift_right_logical3A_736 : i32 to vector<16xi32>
      %shift_right_logical3A_738 = arith.shrui %get3A_735, %shift_right_logical3A_737 : vector<16xi32>
      %and3A_739 = arith.constant 127 : i32
      %and3A_740 = vector.broadcast %and3A_739 : i32 to vector<16xi32>
      %and3A_741 = arith.andi %get3A_735, %and3A_740 : vector<16xi32>
      tpu.vector_store_idx %arg13[%shift_right_logical3A_738, %and3A_741], %broadcast_in_dim3A_2 {add = true} : memref<80x128xf32, #tpu.memory_space<vmem>>[vector<16xi32>, vector<16xi32>], vector<16xf32>,
      %add3A_742 = arith.constant 2 : i32
      %add3A_743 = arith.addi %mul3A_684, %add3A_742 : i32
      %le3A = arith.constant 24 : i32
      %le3A_744 = arith.cmpi sle, %add3A_743, %le3A : i32
      %convert_element_type3A_745 = arith.extui %le3A_744 : i1 to i32
      %cond3A_746 = arith.constant 0 : i32
      %cond3A_747 = arith.cmpi ne, %convert_element_type3A_745, %cond3A_746 : i32
      scf.if %cond3A_747 {
        %dma_wait3A_816 = arith.constant 0 : i32
        %dma_wait3A_817 = arith.constant 0 : i32
        %dma_wait3A_818 = tpu.memref_slice %arg9[%dma_wait3A_816, %dma_wait3A_817] : memref<25x80xi32, #tpu.memory_space<vmem>> -> memref<1x80xi32, #tpu.memory_space<vmem>>
        %dma_wait3A_819 = tpu.memref_squeeze %dma_wait3A_818 : memref<1x80xi32, #tpu.memory_space<vmem>> -> memref<80xi32, #tpu.memory_space<vmem>>
        %dma_wait3A_820 = arith.constant 0 : i32
        %dma_wait3A_821 = arith.constant 0 : i32
        %dma_wait3A_822 = tpu.memref_slice %arg15[%dma_wait3A_820, %dma_wait3A_821] : memref<10000x128xf32, #tpu.memory_space<vmem_shared>> -> memref<10000x128xf32, #tpu.memory_space<vmem_shared>>
        tpu.wait_indirect_dma semaphore(%arg19 : memref<!tpu.dma_semaphore, #tpu.memory_space<semaphore_mem>>) src(%arg11 : memref<80x128xf32, #tpu.memory_space<vmem>>) dst(%dma_wait3A_822 : memref<10000x128xf32, #tpu.memory_space<vmem_shared>>)
        %add3A_823 = arith.constant 2 : i32
        %add3A_824 = arith.addi %mul3A_684, %add3A_823 : i32
        %dma_start3A_825 = arith.constant 0 : i32
        %dma_start3A_826 = tpu.memref_slice %arg7[%add3A_824, %dma_start3A_825] : memref<25x80xi32, #tpu.memory_space<vmem>> -> memref<1x80xi32, #tpu.memory_space<vmem>>
        %dma_start3A_827 = tpu.memref_squeeze %dma_start3A_826 : memref<1x80xi32, #tpu.memory_space<vmem>> -> memref<80xi32, #tpu.memory_space<vmem>>
        %dma_start3A_828 = arith.constant 0 : i32
        %dma_start3A_829 = arith.constant 0 : i32
        %dma_start3A_830 = tpu.memref_slice %arg2[%dma_start3A_828, %dma_start3A_829] : memref<20000x128xf32, #tpu.memory_space<hbm>> -> memref<20000x128xf32, #tpu.memory_space<hbm>>
        tpu.enqueue_indirect_dma source(%dma_start3A_830 : memref<20000x128xf32, #tpu.memory_space<hbm>>) target(%arg11 : memref<80x128xf32, #tpu.memory_space<vmem>>) offsets(%dma_start3A_827 : memref<80xi32, #tpu.memory_space<vmem>>) semaphore(%arg17 : memref<!tpu.dma_semaphore, #tpu.memory_space<semaphore_mem>>)
      } else {
      }
      %mul3A_748 = arith.constant 2 : i32
      %mul3A_749 = arith.muli %mul3A_748, %add3A_682 : i32
      %add3A_750 = arith.constant 1 : i32
      %add3A_751 = arith.addi %mul3A_749, %add3A_750 : i32
      %dma_wait3A_752 = arith.constant 0 : i32
      %dma_wait3A_753 = tpu.memref_slice %arg7[%add3A_751, %dma_wait3A_752] : memref<25x80xi32, #tpu.memory_space<vmem>> -> memref<1x80xi32, #tpu.memory_space<vmem>>
      %dma_wait3A_754 = tpu.memref_squeeze %dma_wait3A_753 : memref<1x80xi32, #tpu.memory_space<vmem>> -> memref<80xi32, #tpu.memory_space<vmem>>
      %dma_wait3A_755 = arith.constant 0 : i32
      %dma_wait3A_756 = arith.constant 0 : i32
      %dma_wait3A_757 = tpu.memref_slice %arg2[%dma_wait3A_755, %dma_wait3A_756] : memref<20000x128xf32, #tpu.memory_space<hbm>> -> memref<20000x128xf32, #tpu.memory_space<hbm>>
      tpu.wait_indirect_dma semaphore(%arg18 : memref<!tpu.dma_semaphore, #tpu.memory_space<semaphore_mem>>) src(%dma_wait3A_757 : memref<20000x128xf32, #tpu.memory_space<hbm>>) dst(%arg12 : memref<80x128xf32, #tpu.memory_space<vmem>>)
      %dma_start3A_758 = arith.constant 0 : i32
      %dma_start3A_759 = tpu.memref_slice %arg9[%add3A_751, %dma_start3A_758] : memref<25x80xi32, #tpu.memory_space<vmem>> -> memref<1x80xi32, #tpu.memory_space<vmem>>
      %dma_start3A_760 = tpu.memref_squeeze %dma_start3A_759 : memref<1x80xi32, #tpu.memory_space<vmem>> -> memref<80xi32, #tpu.memory_space<vmem>>
      %dma_start3A_761 = arith.constant 0 : i32
      %dma_start3A_762 = arith.constant 0 : i32
      %dma_start3A_763 = tpu.memref_slice %arg15[%dma_start3A_761, %dma_start3A_762] : memref<10000x128xf32, #tpu.memory_space<vmem_shared>> -> memref<10000x128xf32, #tpu.memory_space<vmem_shared>>
      tpu.enqueue_indirect_dma source(%arg12 : memref<80x128xf32, #tpu.memory_space<vmem>>) target(%dma_start3A_763 : memref<10000x128xf32, #tpu.memory_space<vmem_shared>>) offsets(%dma_start3A_760 : memref<80xi32, #tpu.memory_space<vmem>>) semaphore(%arg20 : memref<!tpu.dma_semaphore, #tpu.memory_space<semaphore_mem>>) {add = true}
      %get3A_764 = arith.index_cast %add3A_751 : i32 to index
      %get3A_765 = arith.constant 0 : index
      %get3A_766 = tpu.vector_load %arg9[%get3A_764, %get3A_765] {strides = array<i32>} : memref<25x80xi32, #tpu.memory_space<vmem>>, vector<16xi32>,
      %shift_right_logical3A_767 = arith.constant 7 : i32
      %shift_right_logical3A_768 = vector.broadcast %shift_right_logical3A_767 : i32 to vector<16xi32>
      %shift_right_logical3A_769 = arith.shrui %get3A_766, %shift_right_logical3A_768 : vector<16xi32>
      %and3A_770 = arith.constant 127 : i32
      %and3A_771 = vector.broadcast %and3A_770 : i32 to vector<16xi32>
      %and3A_772 = arith.andi %get3A_766, %and3A_771 : vector<16xi32>
      tpu.vector_store_idx %arg13[%shift_right_logical3A_769, %and3A_772], %broadcast_in_dim3A_2 {add = true} : memref<80x128xf32, #tpu.memory_space<vmem>>[vector<16xi32>, vector<16xi32>], vector<16xf32>,
      %get3A_773 = arith.index_cast %add3A_751 : i32 to index
      %get3A_774 = arith.constant 16 : index
      %get3A_775 = tpu.vector_load %arg9[%get3A_773, %get3A_774] {strides = array<i32>} : memref<25x80xi32, #tpu.memory_space<vmem>>, vector<16xi32>,
      %shift_right_logical3A_776 = arith.constant 7 : i32
      %shift_right_logical3A_777 = vector.broadcast %shift_right_logical3A_776 : i32 to vector<16xi32>
      %shift_right_logical3A_778 = arith.shrui %get3A_775, %shift_right_logical3A_777 : vector<16xi32>
      %and3A_779 = arith.constant 127 : i32
      %and3A_780 = vector.broadcast %and3A_779 : i32 to vector<16xi32>
      %and3A_781 = arith.andi %get3A_775, %and3A_780 : vector<16xi32>
      tpu.vector_store_idx %arg13[%shift_right_logical3A_778, %and3A_781], %broadcast_in_dim3A_2 {add = true} : memref<80x128xf32, #tpu.memory_space<vmem>>[vector<16xi32>, vector<16xi32>], vector<16xf32>,
      %get3A_782 = arith.index_cast %add3A_751 : i32 to index
      %get3A_783 = arith.constant 32 : index
      %get3A_784 = tpu.vector_load %arg9[%get3A_782, %get3A_783] {strides = array<i32>} : memref<25x80xi32, #tpu.memory_space<vmem>>, vector<16xi32>,
      %shift_right_logical3A_785 = arith.constant 7 : i32
      %shift_right_logical3A_786 = vector.broadcast %shift_right_logical3A_785 : i32 to vector<16xi32>
      %shift_right_logical3A_787 = arith.shrui %get3A_784, %shift_right_logical3A_786 : vector<16xi32>
      %and3A_788 = arith.constant 127 : i32
      %and3A_789 = vector.broadcast %and3A_788 : i32 to vector<16xi32>
      %and3A_790 = arith.andi %get3A_784, %and3A_789 : vector<16xi32>
      tpu.vector_store_idx %arg13[%shift_right_logical3A_787, %and3A_790], %broadcast_in_dim3A_2 {add = true} : memref<80x128xf32, #tpu.memory_space<vmem>>[vector<16xi32>, vector<16xi32>], vector<16xf32>,
      %get3A_791 = arith.index_cast %add3A_751 : i32 to index
      %get3A_792 = arith.constant 48 : index
      %get3A_793 = tpu.vector_load %arg9[%get3A_791, %get3A_792] {strides = array<i32>} : memref<25x80xi32, #tpu.memory_space<vmem>>, vector<16xi32>,
      %shift_right_logical3A_794 = arith.constant 7 : i32
      %shift_right_logical3A_795 = vector.broadcast %shift_right_logical3A_794 : i32 to vector<16xi32>
      %shift_right_logical3A_796 = arith.shrui %get3A_793, %shift_right_logical3A_795 : vector<16xi32>
      %and3A_797 = arith.constant 127 : i32
      %and3A_798 = vector.broadcast %and3A_797 : i32 to vector<16xi32>
      %and3A_799 = arith.andi %get3A_793, %and3A_798 : vector<16xi32>
      tpu.vector_store_idx %arg13[%shift_right_logical3A_796, %and3A_799], %broadcast_in_dim3A_2 {add = true} : memref<80x128xf32, #tpu.memory_space<vmem>>[vector<16xi32>, vector<16xi32>], vector<16xf32>,
      %get3A_800 = arith.index_cast %add3A_751 : i32 to index
      %get3A_801 = arith.constant 64 : index
      %get3A_802 = tpu.vector_load %arg9[%get3A_800, %get3A_801] {strides = array<i32>} : memref<25x80xi32, #tpu.memory_space<vmem>>, vector<16xi32>,
      %shift_right_logical3A_803 = arith.constant 7 : i32
      %shift_right_logical3A_804 = vector.broadcast %shift_right_logical3A_803 : i32 to vector<16xi32>
      %shift_right_logical3A_805 = arith.shrui %get3A_802, %shift_right_logical3A_804 : vector<16xi32>
      %and3A_806 = arith.constant 127 : i32
      %and3A_807 = vector.broadcast %and3A_806 : i32 to vector<16xi32>
      %and3A_808 = arith.andi %get3A_802, %and3A_807 : vector<16xi32>
      tpu.vector_store_idx %arg13[%shift_right_logical3A_805, %and3A_808], %broadcast_in_dim3A_2 {add = true} : memref<80x128xf32, #tpu.memory_space<vmem>>[vector<16xi32>, vector<16xi32>], vector<16xf32>,
      %add3A_809 = arith.constant 2 : i32
      %add3A_810 = arith.addi %add3A_751, %add3A_809 : i32
      %le3A_811 = arith.constant 24 : i32
      %le3A_812 = arith.cmpi sle, %add3A_810, %le3A_811 : i32
      %convert_element_type3A_813 = arith.extui %le3A_812 : i1 to i32
      %cond3A_814 = arith.constant 0 : i32
      %cond3A_815 = arith.cmpi ne, %convert_element_type3A_813, %cond3A_814 : i32
      scf.if %cond3A_815 {
        %dma_wait3A_816 = arith.constant 0 : i32
        %dma_wait3A_817 = arith.constant 0 : i32
        %dma_wait3A_818 = tpu.memref_slice %arg9[%dma_wait3A_816, %dma_wait3A_817] : memref<25x80xi32, #tpu.memory_space<vmem>> -> memref<1x80xi32, #tpu.memory_space<vmem>>
        %dma_wait3A_819 = tpu.memref_squeeze %dma_wait3A_818 : memref<1x80xi32, #tpu.memory_space<vmem>> -> memref<80xi32, #tpu.memory_space<vmem>>
        %dma_wait3A_820 = arith.constant 0 : i32
        %dma_wait3A_821 = arith.constant 0 : i32
        %dma_wait3A_822 = tpu.memref_slice %arg15[%dma_wait3A_820, %dma_wait3A_821] : memref<10000x128xf32, #tpu.memory_space<vmem_shared>> -> memref<10000x128xf32, #tpu.memory_space<vmem_shared>>
        tpu.wait_indirect_dma semaphore(%arg20 : memref<!tpu.dma_semaphore, #tpu.memory_space<semaphore_mem>>) src(%arg12 : memref<80x128xf32, #tpu.memory_space<vmem>>) dst(%dma_wait3A_822 : memref<10000x128xf32, #tpu.memory_space<vmem_shared>>)
        %add3A_823 = arith.constant 2 : i32
        %add3A_824 = arith.addi %add3A_751, %add3A_823 : i32
        %dma_start3A_825 = arith.constant 0 : i32
        %dma_start3A_826 = tpu.memref_slice %arg7[%add3A_824, %dma_start3A_825] : memref<25x80xi32, #tpu.memory_space<vmem>> -> memref<1x80xi32, #tpu.memory_space<vmem>>
        %dma_start3A_827 = tpu.memref_squeeze %dma_start3A_826 : memref<1x80xi32, #tpu.memory_space<vmem>> -> memref<80xi32, #tpu.memory_space<vmem>>
        %dma_start3A_828 = arith.constant 0 : i32
        %dma_start3A_829 = arith.constant 0 : i32
        %dma_start3A_830 = tpu.memref_slice %arg2[%dma_start3A_828, %dma_start3A_829] : memref<20000x128xf32, #tpu.memory_space<hbm>> -> memref<20000x128xf32, #tpu.memory_space<hbm>>
        tpu.enqueue_indirect_dma source(%dma_start3A_830 : memref<20000x128xf32, #tpu.memory_space<hbm>>) target(%arg12 : memref<80x128xf32, #tpu.memory_space<vmem>>) offsets(%dma_start3A_827 : memref<80xi32, #tpu.memory_space<vmem>>) semaphore(%arg18 : memref<!tpu.dma_semaphore, #tpu.memory_space<semaphore_mem>>)
      } else {
      }
    }
    %scan3A_590 = arith.constant 12 : i32
    %dma_wait3A_591 = arith.constant 24 : i32
    %dma_wait3A_592 = arith.constant 0 : i32
    %dma_wait3A_593 = tpu.memref_slice %arg7[%dma_wait3A_591, %dma_wait3A_592] : memref<25x80xi32, #tpu.memory_space<vmem>> -> memref<1x80xi32, #tpu.memory_space<vmem>>
    %dma_wait3A_594 = tpu.memref_squeeze %dma_wait3A_593 : memref<1x80xi32, #tpu.memory_space<vmem>> -> memref<80xi32, #tpu.memory_space<vmem>>
    %dma_wait3A_595 = arith.constant 0 : i32
    %dma_wait3A_596 = arith.constant 0 : i32
    %dma_wait3A_597 = tpu.memref_slice %arg2[%dma_wait3A_595, %dma_wait3A_596] : memref<20000x128xf32, #tpu.memory_space<hbm>> -> memref<20000x128xf32, #tpu.memory_space<hbm>>
    tpu.wait_indirect_dma semaphore(%arg17 : memref<!tpu.dma_semaphore, #tpu.memory_space<semaphore_mem>>) src(%dma_wait3A_597 : memref<20000x128xf32, #tpu.memory_space<hbm>>) dst(%arg11 : memref<80x128xf32, #tpu.memory_space<vmem>>)
    %dma_start3A_598 = arith.constant 24 : i32
    %dma_start3A_599 = arith.constant 0 : i32
    %dma_start3A_600 = tpu.memref_slice %arg9[%dma_start3A_598, %dma_start3A_599] : memref<25x80xi32, #tpu.memory_space<vmem>> -> memref<1x80xi32, #tpu.memory_space<vmem>>
    %dma_start3A_601 = tpu.memref_squeeze %dma_start3A_600 : memref<1x80xi32, #tpu.memory_space<vmem>> -> memref<80xi32, #tpu.memory_space<vmem>>
    %dma_start3A_602 = arith.constant 0 : i32
    %dma_start3A_603 = arith.constant 0 : i32
    %dma_start3A_604 = tpu.memref_slice %arg15[%dma_start3A_602, %dma_start3A_603] : memref<10000x128xf32, #tpu.memory_space<vmem_shared>> -> memref<10000x128xf32, #tpu.memory_space<vmem_shared>>
    tpu.enqueue_indirect_dma source(%arg11 : memref<80x128xf32, #tpu.memory_space<vmem>>) target(%dma_start3A_604 : memref<10000x128xf32, #tpu.memory_space<vmem_shared>>) offsets(%dma_start3A_601 : memref<80xi32, #tpu.memory_space<vmem>>) semaphore(%arg19 : memref<!tpu.dma_semaphore, #tpu.memory_space<semaphore_mem>>) {add = true}
    %get3A_605 = arith.constant 24 : i32
    %get3A_606 = arith.index_cast %get3A_605 : i32 to index
    %get3A_607 = arith.constant 0 : index
    %get3A_608 = tpu.vector_load %arg9[%get3A_606, %get3A_607] {strides = array<i32>} : memref<25x80xi32, #tpu.memory_space<vmem>>, vector<16xi32>,
    %shift_right_logical3A_609 = arith.constant 7 : i32
    %shift_right_logical3A_610 = vector.broadcast %shift_right_logical3A_609 : i32 to vector<16xi32>
    %shift_right_logical3A_611 = arith.shrui %get3A_608, %shift_right_logical3A_610 : vector<16xi32>
    %and3A_612 = arith.constant 127 : i32
    %and3A_613 = vector.broadcast %and3A_612 : i32 to vector<16xi32>
    %and3A_614 = arith.andi %get3A_608, %and3A_613 : vector<16xi32>
    tpu.vector_store_idx %arg13[%shift_right_logical3A_611, %and3A_614], %broadcast_in_dim3A_2 {add = true} : memref<80x128xf32, #tpu.memory_space<vmem>>[vector<16xi32>, vector<16xi32>], vector<16xf32>,
    %get3A_615 = arith.constant 24 : i32
    %get3A_616 = arith.index_cast %get3A_615 : i32 to index
    %get3A_617 = arith.constant 16 : index
    %get3A_618 = tpu.vector_load %arg9[%get3A_616, %get3A_617] {strides = array<i32>} : memref<25x80xi32, #tpu.memory_space<vmem>>, vector<16xi32>,
    %shift_right_logical3A_619 = arith.constant 7 : i32
    %shift_right_logical3A_620 = vector.broadcast %shift_right_logical3A_619 : i32 to vector<16xi32>
    %shift_right_logical3A_621 = arith.shrui %get3A_618, %shift_right_logical3A_620 : vector<16xi32>
    %and3A_622 = arith.constant 127 : i32
    %and3A_623 = vector.broadcast %and3A_622 : i32 to vector<16xi32>
    %and3A_624 = arith.andi %get3A_618, %and3A_623 : vector<16xi32>
    tpu.vector_store_idx %arg13[%shift_right_logical3A_621, %and3A_624], %broadcast_in_dim3A_2 {add = true} : memref<80x128xf32, #tpu.memory_space<vmem>>[vector<16xi32>, vector<16xi32>], vector<16xf32>,
    %get3A_625 = arith.constant 24 : i32
    %get3A_626 = arith.index_cast %get3A_625 : i32 to index
    %get3A_627 = arith.constant 32 : index
    %get3A_628 = tpu.vector_load %arg9[%get3A_626, %get3A_627] {strides = array<i32>} : memref<25x80xi32, #tpu.memory_space<vmem>>, vector<16xi32>,
    %shift_right_logical3A_629 = arith.constant 7 : i32
    %shift_right_logical3A_630 = vector.broadcast %shift_right_logical3A_629 : i32 to vector<16xi32>
    %shift_right_logical3A_631 = arith.shrui %get3A_628, %shift_right_logical3A_630 : vector<16xi32>
    %and3A_632 = arith.constant 127 : i32
    %and3A_633 = vector.broadcast %and3A_632 : i32 to vector<16xi32>
    %and3A_634 = arith.andi %get3A_628, %and3A_633 : vector<16xi32>
    tpu.vector_store_idx %arg13[%shift_right_logical3A_631, %and3A_634], %broadcast_in_dim3A_2 {add = true} : memref<80x128xf32, #tpu.memory_space<vmem>>[vector<16xi32>, vector<16xi32>], vector<16xf32>,
    %get3A_635 = arith.constant 24 : i32
    %get3A_636 = arith.index_cast %get3A_635 : i32 to index
    %get3A_637 = arith.constant 48 : index
    %get3A_638 = tpu.vector_load %arg9[%get3A_636, %get3A_637] {strides = array<i32>} : memref<25x80xi32, #tpu.memory_space<vmem>>, vector<16xi32>,
    %shift_right_logical3A_639 = arith.constant 7 : i32
    %shift_right_logical3A_640 = vector.broadcast %shift_right_logical3A_639 : i32 to vector<16xi32>
    %shift_right_logical3A_641 = arith.shrui %get3A_638, %shift_right_logical3A_640 : vector<16xi32>
    %and3A_642 = arith.constant 127 : i32
    %and3A_643 = vector.broadcast %and3A_642 : i32 to vector<16xi32>
    %and3A_644 = arith.andi %get3A_638, %and3A_643 : vector<16xi32>
    tpu.vector_store_idx %arg13[%shift_right_logical3A_641, %and3A_644], %broadcast_in_dim3A_2 {add = true} : memref<80x128xf32, #tpu.memory_space<vmem>>[vector<16xi32>, vector<16xi32>], vector<16xf32>,
    %get3A_645 = arith.constant 24 : i32
    %get3A_646 = arith.index_cast %get3A_645 : i32 to index
    %get3A_647 = arith.constant 64 : index
    %get3A_648 = tpu.vector_load %arg9[%get3A_646, %get3A_647] {strides = array<i32>} : memref<25x80xi32, #tpu.memory_space<vmem>>, vector<16xi32>,
    %shift_right_logical3A_649 = arith.constant 7 : i32
    %shift_right_logical3A_650 = vector.broadcast %shift_right_logical3A_649 : i32 to vector<16xi32>
    %shift_right_logical3A_651 = arith.shrui %get3A_648, %shift_right_logical3A_650 : vector<16xi32>
    %and3A_652 = arith.constant 127 : i32
    %and3A_653 = vector.broadcast %and3A_652 : i32 to vector<16xi32>
    %and3A_654 = arith.andi %get3A_648, %and3A_653 : vector<16xi32>
    tpu.vector_store_idx %arg13[%shift_right_logical3A_651, %and3A_654], %broadcast_in_dim3A_2 {add = true} : memref<80x128xf32, #tpu.memory_space<vmem>>[vector<16xi32>, vector<16xi32>], vector<16xf32>,
    %dma_wait3A_655 = arith.constant 0 : i32
    %dma_wait3A_656 = arith.constant 0 : i32
    %dma_wait3A_657 = tpu.memref_slice %arg9[%dma_wait3A_655, %dma_wait3A_656] : memref<25x80xi32, #tpu.memory_space<vmem>> -> memref<1x80xi32, #tpu.memory_space<vmem>>
    %dma_wait3A_658 = tpu.memref_squeeze %dma_wait3A_657 : memref<1x80xi32, #tpu.memory_space<vmem>> -> memref<80xi32, #tpu.memory_space<vmem>>
    %dma_wait3A_659 = arith.constant 0 : i32
    %dma_wait3A_660 = arith.constant 0 : i32
    %dma_wait3A_661 = tpu.memref_slice %arg15[%dma_wait3A_659, %dma_wait3A_660] : memref<10000x128xf32, #tpu.memory_space<vmem_shared>> -> memref<10000x128xf32, #tpu.memory_space<vmem_shared>>
    tpu.wait_indirect_dma semaphore(%arg19 : memref<!tpu.dma_semaphore, #tpu.memory_space<semaphore_mem>>) src(%arg11 : memref<80x128xf32, #tpu.memory_space<vmem>>) dst(%dma_wait3A_661 : memref<10000x128xf32, #tpu.memory_space<vmem_shared>>)
    %dma_wait3A_662 = arith.constant 0 : i32
    %dma_wait3A_663 = arith.constant 0 : i32
    %dma_wait3A_664 = tpu.memref_slice %arg9[%dma_wait3A_662, %dma_wait3A_663] : memref<25x80xi32, #tpu.memory_space<vmem>> -> memref<1x80xi32, #tpu.memory_space<vmem>>
    %dma_wait3A_665 = tpu.memref_squeeze %dma_wait3A_664 : memref<1x80xi32, #tpu.memory_space<vmem>> -> memref<80xi32, #tpu.memory_space<vmem>>
    %dma_wait3A_666 = arith.constant 0 : i32
    %dma_wait3A_667 = arith.constant 0 : i32
    %dma_wait3A_668 = tpu.memref_slice %arg15[%dma_wait3A_666, %dma_wait3A_667] : memref<10000x128xf32, #tpu.memory_space<vmem_shared>> -> memref<10000x128xf32, #tpu.memory_space<vmem_shared>>
    tpu.wait_indirect_dma semaphore(%arg20 : memref<!tpu.dma_semaphore, #tpu.memory_space<semaphore_mem>>) src(%arg12 : memref<80x128xf32, #tpu.memory_space<vmem>>) dst(%dma_wait3A_668 : memref<10000x128xf32, #tpu.memory_space<vmem_shared>>)
    "tpu.region"() ({
      %run_scoped3A_678 = tpu.sem_alloc : memref<!tpu.dma_semaphore, #tpu.memory_space<semaphore_mem>>
      %dma_start3A_679 = arith.constant 0 : i32
      %dma_start3A_680 = arith.constant 0 : i32
      %dma_start3A_681 = tpu.memref_slice %arg16[%dma_start3A_679, %dma_start3A_680] : memref<80x128xf32, #tpu.memory_space<vmem_shared>> -> memref<80x128xf32, #tpu.memory_space<vmem_shared>>
      tpu.enqueue_indirect_dma source(%arg13 : memref<80x128xf32, #tpu.memory_space<vmem>>) target(%dma_start3A_681 : memref<80x128xf32, #tpu.memory_space<vmem_shared>>) offsets(%arg14 : memref<80xi32, #tpu.memory_space<vmem>>) semaphore(%run_scoped3A_678 : memref<!tpu.dma_semaphore, #tpu.memory_space<semaphore_mem>>) {add = true}
      %dma_wait3A_682 = arith.constant 0 : i32
      %dma_wait3A_683 = arith.constant 0 : i32
      %dma_wait3A_684 = tpu.memref_slice %arg16[%dma_wait3A_682, %dma_wait3A_683] : memref<80x128xf32, #tpu.memory_space<vmem_shared>> -> memref<80x128xf32, #tpu.memory_space<vmem_shared>>
      tpu.wait_indirect_dma semaphore(%run_scoped3A_678 : memref<!tpu.dma_semaphore, #tpu.memory_space<semaphore_mem>>) src(%arg13 : memref<80x128xf32, #tpu.memory_space<vmem>>) dst(%dma_wait3A_684 : memref<80x128xf32, #tpu.memory_space<vmem_shared>>)
      tpu.yield
    }) : () -> ()
    %barrier3A_669 = arith.constant 0 : index
    tpu.barrier barrier_id(%barrier3A_669)
    %mul3A_670 = arith.constant 624 : i32
    %mul3A_671 = arith.muli %arg1, %mul3A_670 : i32
    "tpu.region"() ({
      %run_scoped3A_678 = tpu.sem_alloc : memref<!tpu.dma_semaphore, #tpu.memory_space<semaphore_mem>>
      %dma_start3A_679 = arith.constant 0 : i32
      %dma_start3A_680 = tpu.memref_slice %arg5[%arg0, %mul3A_671, %dma_start3A_679] : memref<2x10000x128xf32, #tpu.memory_space<hbm>> -> memref<1x624x128xf32, #tpu.memory_space<hbm>>
      %dma_start3A_681 = tpu.memref_squeeze %dma_start3A_680 : memref<1x624x128xf32, #tpu.memory_space<hbm>> -> memref<624x128xf32, #tpu.memory_space<hbm>>
      %dma_start3A_682 = arith.constant 0 : i32
      %dma_start3A_683 = tpu.memref_slice %arg15[%mul3A_671, %dma_start3A_682] : memref<10000x128xf32, #tpu.memory_space<vmem_shared>> -> memref<624x128xf32, #tpu.memory_space<vmem_shared>>
      tpu.enqueue_dma source(%dma_start3A_683 : memref<624x128xf32, #tpu.memory_space<vmem_shared>>) target(%dma_start3A_681 : memref<624x128xf32, #tpu.memory_space<hbm>>) target_semaphore(%run_scoped3A_678 : memref<!tpu.dma_semaphore, #tpu.memory_space<semaphore_mem>>)
      %dma_wait3A_684 = arith.constant 0 : i32
      %dma_wait3A_685 = tpu.memref_slice %arg5[%arg0, %mul3A_671, %dma_wait3A_684] : memref<2x10000x128xf32, #tpu.memory_space<hbm>> -> memref<1x624x128xf32, #tpu.memory_space<hbm>>
      %dma_wait3A_686 = tpu.memref_squeeze %dma_wait3A_685 : memref<1x624x128xf32, #tpu.memory_space<hbm>> -> memref<624x128xf32, #tpu.memory_space<hbm>>
      %dma_wait3A_687 = arith.constant 0 : i32
      %dma_wait3A_688 = tpu.memref_slice %arg15[%mul3A_671, %dma_wait3A_687] : memref<10000x128xf32, #tpu.memory_space<vmem_shared>> -> memref<624x128xf32, #tpu.memory_space<vmem_shared>>
      tpu.wait_dma2 semaphore(%run_scoped3A_678 : memref<!tpu.dma_semaphore, #tpu.memory_space<semaphore_mem>>) src(%dma_wait3A_688 : memref<624x128xf32, #tpu.memory_space<vmem_shared>>) dst(%dma_wait3A_686 : memref<624x128xf32, #tpu.memory_space<hbm>>)
      tpu.yield
    }) : () -> ()
    %eq3A = arith.constant 15 : i32
    %eq3A_672 = arith.cmpi eq, %arg1, %eq3A : i32
    %convert_element_type3A = arith.extui %eq3A_672 : i1 to i32
    %cond3A = arith.constant 0 : i32
    %cond3A_673 = arith.cmpi ne, %convert_element_type3A, %cond3A : i32
    scf.if %cond3A_673 {
      "tpu.region"() ({
        %run_scoped3A_678 = tpu.sem_alloc : memref<!tpu.dma_semaphore, #tpu.memory_space<semaphore_mem>>
        %dma_start3A_679 = arith.constant 9984 : i32
        %dma_start3A_680 = arith.constant 0 : i32
        %dma_start3A_681 = tpu.memref_slice %arg5[%arg0, %dma_start3A_679, %dma_start3A_680] : memref<2x10000x128xf32, #tpu.memory_space<hbm>> -> memref<1x16x128xf32, #tpu.memory_space<hbm>>
        %dma_start3A_682 = tpu.memref_squeeze %dma_start3A_681 : memref<1x16x128xf32, #tpu.memory_space<hbm>> -> memref<16x128xf32, #tpu.memory_space<hbm>>
        %dma_start3A_683 = arith.constant 9984 : i32
        %dma_start3A_684 = arith.constant 0 : i32
        %dma_start3A_685 = tpu.memref_slice %arg15[%dma_start3A_683, %dma_start3A_684] : memref<10000x128xf32, #tpu.memory_space<vmem_shared>> -> memref<16x128xf32, #tpu.memory_space<vmem_shared>>
        tpu.enqueue_dma source(%dma_start3A_685 : memref<16x128xf32, #tpu.memory_space<vmem_shared>>) target(%dma_start3A_682 : memref<16x128xf32, #tpu.memory_space<hbm>>) target_semaphore(%run_scoped3A_678 : memref<!tpu.dma_semaphore, #tpu.memory_space<semaphore_mem>>)
        %dma_wait3A_686 = arith.constant 9984 : i32
        %dma_wait3A_687 = arith.constant 0 : i32
        %dma_wait3A_688 = tpu.memref_slice %arg5[%arg0, %dma_wait3A_686, %dma_wait3A_687] : memref<2x10000x128xf32, #tpu.memory_space<hbm>> -> memref<1x16x128xf32, #tpu.memory_space<hbm>>
        %dma_wait3A_689 = tpu.memref_squeeze %dma_wait3A_688 : memref<1x16x128xf32, #tpu.memory_space<hbm>> -> memref<16x128xf32, #tpu.memory_space<hbm>>
        %dma_wait3A_690 = arith.constant 9984 : i32
        %dma_wait3A_691 = arith.constant 0 : i32
        %dma_wait3A_692 = tpu.memref_slice %arg15[%dma_wait3A_690, %dma_wait3A_691] : memref<10000x128xf32, #tpu.memory_space<vmem_shared>> -> memref<16x128xf32, #tpu.memory_space<vmem_shared>>
        tpu.wait_dma2 semaphore(%run_scoped3A_678 : memref<!tpu.dma_semaphore, #tpu.memory_space<semaphore_mem>>) src(%dma_wait3A_692 : memref<16x128xf32, #tpu.memory_space<vmem_shared>>) dst(%dma_wait3A_689 : memref<16x128xf32, #tpu.memory_space<hbm>>)
        tpu.yield
      }) : () -> ()
    } else {
    }
    %lt3A = arith.constant 10 : i32
    %lt3A_674 = arith.cmpi slt, %arg1, %lt3A : i32
    %convert_element_type3A_675 = arith.extui %lt3A_674 : i1 to i32
    %cond3A_676 = arith.constant 0 : i32
    %cond3A_677 = arith.cmpi ne, %convert_element_type3A_675, %cond3A_676 : i32
    scf.if %cond3A_677 {
      %mul3A_678 = arith.constant 8 : i32
      %mul3A_679 = arith.muli %arg1, %mul3A_678 : i32
      %mul3A_680 = arith.constant 8 : i32
      %mul3A_681 = arith.muli %arg1, %mul3A_680 : i32
      "tpu.region"() ({
        %run_scoped3A_682 = tpu.sem_alloc : memref<!tpu.dma_semaphore, #tpu.memory_space<semaphore_mem>>
        %dma_start3A_683 = arith.constant 0 : i32
        %dma_start3A_684 = tpu.memref_slice %arg6[%arg0, %mul3A_681, %dma_start3A_683] : memref<2x80x128xf32, #tpu.memory_space<hbm>> -> memref<1x8x128xf32, #tpu.memory_space<hbm>>
        %dma_start3A_685 = tpu.memref_squeeze %dma_start3A_684 : memref<1x8x128xf32, #tpu.memory_space<hbm>> -> memref<8x128xf32, #tpu.memory_space<hbm>>
        %dma_start3A_686 = arith.constant 0 : i32
        %dma_start3A_687 = tpu.memref_slice %arg16[%mul3A_679, %dma_start3A_686] : memref<80x128xf32, #tpu.memory_space<vmem_shared>> -> memref<8x128xf32, #tpu.memory_space<vmem_shared>>
        tpu.enqueue_dma source(%dma_start3A_687 : memref<8x128xf32, #tpu.memory_space<vmem_shared>>) target(%dma_start3A_685 : memref<8x128xf32, #tpu.memory_space<hbm>>) target_semaphore(%run_scoped3A_682 : memref<!tpu.dma_semaphore, #tpu.memory_space<semaphore_mem>>)
        %dma_wait3A_688 = arith.constant 0 : i32
        %dma_wait3A_689 = tpu.memref_slice %arg6[%arg0, %mul3A_681, %dma_wait3A_688] : memref<2x80x128xf32, #tpu.memory_space<hbm>> -> memref<1x8x128xf32, #tpu.memory_space<hbm>>
        %dma_wait3A_690 = tpu.memref_squeeze %dma_wait3A_689 : memref<1x8x128xf32, #tpu.memory_space<hbm>> -> memref<8x128xf32, #tpu.memory_space<hbm>>
        %dma_wait3A_691 = arith.constant 0 : i32
        %dma_wait3A_692 = tpu.memref_slice %arg16[%mul3A_679, %dma_wait3A_691] : memref<80x128xf32, #tpu.memory_space<vmem_shared>> -> memref<8x128xf32, #tpu.memory_space<vmem_shared>>
        tpu.wait_dma2 semaphore(%run_scoped3A_682 : memref<!tpu.dma_semaphore, #tpu.memory_space<semaphore_mem>>) src(%dma_wait3A_692 : memref<8x128xf32, #tpu.memory_space<vmem_shared>>) dst(%dma_wait3A_690 : memref<8x128xf32, #tpu.memory_space<hbm>>)
        tpu.yield
      }) : () -> ()
    } else {
    }
    return
  }
}

module attributes {stable_mosaic.version = 14 : i64} {
  func.func @body(%arg0: i32, %arg1: memref<2x1000x128xf32, #tpu.memory_space<vmem>>, %arg2: memref<2x1000x1xf32, #tpu.memory_space<vmem>>, %arg3: memref<1000x256xf32, #tpu.memory_space<vmem>>) attributes {dimension_semantics = [#tpu.dimension_semantics<arbitrary>], iteration_bounds = array<i64: 10>, scalar_prefetch = 0 : i64, scratch_operands = 0 : i64, tpu.core_type = #tpu.core_type<tc>, window_params = [{transform_indices = @transform_0, window_bounds = array<i64: 2, 1000, 128>}, {transform_indices = @transform_1, window_bounds = array<i64: 2, 1000, 1>}, {transform_indices = @transform_2, window_bounds = array<i64: 1000, 256>}]} {
    %get3A = arith.constant 0 : index
    %get3A_0 = arith.constant 0 : index
    %get3A_1 = arith.constant 0 : index
    %get3A_2 = vector.load %arg2[%get3A, %get3A_0, %get3A_1] : memref<2x1000x1xf32, #tpu.memory_space<vmem>>, vector<1x1000x1xf32>
    %get3A_3 = vector.shape_cast %get3A_2 : vector<1x1000x1xf32> to vector<1000x1xf32>
    %get3A_4 = arith.constant 1 : index
    %get3A_5 = arith.constant 0 : index
    %get3A_6 = arith.constant 0 : index
    %get3A_7 = vector.load %arg2[%get3A_4, %get3A_5, %get3A_6] : memref<2x1000x1xf32, #tpu.memory_space<vmem>>, vector<1x1000x1xf32>
    %get3A_8 = vector.shape_cast %get3A_7 : vector<1x1000x1xf32> to vector<1000x1xf32>
    %add3A = arith.addf %get3A_3, %get3A_8 : vector<1000x1xf32>
    %max3A = arith.constant 1.000000e+00 : f32
    %max3A_9 = vector.broadcast %max3A : f32 to vector<1000x1xf32>
    %max3A_10 = arith.maximumf %add3A, %max3A_9 : vector<1000x1xf32>
    %div3A = arith.constant 1.000000e+00 : f32
    %div3A_11 = vector.broadcast %div3A : f32 to vector<1000x1xf32>
    %div3A_12 = arith.divf %div3A_11, %max3A_10 : vector<1000x1xf32>
    %get3A_13 = arith.constant 0 : index
    %get3A_14 = arith.constant 0 : index
    %get3A_15 = arith.constant 0 : index
    %get3A_16 = vector.load %arg1[%get3A_13, %get3A_14, %get3A_15] : memref<2x1000x128xf32, #tpu.memory_space<vmem>>, vector<1x1000x128xf32>
    %get3A_17 = vector.shape_cast %get3A_16 : vector<1x1000x128xf32> to vector<1000x128xf32>
    %mul3A = vector.broadcast %div3A_12 : vector<1000x1xf32> to vector<1000x128xf32>
    %mul3A_18 = arith.mulf %get3A_17, %mul3A : vector<1000x128xf32>
    %max3A_19 = arith.constant 0.000000e+00 : f32
    %max3A_20 = vector.broadcast %max3A_19 : f32 to vector<1000x128xf32>
    %max3A_21 = arith.maximumf %mul3A_18, %max3A_20 : vector<1000x128xf32>
    %swap3A = arith.constant 0 : index
    %swap3A_22 = arith.constant 0 : index
    %swap3A_23 = vector.load %arg3[%swap3A, %swap3A_22] : memref<1000x256xf32, #tpu.memory_space<vmem>>, vector<1000x128xf32>
    tpu.vector_store %arg3[%swap3A, %swap3A_22], %max3A_21 {strides = array<i32>} : memref<1000x256xf32, #tpu.memory_space<vmem>>, vector<1000x128xf32>,
    %get3A_24 = arith.constant 1 : index
    %get3A_25 = arith.constant 0 : index
    %get3A_26 = arith.constant 0 : index
    %get3A_27 = vector.load %arg1[%get3A_24, %get3A_25, %get3A_26] : memref<2x1000x128xf32, #tpu.memory_space<vmem>>, vector<1x1000x128xf32>
    %get3A_28 = vector.shape_cast %get3A_27 : vector<1x1000x128xf32> to vector<1000x128xf32>
    %mul3A_29 = vector.broadcast %div3A_12 : vector<1000x1xf32> to vector<1000x128xf32>
    %mul3A_30 = arith.mulf %get3A_28, %mul3A_29 : vector<1000x128xf32>
    %max3A_31 = arith.constant 0.000000e+00 : f32
    %max3A_32 = vector.broadcast %max3A_31 : f32 to vector<1000x128xf32>
    %max3A_33 = arith.maximumf %mul3A_30, %max3A_32 : vector<1000x128xf32>
    %swap3A_34 = arith.constant 0 : index
    %swap3A_35 = arith.constant 128 : index
    %swap3A_36 = vector.load %arg3[%swap3A_34, %swap3A_35] : memref<1000x256xf32, #tpu.memory_space<vmem>>, vector<1000x128xf32>
    tpu.vector_store %arg3[%swap3A_34, %swap3A_35], %max3A_33 {strides = array<i32>} : memref<1000x256xf32, #tpu.memory_space<vmem>>, vector<1000x128xf32>,
    return
  }
  func.func @transform_0(%arg0: i32) -> (i32, i32, i32) {
    %c0_i32 = arith.constant 0 : i32
    %c0_i32_0 = arith.constant 0 : i32
    %c0_i32_1 = arith.constant 0 : i32
    return %c0_i32, %arg0, %c0_i32_0 : i32, i32, i32
  }
  func.func @transform_1(%arg0: i32) -> (i32, i32, i32) {
    %c0_i32 = arith.constant 0 : i32
    %c0_i32_0 = arith.constant 0 : i32
    %c0_i32_1 = arith.constant 0 : i32
    return %c0_i32, %arg0, %c0_i32_0 : i32, i32, i32
  }
  func.func @transform_2(%arg0: i32) -> (i32, i32) {
    %c0_i32 = arith.constant 0 : i32
    %c0_i32_0 = arith.constant 0 : i32
    return %arg0, %c0_i32 : i32, i32
  }
}

</mosaic_0001>

<sc_bundles>
// kernel: kernel.4.cloned.1.call-start
scs
__scs_entry_jumppad:
0x0: {  	(pc) =	sbr.rel $0x88, $3  }
0x1: {  	(tag) =	ssettag $0x0;
	lr =	simm.s32 $0x1  }
0x2: {  	[smem:$0x3F9F] =	sst lr;
	_ =	strace $0xD0000000  }
0x3: {  	_ = 	snop  }
0x4: {  	_ = 	snop  }
0x5: {  	_ = 	snop  }
0x6: {  	_ = 	snop  }
0x7: {  	_ = 	snop  }
__scs_overlays_trampoline_lowered:
0x8: {  	[smem:$0x3FAE] =	sst s0  }
0x9: {  	[smem:$0x3FAF] =	sst s1  }
0xa: {  	[smem:$0x3FB0] =	sst s2  }
0xb: {  	[smem:$0x3FB1] =	sst s3  }
0xc: {  	[smem:$0x3FB2] =	sst s4  }
0xd: {  	[smem:$0x3FB3] =	sst s5  }
0xe: {  	[smem:$0x3FB4] =	sst s6  }
0xf: {  	[smem:$0x3FB5] =	sst s7  }
0x10: {  	[smem:$0x3FB6] =	sst s8  }
0x11: {  	[smem:$0x3FB7] =	sst s9;
	s0 =	simm.s32 @!p0 $0x0  }
0x12: {  	s1 =	sld [smem:$0x3F9D];
	s0 =	simm.s32 @p0 $0x1  }
0x13: {  	[smem:$0x3FB8] =	sst s0;
	s0 =	simm.s32 @!p1 $0x0  }
0x14: {  	s2 =	sld [smem:$0x3F9C];
	s0 =	simm.s32 @p1 $0x1  }
0x15: {  	[smem:$0x3FB9] =	sst s0;
	s0 =	simm.s32 @!p2 $0x0  }
0x16: {  	s3 =	sld [smem:$0x3FDB];
	s0 =	simm.s32 @p2 $0x1  }
0x17: {  	s4 =	simm.s32 $0x1BF5;
	[smem:$0x3FBB] =	sst s0  }
0x18: {  	s0 =	sld [smem:$0x3F9E];
	_ =	swait.ge [sflag:s4], $0x0  }
0x19: {  	s7 =	sld [smem:$0x3F9F]  }
0x1a: {  	s8 =	sadd.s32 $0xFFFFE003, lr  }
0x1b: {  	s9 =	sadd.s32 $0xFFFFFEF7, lr;
	s5 =	simm.s32 $0xFFFFFFFF;
	p2 =	slt.u32 s8, $0xFFFFF086  }
0x1c: {  	p1 =	slt.u32 s9, $0xF7A;
	s5 =	simm.s32 @!p2 $0x0  }
0x1d: {  	s5 =	simm.s32 @p1 $0x1;
	p0 =	seq.s32 s7, s2  }
0x1e: {  	s7 =	smul.u32 @!p0 $0xF7A, s2;
	p2 =	seq.s32 @!p0 s5, $0x0  }
0x1f: {  	s9 =	smul.u32 $0xF7A, s1;
	s8 =	simm.s32 @!p0 $0x1BF5;
	p2 =	por !p2, p0  }
0x20: {  	[sflag:s8] =	ssyncset.s32 @!p0 $0xFFFFF086;
	s6 =	sadd.s32 @!p0 s3, s7;
	s7 =	simm.s32 @!p0 $0x108  }
0x21: {  	s3 =	sadd.s32 s3, s9;
	s6 =	sadd.s32 @!p0 $0x88, s6;
	s7 =	simm.s32 @p2 $0x1082  }
0x22: {  	[simem:s7], [sflag:s8] =	dma.local @!p0 [hbm:s6], $0xF7A  }
0x23: {  	s9 =	sor.u32 $0xD0000000, s2;
	s6 =	simm.s32 $0x108;
	_ =	swait.ge @!p0 [sflag:s8], $0x0  }
0x24: {  	s3 =	sadd.s32 $0x88, s3;
	s6 =	simm.s32 @!p1 $0x1082;
	[sflag:s4] =	ssyncset.s32 $0xFFFFF086  }
0x25: {  	[simem:s6], [sflag:s4] =	dma.local [hbm:s3], $0xF7A  }
0x26: {  	[smem:$0x3F9F] =	sst s1;
	(tag) =	ssettag s2;
	_ =	strace s9  }
0x27: {  	s1 =	sld [smem:$0x3FAF]  }
0x28: {  	s2 =	sld [smem:$0x3FB0]  }
0x29: {  	s4 =	sld [smem:$0x3FB2]  }
0x2a: {  	p0 =	seq.s32 s5, $0x0;
	s5 =	sld [smem:$0x3FB3]  }
0x2b: {  	s6 =	sld [smem:$0x3FB4]  }
0x2c: {  	s7 =	sld [smem:$0x3FB5]  }
0x2d: {  	s3 =	simm.s32 $0x108;
	s8 =	sld [smem:$0x3FB6]  }
0x2e: {  	s3 =	simm.s32 @!p0 $0x1082;
	s9 =	sld [smem:$0x3FB7]  }
0x2f: {  	lr =	sadd.s32 s0, s3;
	s0 =	sld [smem:$0x3FAE]  }
0x30: {  	s3 =	sld [smem:$0x3FB1]  }
0x31: {  	[smem:$0x3FBA] =	sst s10  }
0x32: {  	s10 =	sld [smem:$0x3FB8];
	_ =	sdelay $0x3  }
0x33: {  	p0 =	seq.s32 s10, $0x1;
	s10 =	sld [smem:$0x3FBA];
	_ =	sdelay $0x3  }
0x34: {  	[smem:$0x3FBA] =	sst s10  }
0x35: {  	s10 =	sld [smem:$0x3FB9];
	_ =	sdelay $0x3  }
0x36: {  	p1 =	seq.s32 s10, $0x1;
	s10 =	sld [smem:$0x3FBA];
	_ =	sdelay $0x3  }
0x37: {  	[smem:$0x3FBA] =	sst s10  }
0x38: {  	s10 =	sld [smem:$0x3FBB]  }
0x39: {  	_ = 	snop;
	(pc) =	sbr.ind lr, $3  }
0x3a: {  	_ = 	snop  }
0x3b: {  	_ = 	snop  }
0x3c: {  	p2 =	seq.s32 s10, $0x1;
	s10 =	sld [smem:$0x3FBA]  }
0x3d: {  	_ =	shalt  }
0x3e: {  	_ =	shalt  }
0x3f: {  	_ =	shalt  }
0x40: {  	_ =	shalt  }
0x41: {  	_ =	shalt  }
0x42: {  	_ =	shalt  }
0x43: {  	_ =	shalt  }
0x44: {  	_ =	shalt  }
0x45: {  	_ =	shalt  }
0x46: {  	_ =	shalt  }
0x47: {  	_ =	shalt  }
0x48: {  	_ =	shalt  }
0x49: {  	_ =	shalt  }
0x4a: {  	_ =	shalt  }
0x4b: {  	_ =	shalt  }
0x4c: {  	_ =	shalt  }
0x4d: {  	_ =	shalt  }
0x4e: {  	_ =	shalt  }
0x4f: {  	_ =	shalt  }
0x50: {  	_ =	shalt  }
0x51: {  	_ =	shalt  }
0x52: {  	_ =	shalt  }
0x53: {  	_ =	shalt  }
0x54: {  	_ =	shalt  }
0x55: {  	_ =	shalt  }
0x56: {  	_ =	shalt  }
0x57: {  	_ =	shalt  }
0x58: {  	_ =	shalt  }
0x59: {  	_ =	shalt  }
0x5a: {  	_ =	shalt  }
0x5b: {  	_ =	shalt  }
0x5c: {  	_ =	shalt  }
0x5d: {  	_ =	shalt  }
0x5e: {  	_ =	shalt  }
0x5f: {  	_ =	shalt  }
0x60: {  	_ =	shalt  }
0x61: {  	_ =	shalt  }
0x62: {  	_ =	shalt  }
0x63: {  	_ =	shalt  }
0x64: {  	_ =	shalt  }
0x65: {  	_ =	shalt  }
0x66: {  	_ =	shalt  }
0x67: {  	_ =	shalt  }
0x68: {  	_ =	shalt  }
0x69: {  	_ =	shalt  }
0x6a: {  	_ =	shalt  }
0x6b: {  	_ =	shalt  }
0x6c: {  	_ =	shalt  }
0x6d: {  	_ =	shalt  }
0x6e: {  	_ =	shalt  }
0x6f: {  	_ =	shalt  }
0x70: {  	_ =	shalt  }
0x71: {  	_ =	shalt  }
0x72: {  	_ =	shalt  }
0x73: {  	_ =	shalt  }
0x74: {  	_ =	shalt  }
0x75: {  	_ =	shalt  }
0x76: {  	_ =	shalt  }
0x77: {  	_ =	shalt  }
0x78: {  	_ =	shalt  }
0x79: {  	_ =	shalt  }
0x7a: {  	_ =	shalt  }
0x7b: {  	_ =	shalt  }
0x7c: {  	_ =	shalt  }
0x7d: {  	_ =	shalt  }
0x7e: {  	_ =	shalt  }
0x7f: {  	_ =	shalt  }
0x80: {  	_ =	shalt  }
0x81: {  	_ =	shalt  }
0x82: {  	_ =	shalt  }
0x83: {  	_ =	shalt  }
0x84: {  	_ =	shalt  }
0x85: {  	_ =	shalt  }
0x86: {  	_ =	shalt  }
0x87: {  	_ =	shalt  }
.Lfunc_end0:
.L_simem_size_0:
called_computation_lowered:
.L_overlay_start_0:
0x88: {  	s2 =	sld [smem:$0x3FD9]  }
0x89: {  	s3 =	sld [smem:$0x3FFE];
	_ =	sdelay $0x1  }
0x8a: {  	s1 =	srdreg.scid  }
0x8b: {  	s0 =	sand.u32 $0x1, s1  }
0x8c: {  	s17 =	sshll.u32 s0, $0xA;
	s2 =	sadd.s32 s3, s2  }
0x8d: {  	s2 =	sadd.s32 s2, s17  }
0x8e: {  	[smem:$0x3FC6] =	sst s2  }
0x8f: {  	_ = 	snop  }
0x90: {  	s2 =	sld [smem:$0x3FD0];
	(tm) =	ssettm $0x1  }
0x91: {  	s18 =	sld [smem:$0x3FFB];
	_ =	sdelay $0x3  }
0x92: {  	_ =	strace s18  }
0x93: {  	s3 =	sld [smem:$0x3FFC];
	_ =	sdelay $0x3  }
0x94: {  	_ =	strace s3  }
0x95: {  	s3 =	sld [smem:$0x3FFD];
	_ =	sdelay $0x3  }
0x96: {  	_ =	strace s3  }
0x97: {  	_ =	strace $0x8FFFFFFF  }
0x98: {  	s19 =	sld [smem:$0x3FDB];
	_ =	sdelay $0x1  }
0x99: {  	s4 =	simm.s32 $_scs_section_size  }
0x9a: {  	s5 =	simm.s32 $_size__tile_overlayer_lowered;
	s6 =	simm.s32 $_tile_overlayer_lowered  }
0x9b: {  	s22 =	simm.s32 $0x1BFF;
	s21 =	sshll.u32 s6, $0x1;
	s3 =	sadd.s32 s4, s19  }
0x9c: {  	s7 =	simm.s32 $0x0;
	s20 =	sshll.u32 s5, $0x1;
	s5 =	sadd.s32 s21, s3  }
0x9d: {  	[timem:s7], [sflag:s22] =	dma.local [hbm:s5], s20  }
0x9e: {  	_ =	swait.ge [sflag:s22], s20  }
0x9f: {  	s4 =	ssub.s32 $0x0, s20;
	[sflag:s22] =	ssyncset.done $0x0  }
0xa0: {  	[sflag:s22] =	ssyncadd.s32 s4;
	_ =	sdelay $0x1  }
0xa1: {  	s23 =	simm.s32 $0x1B8B  }
0xa2: {  	_ =	swait.ge [sflag:s23], $0x1  }
0xa3: {  	[sflag:s23] =	ssyncset.done $0x0  }
0xa4: {  	s25 =	simm.s32 $0x1B8E;
	s24 =	sld [smem:$0x3FFE];
	[sflag:s23] =	ssyncadd.s32 $0xFFFFFFFF  }
0xa5: {  	s26 =	simm.s32 $execute0_lowered;
	[smem:$0x3FD2] =	sst s25  }
0xa6: {  	s5 =	sshll.u32 s26, $0x1;
	_ =	strace $0x80000046;
	[dreg:$0x1] =	wrdreg $0xFFFFFFFF  }
0xa7: {  	s28 =	simm.s32 $_size_execute0_lowered;
	s3 =	sadd.s32 s3, s5;
	[dreg:$0x0] =	wrdreg $0x0  }
0xa8: {  	s5 =	sshll.u32 s28, $0x1;
	[dreg:$0x2] =	wrdreg s3  }
0xa9: {  	[dreg:$0x3] =	wrdreg s5  }
0xaa: {  	[dreg:$0x4] =	wrdreg $0xC0  }
0xab: {  	_ =	task [dreg:s7], $0x5FFFF  }
0xac: {  	[dreg:$0x1] =	wrdreg $0xFFFFFFFF  }
0xad: {  	[dreg:$0x0] =	wrdreg $0x60  }
0xae: {  	[dreg:$0x2] =	wrdreg s2  }
0xaf: {  	[dreg:$0x3] =	wrdreg s24  }
0xb0: {  	[dreg:$0x4] =	wrdreg $0xB8800  }
0xb1: {  	[dreg:$0x5] =	wrdreg $0x1F1000  }
0xb2: {  	[dreg:$0x6] =	wrdreg $0x9  }
0xb3: {  	_ =	task.clear_ibuf [dreg:s7], $0x7FFFF;
	_ =	strace $0x90000046  }
0xb4: {  	s29 =	simm.s32 $0x9;
	_ =	strace $0x80000048  }
0xb5: {  	_ =	swait.ge [sflag:s29], $0x1  }
0xb6: {  	[sflag:s29] =	ssyncadd.s32 $0xFFFFFFFF  }
0xb7: {  	_ =	strace $0x90000048  }
0xb8: {  	_ =	sfence  }
0xb9: {  	s30 =	sld [smem:$0x0];
	_ =	sdelay $0x2  }
0xba: {  	s31 =	sshll.u32 s1, $0xD;
	s1 =	sshrl.u32 s1, $0x2  }
0xbb: {  	s3 =	sand.u32 $0x4000, s31;
	s1 =	sadd.s32 s1, s30  }
0xbc: {  	s0 =	sor.u32 s3, s0;
	s1 =	sshll.u32 s1, $0x11  }
0xbd: {  	s0 =	sor.u32 s1, s0  }
0xbe: {  	s0 =	sadd.s32 $0x8F2B, s0  }
0xbf: {  	[sflag:s0] =	ssyncadd.remote.s32 $0x1  }
0xc0: {  	_ =	sfence.sel $0xFFFF  }
0xc1: {  	[dreg:$0x0] =	wrdreg $0xFFFFFFFF;
	(pc) =	sbr.abs _section_cstart, $3  }
0xc2: {  	[dreg:$0x1] =	wrdreg $0xFFFFFFFF  }
0xc3: {  	_ =	task.clear_ibuf [dreg:s7], $0x2FFFF;
	_ =	strace $0x9FFFFFFF  }
0xc4: {  	(tm) =	ssettm $0x7FFFFFFF  }
0xc5: {  	_ =	shalt  }
tec
execute0_lowered:
.L_overlay_start_1:
0x0: {  	(tag) =	ssettag $0x1  }
0x1: {  	s0 =	rddreg [dreg:$0x0]  }
0x2: {  	s1 =	rddreg [dreg:$0x1]  }
0x3: {  	s3 =	rddreg [dreg:$0x2];
	s15 =	stileid.u32  }
0x4: {  	s2 =	srdreg.scid;
	s7 =	smul.u32 $0x5000, s15  }
0x5: {  	s16 =	rddreg [dreg:$0x3];
	s5 =	simm.s32 $0x0;
	s9 =	smul.u32 $0x4E200, s15  }
0x6: {  	s28 =	simm.s32 $0x3B80;
	s2 =	sand.u32 $0x1, s2;
	s12 =	smul.u32 $0xA00, s15  }
0x7: {  	[smem:$0x7FF] =	sst s5;
	s8 =	sshll.u32 s15, $0xA;
	s18 =	smul.u32 $0x4E000, s15  }
0x8: {  	s11 =	sadd.s32 $0x1EA00, s1;
	p0 =	sne.s32 s15, $0xF;
	s4 =	smul.u32 $0x50000, s2  }
0x9: {  	s6 =	smul.u32 $0x2800, s2;
	_ =	strace $0x80000047;
	s10 =	ssub.s32 $0x2, s2  }
0xa: {  	s31 =	smul.u32 $0x138800, s2;
	p1 =	sgt.u32 @p0 s15, $0x9;
	s9 =	sshrl.u32 s9, $0x2  }
0xb: {  	s14 =	sshrl.u32 s10, $0x1;
	s26 =	sshrl.u32 s12, $0x2;
	s21 =	sshrl.u32 s18, $0x2  }
0xc: {  	p1 =	por p1, !p0;
	s18 =	simm.s32 $0x4;
	s4 =	sadd.s32 s7, s4  }
0xd: {  	s6 =	sadd.s32 s8, s6;
	s24 =	ssub.s32 s10, s14;
	s10 =	sadd.s32 s26, s16  }
0xe: {  	s7 =	sshrl.u32 s7, $0x3;
	s14 =	smul.u32 $0x13800, s15;
	s22 =	sadd.s32 s21, s3  }
0xf: {  	s15 =	simm.s32 $0x9000;
	s21 =	simm.s32 $0x2B80;
	s4 =	sshrl.u32 s4, $0x3  }
0x10: {  	s6 =	sshrl.u32 s6, $0x3;
	[dreg:$0x6] =	wrdreg s10;
	s10 =	sadd.s32 s1, s7  }
0x11: {  	s24 =	smax.u32 s24, $0x1;
	s4 =	sadd.s32 s4, s1;
	s13 =	sadd.s32 s6, s1  }
0x12: {  	s6 =	sadd.s32 s9, s3;
	s7 =	sadd.s32 $0x200, s10;
	s19 =	sadd.s32 $0x600, s10  }
0x13: {  	s2 =	sadd.s32 s14, s31;
	s20 =	sadd.s32 $0x800, s10;
	[dreg:$0x13] =	wrdreg s24  }
0x14: {  	s1 =	sshrl.u32 s31, $0x3;
	s9 =	simm.s32 $0x80;
	[dreg:$0x9] =	wrdreg s7  }
0x15: {  	s14 =	simm.s32 $0x1;
	s24 =	simm.s32 $0x1080;
	[dreg:$0xd] =	wrdreg s19  }
0x16: {  	s25 =	sadd.s32 $0x11800, s6;
	s29 =	sadd.s32 $0xA000, s4;
	[dreg:$0xf] =	wrdreg s20  }
0x17: {  	s30 =	sadd.s32 $0xA200, s4;
	s12 =	sadd.s32 $0xA400, s4;
	[dreg:$0x5] =	wrdreg s25  }
0x18: {  	s7 =	sadd.s32 $0x400, s10;
	s17 =	sadd.s32 $0xA600, s4;
	[dreg:$0x7] =	wrdreg s29  }
0x19: {  	s4 =	sadd.s32 $0xA800, s4;
	s2 =	sshrl.u32 s2, $0x3;
	[dreg:$0x8] =	wrdreg s30  }
0x1a: {  	s23 =	sadd.s32 $0x1E000, s13;
	s1 =	sadd.s32 s11, s1;
	[dreg:$0xa] =	wrdreg s12  }
0x1b: {  	s26 =	sadd.s32 $0x5000, s6;
	s31 =	sadd.s32 $0xC800, s6;
	[dreg:$0xb] =	wrdreg s7  }
0x1c: {  	s19 =	simm.s32 $0x2B00;
	s20 =	simm.s32 $0xC00;
	[dreg:$0xc] =	wrdreg s17  }
0x1d: {  	s13 =	simm.s32 $0x3C00;
	[dreg:$0xe] =	wrdreg s4;
	s2 =	sadd.s32 s11, s2  }
0x1e: {  	[dreg:$0x11] =	wrdreg s23;
	s4 =	sadd.s32 s8, s16;
	s1 =	sadd.s32 $0x27000, s1  }
0x1f: {  	s25 =	sadd.s32 $0x2800, s6;
	[dreg:$0x18] =	wrdreg s26;
	s29 =	sadd.s32 $0x7800, s6  }
0x20: {  	s30 =	sadd.s32 $0xA000, s6;
	[dreg:$0x1b] =	wrdreg s31;
	s7 =	simm.s32 $0x2000  }
0x21: {  	s8 =	simm.s32 $0x50;
	s11 =	simm.s32 $0x6800;
	[dreg:$0x10] =	wrdreg s2  }
0x22: {  	s12 =	simm.s32 $0x1000;
	s16 =	simm.s32 $0x3;
	[dreg:$0x12] =	wrdreg s1  }
0x23: {  	s17 =	simm.s32 $0x2;
	s23 =	simm.s32 $0x5;
	[dreg:$0x17] =	wrdreg s25  }
0x24: {  	s26 =	simm.s32 $0x1C00;
	s1 =	sadd.s32 $0x138000, s3;
	[dreg:$0x19] =	wrdreg s29  }
0x25: {  	s2 =	sshrl.u32 s22, $0x3;
	[dreg:$0x1a] =	wrdreg s30;
	s22 =	simm.s32 $0x2C00  }
0x26: {  	v0 =	vlaneseq.u32;
	s25 =	simm.s32 $0x3B00;
	[dreg:$0x14] =	wrdreg s2;
	s2 =	sshrl.u32 @!p1 s4, $0x3  }
0x27: {  	v1 =	vimm.f32 $0.0e+00;
	v6 =	vimm.f32 $5.000000000e-01;
	v2 =	vor.u32 $0x10, v0;
	s1 =	sshrl.u32 @!p0 s1, $0x3;
	s4 =	simm.s32 $0x4000;
	[dreg:$0x15] =	wrdreg s2  }
0x28: {  	v3 =	vor.u32 $0x20, v0;
	v4 =	vor.u32 $0x30, v0;
	v5 =	vor.u32 $0x40, v0;
	[dreg:$0x16] =	wrdreg s1;
	s1 =	sadd.s32 $0xF000, s6;
	s2 =	simm.s32 $0x6  }
.LBB2_1:
0x29: {  	s29 =	simm.s32 $0x0;
	s30 =	simm.s32 $0x200  }
.LBB2_2:
0x2a: {  	p2 =	sne.s32 s30, $0x9E00;
	[tilespmem:s29+$0x9070] =	vst v1  }
0x2b: {  	[tilespmem:s29+$0x4000] =	vst v1  }
0x2c: {  	[tilespmem:s29+$0x4010] =	vst v1  }
0x2d: {  	[tilespmem:s29+$0x4020] =	vst v1  }
0x2e: {  	[tilespmem:s29+$0x4030] =	vst v1  }
0x2f: {  	[tilespmem:s29+$0x4040] =	vst v1  }
0x30: {  	[tilespmem:s29+$0x4050] =	vst v1  }
0x31: {  	[tilespmem:s29+$0x4060] =	vst v1  }
0x32: {  	[tilespmem:s29+$0x4070] =	vst v1  }
0x33: {  	[tilespmem:s29+$0x9000] =	vst v1  }
0x34: {  	[tilespmem:s29+$0x9010] =	vst v1  }
.Ltmp0:
0x35: {  	[tilespmem:s29+$0x9020] =	vst v1;
	(pc) =	sbr.rel @p2 .LBB2_2-.Ltmp0, $4  }
0x36: {  	[tilespmem:s29+$0x9030] =	vst v1  }
0x37: {  	[tilespmem:s29+$0x9040] =	vst v1  }
0x38: {  	[tilespmem:s29+$0x9050] =	vst v1  }
0x39: {  	[tilespmem:s29+$0x9060] =	vst v1;
	s29 =	sshra.s32 s30, $0x2;
	s30 =	sadd.s32 $0x200, s30  }
0x3a: {  	[tilespmem:s29+$0x9070] =	vst v1  }
0x3b: {  	[tilespmem:s29+$0x4000] =	vst v1  }
0x3c: {  	[tilespmem:s29+$0x4010] =	vst v1  }
0x3d: {  	[tilespmem:s29+$0x4020] =	vst v1  }
0x3e: {  	[tilespmem:s29+$0x4030] =	vst v1  }
0x3f: {  	[tilespmem:s29+$0x4040] =	vst v1  }
0x40: {  	[tilespmem:s29+$0x4050] =	vst v1  }
0x41: {  	[tilespmem:s29+$0x4060] =	vst v1  }
0x42: {  	[tilespmem:s29+$0x4070] =	vst v1  }
0x43: {  	[tilespmem:s29+$0x9000] =	vst v1  }
0x44: {  	[tilespmem:s29+$0x9010] =	vst v1  }
0x45: {  	[tilespmem:s29+$0x9020] =	vst v1  }
0x46: {  	[tilespmem:s29+$0x9030] =	vst v1  }
0x47: {  	[tilespmem:s29+$0x9040] =	vst v1  }
0x48: {  	[tilespmem:s29+$0x9050] =	vst v1  }
0x49: {  	[tilespmem:s29+$0x9060] =	vst v1  }
0x4a: {  	[tilespmem:$0xB800] =	vst v0  }
0x4b: {  	[tilespmem:$0xB810] =	vst v2  }
0x4c: {  	[tilespmem:$0xB820] =	vst v3  }
0x4d: {  	[tilespmem:$0xB830] =	vst v4  }
0x4e: {  	[tilespmem:$0xB840] =	vst v5  }
0x4f: {  	[spmem:s6] =	stream.linear.scatter [tilespmem:s4], [sflag:$0x6], $0x2800, $0x38;
	[tilespmem:$0x1F380] =	vst v63  }
0x50: {  	_ =	swait.ge [sflag:s2], $0x2800  }
0x51: {  	[sflag:s2] =	ssyncset.done $0x0  }
0x52: {  	s29 =	rddreg [dreg:$0x17];
	[sflag:s2] =	ssyncadd.s32 $0xFFFFD800  }
0x53: {  	[spmem:s29] =	stream.linear.scatter [tilespmem:s4], [sflag:$0x6], $0x2800, $0x38;
	[tilespmem:$0x1F380] =	vst v63  }
0x54: {  	_ =	swait.ge [sflag:s2], $0x2800  }
0x55: {  	[sflag:s2] =	ssyncset.done $0x0  }
0x56: {  	s29 =	rddreg [dreg:$0x18];
	[sflag:s2] =	ssyncadd.s32 $0xFFFFD800  }
0x57: {  	[spmem:s29] =	stream.linear.scatter [tilespmem:s4], [sflag:$0x6], $0x2800, $0x38;
	[tilespmem:$0x1F380] =	vst v63  }
0x58: {  	_ =	swait.ge [sflag:s2], $0x2800  }
0x59: {  	[sflag:s2] =	ssyncset.done $0x0  }
0x5a: {  	s29 =	rddreg [dreg:$0x19];
	[sflag:s2] =	ssyncadd.s32 $0xFFFFD800  }
0x5b: {  	[spmem:s29] =	stream.linear.scatter [tilespmem:s4], [sflag:$0x6], $0x2800, $0x38;
	[tilespmem:$0x1F380] =	vst v63  }
0x5c: {  	_ =	swait.ge [sflag:s2], $0x2800  }
0x5d: {  	[sflag:s2] =	ssyncset.done $0x0  }
0x5e: {  	s29 =	rddreg [dreg:$0x1a];
	[sflag:s2] =	ssyncadd.s32 $0xFFFFD800  }
0x5f: {  	[spmem:s29] =	stream.linear.scatter [tilespmem:s4], [sflag:$0x6], $0x2800, $0x38;
	[tilespmem:$0x1F380] =	vst v63  }
0x60: {  	_ =	swait.ge [sflag:s2], $0x2800  }
0x61: {  	[sflag:s2] =	ssyncset.done $0x0  }
0x62: {  	s29 =	rddreg [dreg:$0x1b];
	[sflag:s2] =	ssyncadd.s32 $0xFFFFD800  }
0x63: {  	[spmem:s29] =	stream.linear.scatter [tilespmem:s4], [sflag:$0x6], $0x2800, $0x38;
	[tilespmem:$0x1F380] =	vst v63  }
0x64: {  	_ =	swait.ge [sflag:s2], $0x2800  }
0x65: {  	[sflag:s2] =	ssyncset.done $0x0  }
0x66: {  	[sflag:s2] =	ssyncadd.s32 $0xFFFFD800  }
0x67: {  	[spmem:s1] =	stream.linear.scatter [tilespmem:s4], [sflag:$0x6], $0x2800, $0x38;
	[tilespmem:$0x1F380] =	vst v63  }
0x68: {  	_ =	swait.ge [sflag:s2], $0x2800  }
0x69: {  	[sflag:s2] =	ssyncset.done $0x0  }
0x6a: {  	s29 =	rddreg [dreg:$0x5];
	[sflag:s2] =	ssyncadd.s32 $0xFFFFD800  }
0x6b: {  	[spmem:s29] =	stream.linear.scatter [tilespmem:s4], [sflag:$0x6], $0x2080, $0x38;
	[tilespmem:$0x1F380] =	vst v63  }
0x6c: {  	_ =	swait.ge [sflag:s2], $0x2080  }
0x6d: {  	[sflag:s2] =	ssyncset.done $0x0  }
0x6e: {  	s29 =	rddreg [dreg:$0x6];
	[sflag:s2] =	ssyncadd.s32 $0xFFFFDF80  }
0x6f: {  	[spmem:s29] =	stream.linear.scatter [tilespmem:s4], [sflag:$0x6], $0x280, $0x38;
	[tilespmem:$0x1F380] =	vst v63  }
0x70: {  	_ =	swait.ge [sflag:s2], $0x280  }
0x71: {  	[sflag:s2] =	ssyncset.done $0x0  }
0x72: {  	s29 =	simm.s32 $0x0;
	s30 =	rddreg [dreg:$0x7];
	[sflag:s2] =	ssyncadd.s32 $0xFFFFFD80  }
0x73: {  	[tilespmem:s29], [sflag:$0x6] =	stream.linear.gather [hbm4b:s30+s29], $0xC80, $0x38;
	[tilespmem:$0x1F380] =	vst v63  }
0x74: {  	_ =	swait.ge [sflag:s2], $0xC80  }
0x75: {  	[sflag:s2] =	ssyncset.done $0x0  }
0x76: {  	[sflag:s2] =	ssyncadd.s32 $0xFFFFF380  }
0x77: {  	[tilespmem:s7], [sflag:$0x6] =	stream.linear.gather [hbm4b:s10+s29], $0xC80, $0x38;
	[tilespmem:$0x1F380] =	vst v63  }
0x78: {  	_ =	swait.ge [sflag:s2], $0xC80  }
0x79: {  	[sflag:s2] =	ssyncset.done $0x0  }
0x7a: {  	[sflag:s2] =	ssyncadd.s32 $0xFFFFF380  }
0x7b: {  	[tilespmem:s4], [sflag:$0x1] =	stream.indirect.gather [hbm4b:s0+s8], $0x80, s29, s8, $0xb8;
	[tilespmem:$0x1F380] =	vst v63  }
0x7c: {  	_ = 	snop  }
0x7d: {  	[tilespmem:s11], [sflag:$0x2] =	stream.indirect.gather [hbm4b:s0+s8], $0x80, s9, s8, $0xb8;
	[tilespmem:$0x1F380] =	vst v63  }
0x7e: {  	[bflag:$0x0] =	sbarrier.arrive $0xFFFF  }
0x7f: {  	s31 =	rddreg [dreg:$0x8]  }
0x80: {  	[tilespmem:s12], [sflag:$0x5] =	stream.linear.gather [hbm4b:s31+s29], $0xC80, $0x38;
	[tilespmem:$0x1F380] =	vst v63  }
0x81: {  	s30 =	rddreg [dreg:$0x9];
	s31 =	simm.s32 $0x3000  }
0x82: {  	[tilespmem:s31], [sflag:$0x5] =	stream.linear.gather [hbm4b:s30+s29], $0xC80, $0x38;
	[tilespmem:$0x1F380] =	vst v63  }
.LBB2_4:
0x83: {  	_ =	swait.ge [sflag:s14], $0x2800  }
0x84: {  	s30 =	sshra.s32 s29, $0x2;
	[sflag:s14] =	ssyncset.done $0x0  }
0x85: {  	s31 =	sadd.s32 $0x2000, s30;
	[sflag:s14] =	ssyncadd.s32 $0xFFFFD800  }
0x86: {  	[spmem:s3] =	stream.indirect.scatter.add.f32 [tilespmem:s4], [sflag:$0x3], $0x80, s31, s8, $0xb8;
	[tilespmem:$0x1F380] =	vst v63  }
0x87: {  	v7 =	vld [tilespmem:s30+$0x2000];
	_ =	sdelay $0x7  }
0x88: {  	[tilespmem:v7+s15+$0x0] =	vst.idx.add.f32.msk $0xffff, v6  }
0x89: {  	v7 =	vld [tilespmem:s30+$0x2010];
	_ =	sdelay $0x7  }
0x8a: {  	[tilespmem:v7+s15+$0x0] =	vst.idx.add.f32.msk $0xffff, v6  }
0x8b: {  	v7 =	vld [tilespmem:s30+$0x2020];
	_ =	sdelay $0x7  }
0x8c: {  	[tilespmem:v7+s15+$0x0] =	vst.idx.add.f32.msk $0xffff, v6  }
0x8d: {  	v7 =	vld [tilespmem:s30+$0x2030];
	_ =	sdelay $0x7  }
0x8e: {  	[tilespmem:v7+s15+$0x0] =	vst.idx.add.f32.msk $0xffff, v6  }
0x8f: {  	v7 =	vld [tilespmem:s30+$0x2040];
	_ =	sdelay $0x7  }
0x90: {  	[tilespmem:v7+s15+$0x0] =	vst.idx.add.f32.msk $0xffff, v6  }
0x91: {  	_ =	swait.ge [sflag:s16], $0x2800  }
0x92: {  	[sflag:s16] =	ssyncset.done $0x0  }
0x93: {  	s31 =	sadd.s32 $0x100, s30;
	[sflag:s16] =	ssyncadd.s32 $0xFFFFD800  }
0x94: {  	[tilespmem:s4], [sflag:$0x1] =	stream.indirect.gather [hbm4b:s0+s8], $0x80, s31, s8, $0xb8;
	[tilespmem:$0x1F380] =	vst v63  }
0x95: {  	_ =	swait.ge [sflag:s17], $0x2800  }
0x96: {  	[sflag:s17] =	ssyncset.done $0x0  }
0x97: {  	s31 =	sadd.s32 $0x2080, s30;
	[sflag:s17] =	ssyncadd.s32 $0xFFFFD800  }
0x98: {  	[spmem:s3] =	stream.indirect.scatter.add.f32 [tilespmem:s11], [sflag:$0x4], $0x80, s31, s8, $0xb8;
	[tilespmem:$0x1F380] =	vst v63  }
0x99: {  	v7 =	vld [tilespmem:s30+$0x2080];
	_ =	sdelay $0x7  }
0x9a: {  	[tilespmem:v7+s15+$0x0] =	vst.idx.add.f32.msk $0xffff, v6  }
0x9b: {  	v7 =	vld [tilespmem:s30+$0x2090];
	_ =	sdelay $0x7  }
0x9c: {  	[tilespmem:v7+s15+$0x0] =	vst.idx.add.f32.msk $0xffff, v6  }
0x9d: {  	v7 =	vld [tilespmem:s30+$0x20A0];
	_ =	sdelay $0x7  }
0x9e: {  	[tilespmem:v7+s15+$0x0] =	vst.idx.add.f32.msk $0xffff, v6  }
0x9f: {  	v7 =	vld [tilespmem:s30+$0x20B0];
	_ =	sdelay $0x7  }
0xa0: {  	[tilespmem:v7+s15+$0x0] =	vst.idx.add.f32.msk $0xffff, v6  }
0xa1: {  	v7 =	vld [tilespmem:s30+$0x20C0];
	_ =	sdelay $0x6  }
0xa2: {  	p2 =	sne.s32 s29, $0x2800  }
.Ltmp1:
0xa3: {  	[tilespmem:v7+s15+$0x0] =	vst.idx.add.f32.msk $0xffff, v6;
	(pc) =	sbr.rel @p2 .LBB2_4-.Ltmp1, $4  }
0xa4: {  	_ =	swait.ge [sflag:s18], $0x2800  }
0xa5: {  	[sflag:s18] =	ssyncset.done $0x0  }
0xa6: {  	s29 =	sadd.s32 $0x400, s29;
	s30 =	sadd.s32 $0x180, s30;
	[sflag:s18] =	ssyncadd.s32 $0xFFFFD800  }
0xa7: {  	[tilespmem:s11], [sflag:$0x2] =	stream.indirect.gather [hbm4b:s0+s8], $0x80, s30, s8, $0xb8;
	[tilespmem:$0x1F380] =	vst v63  }
0xa8: {  	_ =	swait.ge [sflag:s14], $0x2800  }
0xa9: {  	[sflag:s14] =	ssyncset.done $0x0  }
0xaa: {  	[sflag:s14] =	ssyncadd.s32 $0xFFFFD800  }
0xab: {  	[spmem:s3] =	stream.indirect.scatter.add.f32 [tilespmem:s4], [sflag:$0x3], $0x80, s19, s8, $0xb8;
	[tilespmem:$0x1F380] =	vst v63  }
0xac: {  	v7 =	vld [tilespmem:$0x2B00];
	_ =	sdelay $0x7  }
0xad: {  	[tilespmem:v7+s15+$0x0] =	vst.idx.add.f32.msk $0xffff, v6  }
0xae: {  	v7 =	vld [tilespmem:$0x2B10];
	_ =	sdelay $0x7  }
0xaf: {  	[tilespmem:v7+s15+$0x0] =	vst.idx.add.f32.msk $0xffff, v6  }
0xb0: {  	v7 =	vld [tilespmem:$0x2B20];
	_ =	sdelay $0x7  }
0xb1: {  	[tilespmem:v7+s15+$0x0] =	vst.idx.add.f32.msk $0xffff, v6  }
0xb2: {  	v7 =	vld [tilespmem:$0x2B30];
	_ =	sdelay $0x7  }
0xb3: {  	[tilespmem:v7+s15+$0x0] =	vst.idx.add.f32.msk $0xffff, v6  }
0xb4: {  	v7 =	vld [tilespmem:$0x2B40];
	_ =	sdelay $0x7  }
0xb5: {  	[tilespmem:v7+s15+$0x0] =	vst.idx.add.f32.msk $0xffff, v6  }
0xb6: {  	_ =	swait.ge [sflag:s16], $0x2800  }
0xb7: {  	[sflag:s16] =	ssyncset.done $0x0  }
0xb8: {  	[sflag:s16] =	ssyncadd.s32 $0xFFFFD800  }
0xb9: {  	[tilespmem:s4], [sflag:$0x1] =	stream.indirect.gather [hbm4b:s0+s8], $0x80, s20, s8, $0xb8;
	[tilespmem:$0x1F380] =	vst v63  }
0xba: {  	_ =	swait.ge [sflag:s17], $0x2800  }
0xbb: {  	[sflag:s17] =	ssyncset.done $0x0  }
0xbc: {  	[sflag:s17] =	ssyncadd.s32 $0xFFFFD800  }
0xbd: {  	[spmem:s3] =	stream.indirect.scatter.add.f32 [tilespmem:s11], [sflag:$0x4], $0x80, s21, s8, $0xb8;
	[tilespmem:$0x1F380] =	vst v63  }
0xbe: {  	v7 =	vld [tilespmem:$0x2B80];
	_ =	sdelay $0x7  }
0xbf: {  	[tilespmem:v7+s15+$0x0] =	vst.idx.add.f32.msk $0xffff, v6  }
0xc0: {  	v7 =	vld [tilespmem:$0x2B90];
	_ =	sdelay $0x7  }
0xc1: {  	[tilespmem:v7+s15+$0x0] =	vst.idx.add.f32.msk $0xffff, v6  }
0xc2: {  	v7 =	vld [tilespmem:$0x2BA0];
	_ =	sdelay $0x7  }
0xc3: {  	[tilespmem:v7+s15+$0x0] =	vst.idx.add.f32.msk $0xffff, v6  }
0xc4: {  	v7 =	vld [tilespmem:$0x2BB0];
	_ =	sdelay $0x7  }
0xc5: {  	[tilespmem:v7+s15+$0x0] =	vst.idx.add.f32.msk $0xffff, v6  }
0xc6: {  	v7 =	vld [tilespmem:$0x2BC0];
	_ =	sdelay $0x7  }
0xc7: {  	[tilespmem:v7+s15+$0x0] =	vst.idx.add.f32.msk $0xffff, v6  }
0xc8: {  	_ =	swait.ge [sflag:s14], $0x2800  }
0xc9: {  	[sflag:s14] =	ssyncset.done $0x0  }
0xca: {  	[sflag:s14] =	ssyncadd.s32 $0xFFFFD800  }
0xcb: {  	[spmem:s3] =	stream.indirect.scatter.add.f32 [tilespmem:s4], [sflag:$0x3], $0x80, s22, s8, $0xb8;
	[tilespmem:$0x1F380] =	vst v63  }
0xcc: {  	v7 =	vld [tilespmem:$0x2C00];
	_ =	sdelay $0x7  }
0xcd: {  	[tilespmem:v7+s15+$0x0] =	vst.idx.add.f32.msk $0xffff, v6  }
0xce: {  	v7 =	vld [tilespmem:$0x2C10];
	_ =	sdelay $0x7  }
0xcf: {  	[tilespmem:v7+s15+$0x0] =	vst.idx.add.f32.msk $0xffff, v6  }
0xd0: {  	v7 =	vld [tilespmem:$0x2C20];
	_ =	sdelay $0x7  }
0xd1: {  	[tilespmem:v7+s15+$0x0] =	vst.idx.add.f32.msk $0xffff, v6  }
0xd2: {  	v7 =	vld [tilespmem:$0x2C30];
	_ =	sdelay $0x7  }
0xd3: {  	[tilespmem:v7+s15+$0x0] =	vst.idx.add.f32.msk $0xffff, v6  }
0xd4: {  	v7 =	vld [tilespmem:$0x2C40];
	_ =	sdelay $0x7  }
0xd5: {  	[tilespmem:v7+s15+$0x0] =	vst.idx.add.f32.msk $0xffff, v6  }
0xd6: {  	_ =	swait.ge [sflag:s23], $0xC80  }
0xd7: {  	[sflag:s23] =	ssyncset.done $0x0  }
0xd8: {  	[sflag:s23] =	ssyncadd.s32 $0xFFFFF380  }
0xd9: {  	_ =	swait.ge [sflag:s23], $0xC80  }
0xda: {  	[sflag:s23] =	ssyncset.done $0x0  }
0xdb: {  	[sflag:s23] =	ssyncadd.s32 $0xFFFFF380  }
0xdc: {  	_ =	swait.ge [sflag:s18], $0x2800  }
0xdd: {  	[sflag:s18] =	ssyncset.done $0x0  }
0xde: {  	[sflag:s18] =	ssyncadd.s32 $0xFFFFD800  }
0xdf: {  	[tilespmem:s11], [sflag:$0x2] =	stream.indirect.gather [hbm4b:s0+s8], $0x80, s12, s8, $0xb8;
	[tilespmem:$0x1F380] =	vst v63  }
0xe0: {  	_ =	swait.ge [sflag:s16], $0x2800  }
0xe1: {  	[sflag:s16] =	ssyncset.done $0x0  }
0xe2: {  	[sflag:s16] =	ssyncadd.s32 $0xFFFFD800  }
0xe3: {  	[tilespmem:s4], [sflag:$0x1] =	stream.indirect.gather [hbm4b:s0+s8], $0x80, s24, s8, $0xb8;
	[tilespmem:$0x1F380] =	vst v63  }
0xe4: {  	s29 =	simm.s32 $0x0;
	s30 =	rddreg [dreg:$0xa]  }
0xe5: {  	[tilespmem:s29], [sflag:$0x5] =	stream.linear.gather [hbm4b:s30+s29], $0xC80, $0x38;
	[tilespmem:$0x1F380] =	vst v63  }
0xe6: {  	s31 =	rddreg [dreg:$0xb]  }
0xe7: {  	[tilespmem:s7], [sflag:$0x5] =	stream.linear.gather [hbm4b:s31+s29], $0xC80, $0x38;
	[tilespmem:$0x1F380] =	vst v63  }
.LBB2_6:
0xe8: {  	_ =	swait.ge [sflag:s17], $0x2800  }
0xe9: {  	s30 =	sshra.s32 s29, $0x2;
	[sflag:s17] =	ssyncset.done $0x0  }
0xea: {  	s31 =	sadd.s32 $0x3000, s30;
	[sflag:s17] =	ssyncadd.s32 $0xFFFFD800  }
0xeb: {  	[spmem:s3] =	stream.indirect.scatter.add.f32 [tilespmem:s11], [sflag:$0x4], $0x80, s31, s8, $0xb8;
	[tilespmem:$0x1F380] =	vst v63  }
0xec: {  	v7 =	vld [tilespmem:s30+$0x3000];
	_ =	sdelay $0x7  }
0xed: {  	[tilespmem:v7+s15+$0x0] =	vst.idx.add.f32.msk $0xffff, v6  }
0xee: {  	v7 =	vld [tilespmem:s30+$0x3010];
	_ =	sdelay $0x7  }
0xef: {  	[tilespmem:v7+s15+$0x0] =	vst.idx.add.f32.msk $0xffff, v6  }
0xf0: {  	v7 =	vld [tilespmem:s30+$0x3020];
	_ =	sdelay $0x7  }
0xf1: {  	[tilespmem:v7+s15+$0x0] =	vst.idx.add.f32.msk $0xffff, v6  }
0xf2: {  	v7 =	vld [tilespmem:s30+$0x3030];
	_ =	sdelay $0x7  }
0xf3: {  	[tilespmem:v7+s15+$0x0] =	vst.idx.add.f32.msk $0xffff, v6  }
0xf4: {  	v7 =	vld [tilespmem:s30+$0x3040];
	_ =	sdelay $0x7  }
0xf5: {  	[tilespmem:v7+s15+$0x0] =	vst.idx.add.f32.msk $0xffff, v6  }
0xf6: {  	_ =	swait.ge [sflag:s18], $0x2800  }
0xf7: {  	[sflag:s18] =	ssyncset.done $0x0  }
0xf8: {  	s31 =	sadd.s32 $0x1100, s30;
	[sflag:s18] =	ssyncadd.s32 $0xFFFFD800  }
0xf9: {  	[tilespmem:s11], [sflag:$0x2] =	stream.indirect.gather [hbm4b:s0+s8], $0x80, s31, s8, $0xb8;
	[tilespmem:$0x1F380] =	vst v63  }
0xfa: {  	_ =	swait.ge [sflag:s14], $0x2800  }
0xfb: {  	[sflag:s14] =	ssyncset.done $0x0  }
0xfc: {  	s31 =	sadd.s32 $0x3080, s30;
	[sflag:s14] =	ssyncadd.s32 $0xFFFFD800  }
0xfd: {  	[spmem:s3] =	stream.indirect.scatter.add.f32 [tilespmem:s4], [sflag:$0x3], $0x80, s31, s8, $0xb8;
	[tilespmem:$0x1F380] =	vst v63  }
0xfe: {  	v7 =	vld [tilespmem:s30+$0x3080];
	_ =	sdelay $0x7  }
0xff: {  	[tilespmem:v7+s15+$0x0] =	vst.idx.add.f32.msk $0xffff, v6  }
0x100: {  	v7 =	vld [tilespmem:s30+$0x3090];
	_ =	sdelay $0x7  }
0x101: {  	[tilespmem:v7+s15+$0x0] =	vst.idx.add.f32.msk $0xffff, v6  }
0x102: {  	v7 =	vld [tilespmem:s30+$0x30A0];
	_ =	sdelay $0x7  }
0x103: {  	[tilespmem:v7+s15+$0x0] =	vst.idx.add.f32.msk $0xffff, v6  }
0x104: {  	v7 =	vld [tilespmem:s30+$0x30B0];
	_ =	sdelay $0x7  }
0x105: {  	[tilespmem:v7+s15+$0x0] =	vst.idx.add.f32.msk $0xffff, v6  }
0x106: {  	v7 =	vld [tilespmem:s30+$0x30C0];
	_ =	sdelay $0x6  }
0x107: {  	p2 =	sne.s32 s29, $0x2800  }
.Ltmp2:
0x108: {  	[tilespmem:v7+s15+$0x0] =	vst.idx.add.f32.msk $0xffff, v6;
	(pc) =	sbr.rel @p2 .LBB2_6-.Ltmp2, $4  }
0x109: {  	_ =	swait.ge [sflag:s16], $0x2800  }
0x10a: {  	[sflag:s16] =	ssyncset.done $0x0  }
0x10b: {  	s29 =	sadd.s32 $0x400, s29;
	s30 =	sadd.s32 $0x1180, s30;
	[sflag:s16] =	ssyncadd.s32 $0xFFFFD800  }
0x10c: {  	[tilespmem:s4], [sflag:$0x1] =	stream.indirect.gather [hbm4b:s0+s8], $0x80, s30, s8, $0xb8;
	[tilespmem:$0x1F380] =	vst v63  }
0x10d: {  	_ =	swait.ge [sflag:s17], $0x2800  }
0x10e: {  	[sflag:s17] =	ssyncset.done $0x0  }
0x10f: {  	[sflag:s17] =	ssyncadd.s32 $0xFFFFD800  }
0x110: {  	[spmem:s3] =	stream.indirect.scatter.add.f32 [tilespmem:s11], [sflag:$0x4], $0x80, s25, s8, $0xb8;
	[tilespmem:$0x1F380] =	vst v63  }
0x111: {  	v7 =	vld [tilespmem:$0x3B00];
	_ =	sdelay $0x7  }
0x112: {  	[tilespmem:v7+s15+$0x0] =	vst.idx.add.f32.msk $0xffff, v6  }
0x113: {  	v7 =	vld [tilespmem:$0x3B10];
	_ =	sdelay $0x7  }
0x114: {  	[tilespmem:v7+s15+$0x0] =	vst.idx.add.f32.msk $0xffff, v6  }
0x115: {  	v7 =	vld [tilespmem:$0x3B20];
	_ =	sdelay $0x7  }
0x116: {  	[tilespmem:v7+s15+$0x0] =	vst.idx.add.f32.msk $0xffff, v6  }
0x117: {  	v7 =	vld [tilespmem:$0x3B30];
	_ =	sdelay $0x7  }
0x118: {  	[tilespmem:v7+s15+$0x0] =	vst.idx.add.f32.msk $0xffff, v6  }
0x119: {  	v7 =	vld [tilespmem:$0x3B40];
	_ =	sdelay $0x7  }
0x11a: {  	[tilespmem:v7+s15+$0x0] =	vst.idx.add.f32.msk $0xffff, v6  }
0x11b: {  	_ =	swait.ge [sflag:s18], $0x2800  }
0x11c: {  	[sflag:s18] =	ssyncset.done $0x0  }
0x11d: {  	[sflag:s18] =	ssyncadd.s32 $0xFFFFD800  }
0x11e: {  	[tilespmem:s11], [sflag:$0x2] =	stream.indirect.gather [hbm4b:s0+s8], $0x80, s26, s8, $0xb8;
	[tilespmem:$0x1F380] =	vst v63  }
0x11f: {  	_ =	swait.ge [sflag:s14], $0x2800  }
0x120: {  	[sflag:s14] =	ssyncset.done $0x0  }
0x121: {  	[sflag:s14] =	ssyncadd.s32 $0xFFFFD800  }
0x122: {  	[spmem:s3] =	stream.indirect.scatter.add.f32 [tilespmem:s4], [sflag:$0x3], $0x80, s28, s8, $0xb8;
	[tilespmem:$0x1F380] =	vst v63  }
0x123: {  	v7 =	vld [tilespmem:$0x3B80];
	_ =	sdelay $0x7  }
0x124: {  	[tilespmem:v7+s15+$0x0] =	vst.idx.add.f32.msk $0xffff, v6  }
0x125: {  	v7 =	vld [tilespmem:$0x3B90];
	_ =	sdelay $0x7  }
0x126: {  	[tilespmem:v7+s15+$0x0] =	vst.idx.add.f32.msk $0xffff, v6  }
0x127: {  	v7 =	vld [tilespmem:$0x3BA0];
	_ =	sdelay $0x7  }
0x128: {  	[tilespmem:v7+s15+$0x0] =	vst.idx.add.f32.msk $0xffff, v6  }
0x129: {  	v7 =	vld [tilespmem:$0x3BB0];
	_ =	sdelay $0x7  }
0x12a: {  	[tilespmem:v7+s15+$0x0] =	vst.idx.add.f32.msk $0xffff, v6  }
0x12b: {  	v7 =	vld [tilespmem:$0x3BC0];
	_ =	sdelay $0x7  }
0x12c: {  	[tilespmem:v7+s15+$0x0] =	vst.idx.add.f32.msk $0xffff, v6  }
0x12d: {  	_ =	swait.ge [sflag:s17], $0x2800  }
0x12e: {  	[sflag:s17] =	ssyncset.done $0x0  }
0x12f: {  	[sflag:s17] =	ssyncadd.s32 $0xFFFFD800  }
0x130: {  	[spmem:s3] =	stream.indirect.scatter.add.f32 [tilespmem:s11], [sflag:$0x4], $0x80, s13, s8, $0xb8;
	[tilespmem:$0x1F380] =	vst v63  }
0x131: {  	v7 =	vld [tilespmem:$0x3C00];
	_ =	sdelay $0x7  }
0x132: {  	[tilespmem:v7+s15+$0x0] =	vst.idx.add.f32.msk $0xffff, v6  }
0x133: {  	v7 =	vld [tilespmem:$0x3C10];
	_ =	sdelay $0x7  }
0x134: {  	[tilespmem:v7+s15+$0x0] =	vst.idx.add.f32.msk $0xffff, v6  }
0x135: {  	v7 =	vld [tilespmem:$0x3C20];
	_ =	sdelay $0x7  }
0x136: {  	[tilespmem:v7+s15+$0x0] =	vst.idx.add.f32.msk $0xffff, v6  }
0x137: {  	v7 =	vld [tilespmem:$0x3C30];
	_ =	sdelay $0x7  }
0x138: {  	[tilespmem:v7+s15+$0x0] =	vst.idx.add.f32.msk $0xffff, v6  }
0x139: {  	v7 =	vld [tilespmem:$0x3C40];
	_ =	sdelay $0x7  }
0x13a: {  	[tilespmem:v7+s15+$0x0] =	vst.idx.add.f32.msk $0xffff, v6  }
0x13b: {  	_ =	swait.ge [sflag:s23], $0xC80  }
0x13c: {  	[sflag:s23] =	ssyncset.done $0x0  }
0x13d: {  	[sflag:s23] =	ssyncadd.s32 $0xFFFFF380  }
0x13e: {  	_ =	swait.ge [sflag:s23], $0xC80  }
0x13f: {  	[sflag:s23] =	ssyncset.done $0x0  }
0x140: {  	[sflag:s23] =	ssyncadd.s32 $0xFFFFF380  }
0x141: {  	_ =	swait.ge [sflag:s16], $0x2800  }
0x142: {  	[sflag:s16] =	ssyncset.done $0x0  }
0x143: {  	s29 =	simm.s32 $0x0;
	[sflag:s16] =	ssyncadd.s32 $0xFFFFD800  }
0x144: {  	[tilespmem:s4], [sflag:$0x1] =	stream.indirect.gather [hbm4b:s0+s8], $0x80, s29, s8, $0xb8;
	[tilespmem:$0x1F380] =	vst v63  }
0x145: {  	_ =	swait.ge [sflag:s18], $0x2800  }
0x146: {  	[sflag:s18] =	ssyncset.done $0x0  }
0x147: {  	[sflag:s18] =	ssyncadd.s32 $0xFFFFD800  }
0x148: {  	[tilespmem:s11], [sflag:$0x2] =	stream.indirect.gather [hbm4b:s0+s8], $0x80, s9, s8, $0xb8;
	[tilespmem:$0x1F380] =	vst v63  }
0x149: {  	s30 =	rddreg [dreg:$0xc]  }
0x14a: {  	[tilespmem:s12], [sflag:$0x5] =	stream.linear.gather [hbm4b:s30+s29], $0xC80, $0x38;
	[tilespmem:$0x1F380] =	vst v63  }
0x14b: {  	s31 =	simm.s32 $0x3000;
	s30 =	rddreg [dreg:$0xd]  }
0x14c: {  	[tilespmem:s31], [sflag:$0x5] =	stream.linear.gather [hbm4b:s30+s29], $0xC80, $0x38;
	[tilespmem:$0x1F380] =	vst v63  }
.LBB2_8:
0x14d: {  	_ =	swait.ge [sflag:s14], $0x2800  }
0x14e: {  	s30 =	sshra.s32 s29, $0x2;
	[sflag:s14] =	ssyncset.done $0x0  }
0x14f: {  	s31 =	sadd.s32 $0x2000, s30;
	[sflag:s14] =	ssyncadd.s32 $0xFFFFD800  }
0x150: {  	[spmem:s3] =	stream.indirect.scatter.add.f32 [tilespmem:s4], [sflag:$0x3], $0x80, s31, s8, $0xb8;
	[tilespmem:$0x1F380] =	vst v63  }
0x151: {  	v7 =	vld [tilespmem:s30+$0x2000];
	_ =	sdelay $0x7  }
0x152: {  	[tilespmem:v7+s15+$0x0] =	vst.idx.add.f32.msk $0xffff, v6  }
0x153: {  	v7 =	vld [tilespmem:s30+$0x2010];
	_ =	sdelay $0x7  }
0x154: {  	[tilespmem:v7+s15+$0x0] =	vst.idx.add.f32.msk $0xffff, v6  }
0x155: {  	v7 =	vld [tilespmem:s30+$0x2020];
	_ =	sdelay $0x7  }
0x156: {  	[tilespmem:v7+s15+$0x0] =	vst.idx.add.f32.msk $0xffff, v6  }
0x157: {  	v7 =	vld [tilespmem:s30+$0x2030];
	_ =	sdelay $0x7  }
0x158: {  	[tilespmem:v7+s15+$0x0] =	vst.idx.add.f32.msk $0xffff, v6  }
0x159: {  	v7 =	vld [tilespmem:s30+$0x2040];
	_ =	sdelay $0x7  }
0x15a: {  	[tilespmem:v7+s15+$0x0] =	vst.idx.add.f32.msk $0xffff, v6  }
0x15b: {  	_ =	swait.ge [sflag:s16], $0x2800  }
0x15c: {  	[sflag:s16] =	ssyncset.done $0x0  }
0x15d: {  	s31 =	sadd.s32 $0x100, s30;
	[sflag:s16] =	ssyncadd.s32 $0xFFFFD800  }
0x15e: {  	[tilespmem:s4], [sflag:$0x1] =	stream.indirect.gather [hbm4b:s0+s8], $0x80, s31, s8, $0xb8;
	[tilespmem:$0x1F380] =	vst v63  }
0x15f: {  	_ =	swait.ge [sflag:s17], $0x2800  }
0x160: {  	[sflag:s17] =	ssyncset.done $0x0  }
0x161: {  	s31 =	sadd.s32 $0x2080, s30;
	[sflag:s17] =	ssyncadd.s32 $0xFFFFD800  }
0x162: {  	[spmem:s3] =	stream.indirect.scatter.add.f32 [tilespmem:s11], [sflag:$0x4], $0x80, s31, s8, $0xb8;
	[tilespmem:$0x1F380] =	vst v63  }
0x163: {  	v7 =	vld [tilespmem:s30+$0x2080];
	_ =	sdelay $0x7  }
0x164: {  	[tilespmem:v7+s15+$0x0] =	vst.idx.add.f32.msk $0xffff, v6  }
0x165: {  	v7 =	vld [tilespmem:s30+$0x2090];
	_ =	sdelay $0x7  }
0x166: {  	[tilespmem:v7+s15+$0x0] =	vst.idx.add.f32.msk $0xffff, v6  }
0x167: {  	v7 =	vld [tilespmem:s30+$0x20A0];
	_ =	sdelay $0x7  }
0x168: {  	[tilespmem:v7+s15+$0x0] =	vst.idx.add.f32.msk $0xffff, v6  }
0x169: {  	v7 =	vld [tilespmem:s30+$0x20B0];
	_ =	sdelay $0x7  }
0x16a: {  	[tilespmem:v7+s15+$0x0] =	vst.idx.add.f32.msk $0xffff, v6  }
0x16b: {  	v7 =	vld [tilespmem:s30+$0x20C0];
	_ =	sdelay $0x6  }
0x16c: {  	p2 =	sne.s32 s29, $0x2800  }
.Ltmp3:
0x16d: {  	[tilespmem:v7+s15+$0x0] =	vst.idx.add.f32.msk $0xffff, v6;
	(pc) =	sbr.rel @p2 .LBB2_8-.Ltmp3, $4  }
0x16e: {  	_ =	swait.ge [sflag:s18], $0x2800  }
0x16f: {  	[sflag:s18] =	ssyncset.done $0x0  }
0x170: {  	s29 =	sadd.s32 $0x400, s29;
	s30 =	sadd.s32 $0x180, s30;
	[sflag:s18] =	ssyncadd.s32 $0xFFFFD800  }
0x171: {  	[tilespmem:s11], [sflag:$0x2] =	stream.indirect.gather [hbm4b:s0+s8], $0x80, s30, s8, $0xb8;
	[tilespmem:$0x1F380] =	vst v63  }
0x172: {  	_ =	swait.ge [sflag:s14], $0x2800  }
0x173: {  	[sflag:s14] =	ssyncset.done $0x0  }
0x174: {  	[sflag:s14] =	ssyncadd.s32 $0xFFFFD800  }
0x175: {  	[spmem:s3] =	stream.indirect.scatter.add.f32 [tilespmem:s4], [sflag:$0x3], $0x80, s19, s8, $0xb8;
	[tilespmem:$0x1F380] =	vst v63  }
0x176: {  	v7 =	vld [tilespmem:$0x2B00];
	_ =	sdelay $0x7  }
0x177: {  	[tilespmem:v7+s15+$0x0] =	vst.idx.add.f32.msk $0xffff, v6  }
0x178: {  	v7 =	vld [tilespmem:$0x2B10];
	_ =	sdelay $0x7  }
0x179: {  	[tilespmem:v7+s15+$0x0] =	vst.idx.add.f32.msk $0xffff, v6  }
0x17a: {  	v7 =	vld [tilespmem:$0x2B20];
	_ =	sdelay $0x7  }
0x17b: {  	[tilespmem:v7+s15+$0x0] =	vst.idx.add.f32.msk $0xffff, v6  }
0x17c: {  	v7 =	vld [tilespmem:$0x2B30];
	_ =	sdelay $0x7  }
0x17d: {  	[tilespmem:v7+s15+$0x0] =	vst.idx.add.f32.msk $0xffff, v6  }
0x17e: {  	v7 =	vld [tilespmem:$0x2B40];
	_ =	sdelay $0x7  }
0x17f: {  	[tilespmem:v7+s15+$0x0] =	vst.idx.add.f32.msk $0xffff, v6  }
0x180: {  	_ =	swait.ge [sflag:s16], $0x2800  }
0x181: {  	[sflag:s16] =	ssyncset.done $0x0  }
0x182: {  	[sflag:s16] =	ssyncadd.s32 $0xFFFFD800  }
0x183: {  	[tilespmem:s4], [sflag:$0x1] =	stream.indirect.gather [hbm4b:s0+s8], $0x80, s20, s8, $0xb8;
	[tilespmem:$0x1F380] =	vst v63  }
0x184: {  	_ =	swait.ge [sflag:s17], $0x2800  }
0x185: {  	[sflag:s17] =	ssyncset.done $0x0  }
0x186: {  	[sflag:s17] =	ssyncadd.s32 $0xFFFFD800  }
0x187: {  	[spmem:s3] =	stream.indirect.scatter.add.f32 [tilespmem:s11], [sflag:$0x4], $0x80, s21, s8, $0xb8;
	[tilespmem:$0x1F380] =	vst v63  }
0x188: {  	v7 =	vld [tilespmem:$0x2B80];
	_ =	sdelay $0x7  }
0x189: {  	[tilespmem:v7+s15+$0x0] =	vst.idx.add.f32.msk $0xffff, v6  }
0x18a: {  	v7 =	vld [tilespmem:$0x2B90];
	_ =	sdelay $0x7  }
0x18b: {  	[tilespmem:v7+s15+$0x0] =	vst.idx.add.f32.msk $0xffff, v6  }
0x18c: {  	v7 =	vld [tilespmem:$0x2BA0];
	_ =	sdelay $0x7  }
0x18d: {  	[tilespmem:v7+s15+$0x0] =	vst.idx.add.f32.msk $0xffff, v6  }
0x18e: {  	v7 =	vld [tilespmem:$0x2BB0];
	_ =	sdelay $0x7  }
0x18f: {  	[tilespmem:v7+s15+$0x0] =	vst.idx.add.f32.msk $0xffff, v6  }
0x190: {  	v7 =	vld [tilespmem:$0x2BC0];
	_ =	sdelay $0x7  }
0x191: {  	[tilespmem:v7+s15+$0x0] =	vst.idx.add.f32.msk $0xffff, v6  }
0x192: {  	_ =	swait.ge [sflag:s14], $0x2800  }
0x193: {  	[sflag:s14] =	ssyncset.done $0x0  }
0x194: {  	[sflag:s14] =	ssyncadd.s32 $0xFFFFD800  }
0x195: {  	[spmem:s3] =	stream.indirect.scatter.add.f32 [tilespmem:s4], [sflag:$0x3], $0x80, s22, s8, $0xb8;
	[tilespmem:$0x1F380] =	vst v63  }
0x196: {  	v7 =	vld [tilespmem:$0x2C00];
	_ =	sdelay $0x7  }
0x197: {  	[tilespmem:v7+s15+$0x0] =	vst.idx.add.f32.msk $0xffff, v6  }
0x198: {  	v7 =	vld [tilespmem:$0x2C10];
	_ =	sdelay $0x7  }
0x199: {  	[tilespmem:v7+s15+$0x0] =	vst.idx.add.f32.msk $0xffff, v6  }
0x19a: {  	v7 =	vld [tilespmem:$0x2C20];
	_ =	sdelay $0x7  }
0x19b: {  	[tilespmem:v7+s15+$0x0] =	vst.idx.add.f32.msk $0xffff, v6  }
0x19c: {  	v7 =	vld [tilespmem:$0x2C30];
	_ =	sdelay $0x7  }
0x19d: {  	[tilespmem:v7+s15+$0x0] =	vst.idx.add.f32.msk $0xffff, v6  }
0x19e: {  	v7 =	vld [tilespmem:$0x2C40];
	_ =	sdelay $0x7  }
0x19f: {  	[tilespmem:v7+s15+$0x0] =	vst.idx.add.f32.msk $0xffff, v6  }
0x1a0: {  	_ =	swait.ge [sflag:s23], $0xC80  }
0x1a1: {  	[sflag:s23] =	ssyncset.done $0x0  }
0x1a2: {  	[sflag:s23] =	ssyncadd.s32 $0xFFFFF380  }
0x1a3: {  	_ =	swait.ge [sflag:s23], $0xC80  }
0x1a4: {  	[sflag:s23] =	ssyncset.done $0x0  }
0x1a5: {  	[sflag:s23] =	ssyncadd.s32 $0xFFFFF380  }
0x1a6: {  	_ =	swait.ge [sflag:s18], $0x2800  }
0x1a7: {  	[sflag:s18] =	ssyncset.done $0x0  }
0x1a8: {  	[sflag:s18] =	ssyncadd.s32 $0xFFFFD800  }
0x1a9: {  	[tilespmem:s11], [sflag:$0x2] =	stream.indirect.gather [hbm4b:s0+s8], $0x80, s12, s8, $0xb8;
	[tilespmem:$0x1F380] =	vst v63  }
0x1aa: {  	_ =	swait.ge [sflag:s16], $0x2800  }
0x1ab: {  	[sflag:s16] =	ssyncset.done $0x0  }
0x1ac: {  	[sflag:s16] =	ssyncadd.s32 $0xFFFFD800  }
0x1ad: {  	[tilespmem:s4], [sflag:$0x1] =	stream.indirect.gather [hbm4b:s0+s8], $0x80, s24, s8, $0xb8;
	[tilespmem:$0x1F380] =	vst v63  }
0x1ae: {  	s29 =	simm.s32 $0x0;
	s30 =	rddreg [dreg:$0xe]  }
0x1af: {  	[tilespmem:s29], [sflag:$0x5] =	stream.linear.gather [hbm4b:s30+s29], $0xC80, $0x38;
	[tilespmem:$0x1F380] =	vst v63  }
0x1b0: {  	s31 =	rddreg [dreg:$0xf]  }
0x1b1: {  	[tilespmem:s7], [sflag:$0x5] =	stream.linear.gather [hbm4b:s31+s29], $0xC80, $0x38;
	[tilespmem:$0x1F380] =	vst v63  }
.LBB2_10:
0x1b2: {  	_ =	swait.ge [sflag:s17], $0x2800  }
0x1b3: {  	s30 =	sshra.s32 s29, $0x2;
	[sflag:s17] =	ssyncset.done $0x0  }
0x1b4: {  	s31 =	sadd.s32 $0x3000, s30;
	[sflag:s17] =	ssyncadd.s32 $0xFFFFD800  }
0x1b5: {  	[spmem:s3] =	stream.indirect.scatter.add.f32 [tilespmem:s11], [sflag:$0x4], $0x80, s31, s8, $0xb8;
	[tilespmem:$0x1F380] =	vst v63  }
0x1b6: {  	v7 =	vld [tilespmem:s30+$0x3000];
	_ =	sdelay $0x7  }
0x1b7: {  	[tilespmem:v7+s15+$0x0] =	vst.idx.add.f32.msk $0xffff, v6  }
0x1b8: {  	v7 =	vld [tilespmem:s30+$0x3010];
	_ =	sdelay $0x7  }
0x1b9: {  	[tilespmem:v7+s15+$0x0] =	vst.idx.add.f32.msk $0xffff, v6  }
0x1ba: {  	v7 =	vld [tilespmem:s30+$0x3020];
	_ =	sdelay $0x7  }
0x1bb: {  	[tilespmem:v7+s15+$0x0] =	vst.idx.add.f32.msk $0xffff, v6  }
0x1bc: {  	v7 =	vld [tilespmem:s30+$0x3030];
	_ =	sdelay $0x7  }
0x1bd: {  	[tilespmem:v7+s15+$0x0] =	vst.idx.add.f32.msk $0xffff, v6  }
0x1be: {  	v7 =	vld [tilespmem:s30+$0x3040];
	_ =	sdelay $0x7  }
0x1bf: {  	[tilespmem:v7+s15+$0x0] =	vst.idx.add.f32.msk $0xffff, v6  }
0x1c0: {  	_ =	swait.ge [sflag:s18], $0x2800  }
0x1c1: {  	[sflag:s18] =	ssyncset.done $0x0  }
0x1c2: {  	s31 =	sadd.s32 $0x1100, s30;
	[sflag:s18] =	ssyncadd.s32 $0xFFFFD800  }
0x1c3: {  	[tilespmem:s11], [sflag:$0x2] =	stream.indirect.gather [hbm4b:s0+s8], $0x80, s31, s8, $0xb8;
	[tilespmem:$0x1F380] =	vst v63  }
0x1c4: {  	_ =	swait.ge [sflag:s14], $0x2800  }
0x1c5: {  	[sflag:s14] =	ssyncset.done $0x0  }
0x1c6: {  	s31 =	sadd.s32 $0x3080, s30;
	[sflag:s14] =	ssyncadd.s32 $0xFFFFD800  }
0x1c7: {  	[spmem:s3] =	stream.indirect.scatter.add.f32 [tilespmem:s4], [sflag:$0x3], $0x80, s31, s8, $0xb8;
	[tilespmem:$0x1F380] =	vst v63  }
0x1c8: {  	v7 =	vld [tilespmem:s30+$0x3080];
	_ =	sdelay $0x7  }
0x1c9: {  	[tilespmem:v7+s15+$0x0] =	vst.idx.add.f32.msk $0xffff, v6  }
0x1ca: {  	v7 =	vld [tilespmem:s30+$0x3090];
	_ =	sdelay $0x7  }
0x1cb: {  	[tilespmem:v7+s15+$0x0] =	vst.idx.add.f32.msk $0xffff, v6  }
0x1cc: {  	v7 =	vld [tilespmem:s30+$0x30A0];
	_ =	sdelay $0x7  }
0x1cd: {  	[tilespmem:v7+s15+$0x0] =	vst.idx.add.f32.msk $0xffff, v6  }
0x1ce: {  	v7 =	vld [tilespmem:s30+$0x30B0];
	_ =	sdelay $0x7  }
0x1cf: {  	[tilespmem:v7+s15+$0x0] =	vst.idx.add.f32.msk $0xffff, v6  }
0x1d0: {  	v7 =	vld [tilespmem:s30+$0x30C0];
	_ =	sdelay $0x6  }
0x1d1: {  	p2 =	sne.s32 s29, $0x2800  }
.Ltmp4:
0x1d2: {  	[tilespmem:v7+s15+$0x0] =	vst.idx.add.f32.msk $0xffff, v6;
	(pc) =	sbr.rel @p2 .LBB2_10-.Ltmp4, $4  }
0x1d3: {  	_ =	swait.ge [sflag:s16], $0x2800  }
0x1d4: {  	[sflag:s16] =	ssyncset.done $0x0  }
0x1d5: {  	s29 =	sadd.s32 $0x400, s29;
	s30 =	sadd.s32 $0x1180, s30;
	[sflag:s16] =	ssyncadd.s32 $0xFFFFD800  }
0x1d6: {  	[tilespmem:s4], [sflag:$0x1] =	stream.indirect.gather [hbm4b:s0+s8], $0x80, s30, s8, $0xb8;
	[tilespmem:$0x1F380] =	vst v63  }
0x1d7: {  	_ =	swait.ge [sflag:s17], $0x2800  }
0x1d8: {  	[sflag:s17] =	ssyncset.done $0x0  }
0x1d9: {  	[sflag:s17] =	ssyncadd.s32 $0xFFFFD800  }
0x1da: {  	[spmem:s3] =	stream.indirect.scatter.add.f32 [tilespmem:s11], [sflag:$0x4], $0x80, s25, s8, $0xb8;
	[tilespmem:$0x1F380] =	vst v63  }
0x1db: {  	v7 =	vld [tilespmem:$0x3B00];
	_ =	sdelay $0x7  }
0x1dc: {  	[tilespmem:v7+s15+$0x0] =	vst.idx.add.f32.msk $0xffff, v6  }
0x1dd: {  	v7 =	vld [tilespmem:$0x3B10];
	_ =	sdelay $0x7  }
0x1de: {  	[tilespmem:v7+s15+$0x0] =	vst.idx.add.f32.msk $0xffff, v6  }
0x1df: {  	v7 =	vld [tilespmem:$0x3B20];
	_ =	sdelay $0x7  }
0x1e0: {  	[tilespmem:v7+s15+$0x0] =	vst.idx.add.f32.msk $0xffff, v6  }
0x1e1: {  	v7 =	vld [tilespmem:$0x3B30];
	_ =	sdelay $0x7  }
0x1e2: {  	[tilespmem:v7+s15+$0x0] =	vst.idx.add.f32.msk $0xffff, v6  }
0x1e3: {  	v7 =	vld [tilespmem:$0x3B40];
	_ =	sdelay $0x7  }
0x1e4: {  	[tilespmem:v7+s15+$0x0] =	vst.idx.add.f32.msk $0xffff, v6  }
0x1e5: {  	_ =	swait.ge [sflag:s18], $0x2800  }
0x1e6: {  	[sflag:s18] =	ssyncset.done $0x0  }
0x1e7: {  	[sflag:s18] =	ssyncadd.s32 $0xFFFFD800  }
0x1e8: {  	[tilespmem:s11], [sflag:$0x2] =	stream.indirect.gather [hbm4b:s0+s8], $0x80, s26, s8, $0xb8;
	[tilespmem:$0x1F380] =	vst v63  }
0x1e9: {  	_ =	swait.ge [sflag:s14], $0x2800  }
0x1ea: {  	[sflag:s14] =	ssyncset.done $0x0  }
0x1eb: {  	[sflag:s14] =	ssyncadd.s32 $0xFFFFD800  }
0x1ec: {  	[spmem:s3] =	stream.indirect.scatter.add.f32 [tilespmem:s4], [sflag:$0x3], $0x80, s28, s8, $0xb8;
	[tilespmem:$0x1F380] =	vst v63  }
0x1ed: {  	v7 =	vld [tilespmem:$0x3B80];
	_ =	sdelay $0x7  }
0x1ee: {  	[tilespmem:v7+s15+$0x0] =	vst.idx.add.f32.msk $0xffff, v6  }
0x1ef: {  	v7 =	vld [tilespmem:$0x3B90];
	_ =	sdelay $0x7  }
0x1f0: {  	[tilespmem:v7+s15+$0x0] =	vst.idx.add.f32.msk $0xffff, v6  }
0x1f1: {  	v7 =	vld [tilespmem:$0x3BA0];
	_ =	sdelay $0x7  }
0x1f2: {  	[tilespmem:v7+s15+$0x0] =	vst.idx.add.f32.msk $0xffff, v6  }
0x1f3: {  	v7 =	vld [tilespmem:$0x3BB0];
	_ =	sdelay $0x7  }
0x1f4: {  	[tilespmem:v7+s15+$0x0] =	vst.idx.add.f32.msk $0xffff, v6  }
0x1f5: {  	v7 =	vld [tilespmem:$0x3BC0];
	_ =	sdelay $0x7  }
0x1f6: {  	[tilespmem:v7+s15+$0x0] =	vst.idx.add.f32.msk $0xffff, v6  }
0x1f7: {  	_ =	swait.ge [sflag:s17], $0x2800  }
0x1f8: {  	[sflag:s17] =	ssyncset.done $0x0  }
0x1f9: {  	[sflag:s17] =	ssyncadd.s32 $0xFFFFD800  }
0x1fa: {  	[spmem:s3] =	stream.indirect.scatter.add.f32 [tilespmem:s11], [sflag:$0x4], $0x80, s13, s8, $0xb8;
	[tilespmem:$0x1F380] =	vst v63  }
0x1fb: {  	v7 =	vld [tilespmem:$0x3C00];
	_ =	sdelay $0x7  }
0x1fc: {  	[tilespmem:v7+s15+$0x0] =	vst.idx.add.f32.msk $0xffff, v6  }
0x1fd: {  	v7 =	vld [tilespmem:$0x3C10];
	_ =	sdelay $0x7  }
0x1fe: {  	[tilespmem:v7+s15+$0x0] =	vst.idx.add.f32.msk $0xffff, v6  }
0x1ff: {  	v7 =	vld [tilespmem:$0x3C20];
	_ =	sdelay $0x7  }
0x200: {  	[tilespmem:v7+s15+$0x0] =	vst.idx.add.f32.msk $0xffff, v6  }
0x201: {  	v7 =	vld [tilespmem:$0x3C30];
	_ =	sdelay $0x7  }
0x202: {  	[tilespmem:v7+s15+$0x0] =	vst.idx.add.f32.msk $0xffff, v6  }
0x203: {  	v7 =	vld [tilespmem:$0x3C40];
	_ =	sdelay $0x7  }
0x204: {  	[tilespmem:v7+s15+$0x0] =	vst.idx.add.f32.msk $0xffff, v6  }
0x205: {  	_ =	swait.ge [sflag:s23], $0xC80  }
0x206: {  	[sflag:s23] =	ssyncset.done $0x0  }
0x207: {  	[sflag:s23] =	ssyncadd.s32 $0xFFFFF380  }
0x208: {  	_ =	swait.ge [sflag:s23], $0xC80  }
0x209: {  	[sflag:s23] =	ssyncset.done $0x0  }
0x20a: {  	[sflag:s23] =	ssyncadd.s32 $0xFFFFF380  }
0x20b: {  	_ =	swait.ge [sflag:s16], $0x2800  }
0x20c: {  	[sflag:s16] =	ssyncset.done $0x0  }
0x20d: {  	s29 =	simm.s32 $0x0;
	[sflag:s16] =	ssyncadd.s32 $0xFFFFD800  }
0x20e: {  	[tilespmem:s4], [sflag:$0x1] =	stream.indirect.gather [hbm4b:s0+s8], $0x80, s29, s8, $0xb8;
	[tilespmem:$0x1F380] =	vst v63  }
0x20f: {  	_ =	swait.ge [sflag:s18], $0x2800  }
0x210: {  	[sflag:s18] =	ssyncset.done $0x0  }
0x211: {  	[sflag:s18] =	ssyncadd.s32 $0xFFFFD800  }
0x212: {  	[tilespmem:s11], [sflag:$0x2] =	stream.indirect.gather [hbm4b:s0+s8], $0x80, s9, s8, $0xb8;
	[tilespmem:$0x1F380] =	vst v63  }
.LBB2_12:
0x213: {  	_ =	swait.ge [sflag:s14], $0x2800  }
0x214: {  	s30 =	sshra.s32 s29, $0x2;
	[sflag:s14] =	ssyncset.done $0x0  }
0x215: {  	s31 =	sadd.s32 $0x2000, s30;
	[sflag:s14] =	ssyncadd.s32 $0xFFFFD800  }
0x216: {  	[spmem:s3] =	stream.indirect.scatter.add.f32 [tilespmem:s4], [sflag:$0x3], $0x80, s31, s8, $0xb8;
	[tilespmem:$0x1F380] =	vst v63  }
0x217: {  	v7 =	vld [tilespmem:s30+$0x2000];
	_ =	sdelay $0x7  }
0x218: {  	[tilespmem:v7+s15+$0x0] =	vst.idx.add.f32.msk $0xffff, v6  }
0x219: {  	v7 =	vld [tilespmem:s30+$0x2010];
	_ =	sdelay $0x7  }
0x21a: {  	[tilespmem:v7+s15+$0x0] =	vst.idx.add.f32.msk $0xffff, v6  }
0x21b: {  	v7 =	vld [tilespmem:s30+$0x2020];
	_ =	sdelay $0x7  }
0x21c: {  	[tilespmem:v7+s15+$0x0] =	vst.idx.add.f32.msk $0xffff, v6  }
0x21d: {  	v7 =	vld [tilespmem:s30+$0x2030];
	_ =	sdelay $0x7  }
0x21e: {  	[tilespmem:v7+s15+$0x0] =	vst.idx.add.f32.msk $0xffff, v6  }
0x21f: {  	v7 =	vld [tilespmem:s30+$0x2040];
	_ =	sdelay $0x7  }
0x220: {  	[tilespmem:v7+s15+$0x0] =	vst.idx.add.f32.msk $0xffff, v6  }
0x221: {  	_ =	swait.ge [sflag:s16], $0x2800  }
0x222: {  	[sflag:s16] =	ssyncset.done $0x0  }
0x223: {  	s31 =	sadd.s32 $0x100, s30;
	[sflag:s16] =	ssyncadd.s32 $0xFFFFD800  }
0x224: {  	[tilespmem:s4], [sflag:$0x1] =	stream.indirect.gather [hbm4b:s0+s8], $0x80, s31, s8, $0xb8;
	[tilespmem:$0x1F380] =	vst v63  }
0x225: {  	_ =	swait.ge [sflag:s17], $0x2800  }
0x226: {  	[sflag:s17] =	ssyncset.done $0x0  }
0x227: {  	s31 =	sadd.s32 $0x2080, s30;
	[sflag:s17] =	ssyncadd.s32 $0xFFFFD800  }
0x228: {  	[spmem:s3] =	stream.indirect.scatter.add.f32 [tilespmem:s11], [sflag:$0x4], $0x80, s31, s8, $0xb8;
	[tilespmem:$0x1F380] =	vst v63  }
0x229: {  	v7 =	vld [tilespmem:s30+$0x2080];
	_ =	sdelay $0x7  }
0x22a: {  	[tilespmem:v7+s15+$0x0] =	vst.idx.add.f32.msk $0xffff, v6  }
0x22b: {  	v7 =	vld [tilespmem:s30+$0x2090];
	_ =	sdelay $0x7  }
0x22c: {  	[tilespmem:v7+s15+$0x0] =	vst.idx.add.f32.msk $0xffff, v6  }
0x22d: {  	v7 =	vld [tilespmem:s30+$0x20A0];
	_ =	sdelay $0x7  }
0x22e: {  	[tilespmem:v7+s15+$0x0] =	vst.idx.add.f32.msk $0xffff, v6  }
0x22f: {  	v7 =	vld [tilespmem:s30+$0x20B0];
	_ =	sdelay $0x7  }
0x230: {  	[tilespmem:v7+s15+$0x0] =	vst.idx.add.f32.msk $0xffff, v6  }
0x231: {  	v7 =	vld [tilespmem:s30+$0x20C0];
	_ =	sdelay $0x6  }
0x232: {  	p2 =	sne.s32 s29, $0x2800  }
.Ltmp5:
0x233: {  	[tilespmem:v7+s15+$0x0] =	vst.idx.add.f32.msk $0xffff, v6;
	(pc) =	sbr.rel @p2 .LBB2_12-.Ltmp5, $4  }
0x234: {  	_ =	swait.ge [sflag:s18], $0x2800  }
0x235: {  	[sflag:s18] =	ssyncset.done $0x0  }
0x236: {  	s29 =	sadd.s32 $0x400, s29;
	s30 =	sadd.s32 $0x180, s30;
	[sflag:s18] =	ssyncadd.s32 $0xFFFFD800  }
0x237: {  	[tilespmem:s11], [sflag:$0x2] =	stream.indirect.gather [hbm4b:s0+s8], $0x80, s30, s8, $0xb8;
	[tilespmem:$0x1F380] =	vst v63  }
0x238: {  	_ =	swait.ge [sflag:s14], $0x2800  }
0x239: {  	[sflag:s14] =	ssyncset.done $0x0  }
0x23a: {  	[sflag:s14] =	ssyncadd.s32 $0xFFFFD800  }
0x23b: {  	[spmem:s3] =	stream.indirect.scatter.add.f32 [tilespmem:s4], [sflag:$0x3], $0x80, s19, s8, $0xb8;
	[tilespmem:$0x1F380] =	vst v63  }
0x23c: {  	v7 =	vld [tilespmem:$0x2B00];
	_ =	sdelay $0x7  }
0x23d: {  	[tilespmem:v7+s15+$0x0] =	vst.idx.add.f32.msk $0xffff, v6  }
0x23e: {  	v7 =	vld [tilespmem:$0x2B10];
	_ =	sdelay $0x7  }
0x23f: {  	[tilespmem:v7+s15+$0x0] =	vst.idx.add.f32.msk $0xffff, v6  }
0x240: {  	v7 =	vld [tilespmem:$0x2B20];
	_ =	sdelay $0x7  }
0x241: {  	[tilespmem:v7+s15+$0x0] =	vst.idx.add.f32.msk $0xffff, v6  }
0x242: {  	v7 =	vld [tilespmem:$0x2B30];
	_ =	sdelay $0x7  }
0x243: {  	[tilespmem:v7+s15+$0x0] =	vst.idx.add.f32.msk $0xffff, v6  }
0x244: {  	v7 =	vld [tilespmem:$0x2B40];
	_ =	sdelay $0x7  }
0x245: {  	[tilespmem:v7+s15+$0x0] =	vst.idx.add.f32.msk $0xffff, v6  }
0x246: {  	_ =	swait.ge [sflag:s16], $0x2800  }
0x247: {  	[sflag:s16] =	ssyncset.done $0x0  }
0x248: {  	[sflag:s16] =	ssyncadd.s32 $0xFFFFD800  }
0x249: {  	[tilespmem:s4], [sflag:$0x1] =	stream.indirect.gather [hbm4b:s0+s8], $0x80, s20, s8, $0xb8;
	[tilespmem:$0x1F380] =	vst v63  }
0x24a: {  	_ =	swait.ge [sflag:s17], $0x2800  }
0x24b: {  	[sflag:s17] =	ssyncset.done $0x0  }
0x24c: {  	[sflag:s17] =	ssyncadd.s32 $0xFFFFD800  }
0x24d: {  	[spmem:s3] =	stream.indirect.scatter.add.f32 [tilespmem:s11], [sflag:$0x4], $0x80, s21, s8, $0xb8;
	[tilespmem:$0x1F380] =	vst v63  }
0x24e: {  	v7 =	vld [tilespmem:$0x2B80];
	_ =	sdelay $0x7  }
0x24f: {  	[tilespmem:v7+s15+$0x0] =	vst.idx.add.f32.msk $0xffff, v6  }
0x250: {  	v7 =	vld [tilespmem:$0x2B90];
	_ =	sdelay $0x7  }
0x251: {  	[tilespmem:v7+s15+$0x0] =	vst.idx.add.f32.msk $0xffff, v6  }
0x252: {  	v7 =	vld [tilespmem:$0x2BA0];
	_ =	sdelay $0x7  }
0x253: {  	[tilespmem:v7+s15+$0x0] =	vst.idx.add.f32.msk $0xffff, v6  }
0x254: {  	v7 =	vld [tilespmem:$0x2BB0];
	_ =	sdelay $0x7  }
0x255: {  	[tilespmem:v7+s15+$0x0] =	vst.idx.add.f32.msk $0xffff, v6  }
0x256: {  	v7 =	vld [tilespmem:$0x2BC0];
	_ =	sdelay $0x7  }
0x257: {  	[tilespmem:v7+s15+$0x0] =	vst.idx.add.f32.msk $0xffff, v6  }
0x258: {  	_ =	swait.ge [sflag:s14], $0x2800  }
0x259: {  	[sflag:s14] =	ssyncset.done $0x0  }
0x25a: {  	[sflag:s14] =	ssyncadd.s32 $0xFFFFD800  }
0x25b: {  	[spmem:s3] =	stream.indirect.scatter.add.f32 [tilespmem:s4], [sflag:$0x3], $0x80, s22, s8, $0xb8;
	[tilespmem:$0x1F380] =	vst v63  }
0x25c: {  	v7 =	vld [tilespmem:$0x2C00];
	_ =	sdelay $0x7  }
0x25d: {  	[tilespmem:v7+s15+$0x0] =	vst.idx.add.f32.msk $0xffff, v6  }
0x25e: {  	v7 =	vld [tilespmem:$0x2C10];
	_ =	sdelay $0x7  }
0x25f: {  	[tilespmem:v7+s15+$0x0] =	vst.idx.add.f32.msk $0xffff, v6  }
0x260: {  	v7 =	vld [tilespmem:$0x2C20];
	_ =	sdelay $0x7  }
0x261: {  	[tilespmem:v7+s15+$0x0] =	vst.idx.add.f32.msk $0xffff, v6  }
0x262: {  	v7 =	vld [tilespmem:$0x2C30];
	_ =	sdelay $0x7  }
0x263: {  	[tilespmem:v7+s15+$0x0] =	vst.idx.add.f32.msk $0xffff, v6  }
0x264: {  	v7 =	vld [tilespmem:$0x2C40];
	_ =	sdelay $0x7  }
0x265: {  	[tilespmem:v7+s15+$0x0] =	vst.idx.add.f32.msk $0xffff, v6  }
0x266: {  	_ =	swait.ge [sflag:s16], $0x2800  }
0x267: {  	[sflag:s16] =	ssyncset.done $0x0  }
0x268: {  	[sflag:s16] =	ssyncadd.s32 $0xFFFFD800  }
0x269: {  	_ =	swait.ge [sflag:s18], $0x2800  }
0x26a: {  	[sflag:s18] =	ssyncset.done $0x0  }
0x26b: {  	[sflag:s18] =	ssyncadd.s32 $0xFFFFD800  }
0x26c: {  	s30 =	simm.s32 $0xB800;
	s29 =	rddreg [dreg:$0x3]  }
0x26d: {  	[spmem:s29] =	stream.indirect.scatter.add.f32 [tilespmem:s15], [sflag:$0x6], $0x80, s30, s8, $0xb8;
	[tilespmem:$0x1F380] =	vst v63  }
0x26e: {  	_ =	swait.ge [sflag:s2], $0x2800  }
0x26f: {  	[sflag:s2] =	ssyncset.done $0x0  }
0x270: {  	[sflag:s2] =	ssyncadd.s32 $0xFFFFD800  }
0x271: {  	s30 =	stileid.u32;
	[bflag:$0x0] =	sbarrier.arrive $0xFFFF  }
0x272: {  	s29 =	sshll.u32 s30, $0x6;
	s30 =	rddreg [dreg:$0x10]  }
0x273: {  	s29 =	sor.u32 $0x1C06, s29;
	s31 =	rddreg [dreg:$0x14]  }
0x274: {  	[hbm:s30], [sflag:s29] =	dma.local [spmem:s31], $0x2700  }
0x275: {  	_ =	swait.ge [sflag:s2], $0x2700  }
0x276: {  	[sflag:s2] =	ssyncset.done $0x0;
	s30 =	rddreg [dreg:$0x11]  }
0x277: {  	s31 =	rddreg [dreg:$0x15];
	[sflag:s2] =	ssyncadd.s32 $0xFFFFD900  }
0x278: {  	[hbm:s30], [sflag:s29] =	dma.local @!p1 [spmem:s31], $0x80  }
0x279: {  	s30 =	simm.s32 @!p1 $0x6  }
0x27a: {  	_ =	swait.ge @!p1 [sflag:s30], $0x80  }
0x27b: {  	[sflag:s30] =	ssyncset.done @!p1 $0x0;
	s31 =	rddreg [dreg:$0x16]  }
0x27c: {  	[sflag:s30] =	ssyncadd.s32 @!p1 $0xFFFFFF80;
	s30 =	rddreg [dreg:$0x12]  }
0x27d: {  	[hbm:s30], [sflag:s29] =	dma.local @!p0 [spmem:s31], $0x100  }
0x27e: {  	s29 =	simm.s32 @!p0 $0x6  }
0x27f: {  	_ =	swait.ge @!p0 [sflag:s29], $0x100  }
0x280: {  	s5 =	sadd.s32 $0x1, s5;
	s31 =	rddreg [dreg:$0x13]  }
0x281: {  	p2 =	sne.s32 s5, s31  }
.Ltmp6:
0x282: {  	_ = 	snop;
	(pc) =	sbr.rel @p2 .LBB2_1-.Ltmp6, $3  }
0x283: {  	_ =	sdelay $0x1  }
0x284: {  	[sflag:s29] =	ssyncset.done @!p0 $0x0  }
0x285: {  	[sflag:s29] =	ssyncadd.s32 @!p0 $0xFFFFFF00  }
0x286: {  	_ =	sfence.sel $0x180000  }
0x287: {  	[bflag:$0x0] =	sbarrier.arrive $0xFFFF  }
0x288: {  	_ =	strace $0x90000047  }
0x289: {  	s0 =	stileid.u32;
	[bflag:$0x2] =	sbarrier.arrive $0xFFFF  }
0x28a: {  	p0 =	sne.s32 s0, $0x0;
	s0 =	rddreg [dreg:$0x4]  }
0x28b: {  	s0 =	sadd.s32 @!p0 $0x100000, s0  }
0x28c: {  	[sflag:s0] =	ssyncadd.tile.s32 @!p0 $0x1;
	_ =	shalt  }
.Lfunc_end2:
_tile_overlayer_lowered:
.L_overlay_start_2:
0x28d: {  	(tag) =	ssettag $0x2  }
0x28e: {  	s0 =	rddreg [dreg:$0x0];
	s2 =	stileid.u32  }
0x28f: {  	s1 =	rddreg [dreg:$0x1];
	p0 =	sne.s32 s2, $0x0  }
0x290: {  	s3 =	rddreg [dreg:$0x2];
	[bflag:$0x3] =	sbarrier.arrive $0xFFFF;
	s2 =	simm.s32 @!p0 $0x1C06  }
0x291: {  	[timem:s3], [sflag:s2] =	dma.local @!p0 [hbm:s0], s1  }
0x292: {  	s0 =	simm.s32 @!p0 $0x6  }
0x293: {  	_ =	swait.ge @!p0 [sflag:s0], s1  }
0x294: {  	s1 =	ssub.s32 @!p0 $0x0, s1;
	[sflag:s0] =	ssyncset.done @!p0 $0x0  }
0x295: {  	[sflag:s0] =	ssyncadd.s32 @!p0 s1  }
0x296: {  	[bflag:$0x3] =	sbarrier.arrive $0xFFFF  }
0x297: {  	_ =	shalt  }

</sc_bundles>
